<compile_context>
chip_gen: v7x
topology: tpu7x:2x2x1
jax: 0.10.2.dev20260603
libtpu: 0.0.44.dev20260713+nightly
codegen_flags: <defaults>
</compile_context>

<pallas_src>
import functools

import jax
import jax.numpy as jnp
from jax import lax
from jax.experimental import pallas as pl
from jax.experimental.pallas import tpu as pltpu
from jax.experimental.pallas import tpu_sc as plsc

_NB = 4


def _sc_deg(dstp, zeros1, NP, CPT):
    mesh = plsc.VectorSubcoreMesh(core_axis_name="c", subcore_axis_name="s")
    half = CPT // 2

    @functools.partial(
        pl.kernel,
        mesh=mesh,
        out_type=jax.ShapeDtypeStruct((2 * NP,), jnp.float32),
        scratch_types=[
            pltpu.VMEM((CPT, 128), jnp.int32),
            pltpu.VMEM((128,), jnp.float32),
            pltpu.VMEM((NP // 16,), jnp.float32),
            pltpu.VMEM_SHARED((NP,), jnp.float32),
        ],
        compiler_params=pltpu.CompilerParams(use_tc_tiling_on_sc=False),
    )
    def k(dstp_hbm, z_hbm, out_hbm, dst_v, ones_v, wb_v, acc_sh):
        c = lax.axis_index("c")
        s = lax.axis_index("s")

        @pl.when(s == 0)
        def _():
            pltpu.sync_copy(z_hbm, acc_sh)

        pltpu.sync_copy(dstp_hbm.at[s], dst_v)
        for i in range(8):
            ones_v[pl.ds(i * 16, 16)] = jnp.ones((16,), jnp.float32)
        plsc.subcore_barrier()
        lo = c * half

        def body(j, carry):
            pltpu.sync_copy(ones_v, acc_sh.at[dst_v.at[lo + j]], add=True)
            return carry

        lax.fori_loop(0, half, body, 0)
        plsc.subcore_barrier()
        pt = NP // 16
        pltpu.sync_copy(acc_sh.at[pl.ds(s * pt, pt)], wb_v)
        pltpu.sync_copy(wb_v, out_hbm.at[pl.ds(c * NP + s * pt, pt)])

    return k(dstp, zeros1).reshape(2, NP)


def _sc_scatter_feat(table, srcp2, dstp, zeros, D, NP, CPT):
    mesh = plsc.VectorSubcoreMesh(core_axis_name="c", subcore_axis_name="s")

    @functools.partial(
        pl.kernel,
        mesh=mesh,
        out_type=jax.ShapeDtypeStruct((2, NP, D), jnp.float32),
        scratch_types=[
            pltpu.VMEM((CPT, 128), jnp.int32),
            pltpu.VMEM((CPT, 128), jnp.int32),
            [pltpu.VMEM((128, D), jnp.float32) for _ in range(_NB)],
            pltpu.VMEM_SHARED((NP, D), jnp.float32),
            [pltpu.SemaphoreType.DMA for _ in range(_NB)],
        ],
        compiler_params=pltpu.CompilerParams(use_tc_tiling_on_sc=False),
    )
    def k(t_hbm, srcp_hbm, dstp_hbm, z_hbm, out_hbm, src_v, dst_v, rows, acc_sh, sems):
        c = lax.axis_index("c")
        s = lax.axis_index("s")
        wid = c * 16 + s

        @pl.when(s == 0)
        def _():
            pltpu.sync_copy(z_hbm, acc_sh)

        pltpu.sync_copy(srcp_hbm.at[wid], src_v)
        pltpu.sync_copy(dstp_hbm.at[s], dst_v)
        plsc.subcore_barrier()

        for b in range(_NB):
            pltpu.async_copy(t_hbm.at[src_v.at[b]], rows[b], sems[b])

        def outer(jo, carry):
            j0 = jo * _NB
            for b in range(_NB):
                j = j0 + b
                pltpu.make_async_copy(t_hbm.at[src_v.at[j]], rows[b], sems[b]).wait()
                pltpu.sync_copy(rows[b], acc_sh.at[dst_v.at[j]], add=True)
                pltpu.async_copy(t_hbm.at[src_v.at[j + _NB]], rows[b], sems[b])
            return carry

        lax.fori_loop(0, CPT // _NB - 1, outer, 0)
        for b in range(_NB):
            j = CPT - _NB + b
            pltpu.make_async_copy(t_hbm.at[src_v.at[j]], rows[b], sems[b]).wait()
            pltpu.sync_copy(rows[b], acc_sh.at[dst_v.at[j]], add=True)
        plsc.subcore_barrier()
        pt = NP // 16
        nchunk = -(-pt // 128)
        for t in range(nchunk):
            nrows = min(128, pt - t * 128)
            base = s * pt + t * 128
            pltpu.sync_copy(acc_sh.at[pl.ds(base, nrows)], rows[0].at[pl.ds(0, nrows)])
            pltpu.sync_copy(rows[0].at[pl.ds(0, nrows)], out_hbm.at[c, pl.ds(base, nrows)])

    return k(table, srcp2, dstp, zeros)


def _sc_scatter_edge(table, srcp, dstp, zeros, D, NP, CPT):
    mesh = plsc.VectorSubcoreMesh(core_axis_name="c", subcore_axis_name="s")
    half = CPT // 2
    NCH = NP // 128

    @functools.partial(
        pl.kernel,
        mesh=mesh,
        out_type=jax.ShapeDtypeStruct((2, NP, D), jnp.float32),
        scratch_types=[
            pltpu.VMEM((CPT, 128), jnp.int32),
            pltpu.VMEM((CPT, 128), jnp.int32),
            [pltpu.VMEM((128, D), jnp.float32) for _ in range(_NB)],
            pltpu.VMEM_SHARED((NP, D), jnp.float32),
            pltpu.VMEM_SHARED((NP, D), jnp.float32),
            [pltpu.SemaphoreType.DMA for _ in range(_NB)],
        ],
        compiler_params=pltpu.CompilerParams(use_tc_tiling_on_sc=False),
    )
    def k(t_hbm, srcp_hbm, dstp_hbm, z_hbm, out_hbm, src_v, dst_v, rows, y_sh,
          acc_sh, sems):
        c = lax.axis_index("c")
        s = lax.axis_index("s")

        pltpu.sync_copy(z_hbm, rows[1])
        pltpu.sync_copy(srcp_hbm.at[s], src_v)
        pltpu.sync_copy(dstp_hbm.at[s], dst_v)
        for t in range(-(-NCH // 16)):
            ch = t * 16 + s

            @pl.when(ch < NCH)
            def _():
                pltpu.sync_copy(t_hbm.at[pl.ds(ch * 128, 128)], rows[0])
                pltpu.sync_copy(rows[0], y_sh.at[pl.ds(ch * 128, 128)])
                pltpu.sync_copy(rows[1], acc_sh.at[pl.ds(ch * 128, 128)])

        plsc.subcore_barrier()
        lo = c * half

        for b in range(_NB):
            pltpu.async_copy(y_sh.at[src_v.at[lo + b]], rows[b], sems[b])

        def outer(jo, carry):
            j0 = jo * _NB
            for b in range(_NB):
                j = lo + j0 + b
                pltpu.make_async_copy(y_sh.at[src_v.at[j]], rows[b], sems[b]).wait()
                pltpu.sync_copy(rows[b], acc_sh.at[dst_v.at[j]], add=True)
                pltpu.async_copy(y_sh.at[src_v.at[j + _NB]], rows[b], sems[b])
            return carry

        lax.fori_loop(0, half // _NB - 1, outer, 0)
        for b in range(_NB):
            j = lo + half - _NB + b
            pltpu.make_async_copy(y_sh.at[src_v.at[j]], rows[b], sems[b]).wait()
            pltpu.sync_copy(rows[b], acc_sh.at[dst_v.at[j]], add=True)
        plsc.subcore_barrier()
        pt = NP // 16
        nchunk = -(-pt // 128)
        for t in range(nchunk):
            nrows = min(128, pt - t * 128)
            base = s * pt + t * 128
            pltpu.sync_copy(acc_sh.at[pl.ds(base, nrows)], rows[0].at[pl.ds(0, nrows)])
            pltpu.sync_copy(rows[0].at[pl.ds(0, nrows)], out_hbm.at[c, pl.ds(base, nrows)])

    return k(table, srcp, dstp, zeros)


def _p2_body(x_ref, w_ref, d0_ref, d1_ref, y_ref, dinv_ref):
    deg = d0_ref[...] + d1_ref[...] + 1.0
    dinv = lax.rsqrt(deg)
    xw = jnp.dot(x_ref[...], w_ref[0], preferred_element_type=jnp.float32)
    y_ref[...] = xw * dinv
    dinv_ref[...] = dinv


def _p4_body(p_ref, y0_ref, y1_ref, dinv_ref, b1_ref, w2_ref, y2_ref):
    z = jnp.concatenate([p_ref[0] + y0_ref[...], p_ref[1] + y1_ref[...]], axis=1)
    z = z * dinv_ref[...] + b1_ref[...]
    h = jnp.maximum(z, 0.0)
    y2_ref[...] = jnp.dot(h, w2_ref[...], preferred_element_type=jnp.float32) * dinv_ref[...]


def _p6_body(q_ref, y2_ref, dinv_ref, b2_ref, o_ref):
    o_ref[...] = (q_ref[0] + q_ref[1] + y2_ref[...]) * dinv_ref[...] + b2_ref[...]


def kernel(x, edge_index, W1, b1, W2, b2):
    f32 = jnp.float32
    N, F = x.shape
    H = W1.shape[1]
    HH = H // 2
    C = W2.shape[1]
    E = edge_index.shape[1]
    EPT = -(-E // 16)
    CPT = -(-EPT // 128)
    CPT = -(-CPT // (2 * _NB)) * (2 * _NB)
    NP = -(-(N + 1) // 128) * 128
    C16 = 16
    BN = 512
    G = -(-N // BN)
    NG = G * BN

    pad = CPT * 128 - EPT
    src = edge_index[0].astype(jnp.int32).reshape(16, EPT)
    dst = edge_index[1].astype(jnp.int32).reshape(16, EPT)
    srcp = jnp.pad(src, ((0, 0), (0, pad))).reshape(16, CPT, 128)
    dstp = jnp.pad(dst, ((0, 0), (0, pad)), constant_values=N).reshape(16, CPT, 128)
    srcp2 = jnp.concatenate([srcp, srcp + NG], axis=0)

    degp = _sc_deg(dstp, jnp.zeros((NP,), f32), NP, CPT)
    d0 = degp[0, :N, None]
    d1 = degp[1, :N, None]

    y_flat, dinv = pl.pallas_call(
        _p2_body,
        grid=(2, G),
        in_specs=[
            pl.BlockSpec((BN, F), lambda h, i: (i, 0)),
            pl.BlockSpec((1, F, HH), lambda h, i: (h, 0, 0)),
            pl.BlockSpec((BN, 1), lambda h, i: (i, 0)),
            pl.BlockSpec((BN, 1), lambda h, i: (i, 0)),
        ],
        out_specs=[
            pl.BlockSpec((BN, HH), lambda h, i: (h * G + i, 0)),
            pl.BlockSpec((BN, 1), lambda h, i: (i, 0)),
        ],
        out_shape=[
            jax.ShapeDtypeStruct((2 * NG, HH), f32),
            jax.ShapeDtypeStruct((N, 1), f32),
        ],
    )(x, jnp.stack([W1[:, :HH], W1[:, HH:]]), d0, d1)

    parts1 = _sc_scatter_feat(y_flat, srcp2, dstp, jnp.zeros((NP, HH), f32), HH, NP, CPT)

    W2p = jnp.zeros((H, C16), f32).at[:, :C].set(W2)
    y2 = pl.pallas_call(
        _p4_body,
        grid=(G,),
        in_specs=[
            pl.BlockSpec((2, BN, HH), lambda i: (0, i, 0)),
            pl.BlockSpec((BN, HH), lambda i: (i, 0)),
            pl.BlockSpec((BN, HH), lambda i: (G + i, 0)),
            pl.BlockSpec((BN, 1), lambda i: (i, 0)),
            pl.BlockSpec((1, H), lambda i: (0, 0)),
            pl.BlockSpec((H, C16), lambda i: (0, 0)),
        ],
        out_specs=pl.BlockSpec((BN, C16), lambda i: (i, 0)),
        out_shape=jax.ShapeDtypeStruct((N, C16), f32),
    )(parts1, y_flat, y_flat, dinv, b1.reshape(1, H), W2p)

    y2p = jnp.pad(y2, ((0, NP - N), (0, 0)))
    parts2 = _sc_scatter_edge(y2p, srcp, dstp, jnp.zeros((128, C16), f32), C16, NP, CPT)

    b2p = jnp.zeros((1, C16), f32).at[0, :C].set(b2)
    out16 = pl.pallas_call(
        _p6_body,
        grid=(G,),
        in_specs=[
            pl.BlockSpec((2, BN, C16), lambda i: (0, i, 0)),
            pl.BlockSpec((BN, C16), lambda i: (i, 0)),
            pl.BlockSpec((BN, 1), lambda i: (i, 0)),
            pl.BlockSpec((1, C16), lambda i: (0, 0)),
        ],
        out_specs=pl.BlockSpec((BN, C16), lambda i: (i, 0)),
        out_shape=jax.ShapeDtypeStruct((N, C16), f32),
    )(parts2, y2, dinv, b2p)

    return out16[:, :C]

# --- scband reference (transcript-rebuilt; emitter-appended) ---
"""Pipeline reference for scband-gcn-9689446219915 (READ-ONLY COPY).

The authoritative reference and input builder live on the scoring server;
editing this copy changes nothing except your own understanding.
"""

import jax, jax.numpy as jnp
import numpy as np

N = 10000
E = 320000
F_IN = 128
HIDDEN = 128
C = 7


def gcn_conv(x, src, dst, W, b):
    n = x.shape[0]
    xw = x @ W
    deg = jnp.zeros((n,), dtype=x.dtype).at[dst].add(1.0)
    dinv = jax.lax.rsqrt(jnp.maximum(deg, 1.0))
    norm = dinv[src] * dinv[dst]
    msg = xw[src] * norm[:, None]
    out = jnp.zeros((n, W.shape[1]), dtype=x.dtype).at[dst].add(msg)
    return out + b


def setup_inputs(seed: int = 0):
    key = jax.random.key(seed)
    k1, k2, k3, k4, k5, k6 = jax.random.split(key, 6)
    x = jax.random.normal(k1, (N, F_IN), dtype=jnp.float32)
    edge_index = jax.random.randint(k2, (2, E), 0, N)
    W1 = jax.random.normal(k3, (F_IN, HIDDEN), dtype=jnp.float32) * (1.0 / np.sqrt(F_IN))
    b1 = jnp.zeros((HIDDEN,), dtype=jnp.float32)
    W2 = jax.random.normal(k4, (HIDDEN, C), dtype=jnp.float32) * (1.0 / np.sqrt(HIDDEN))
    b2 = jnp.zeros((C,), dtype=jnp.float32)
    return {"x": x, "edge_index": edge_index, "W1": W1, "b1": b1, "W2": W2, "b2": b2}


def reference(x, edge_index, W1, b1, W2, b2):
    n = x.shape[0]
    loop = jnp.arange(n, dtype=edge_index.dtype)
    src = jnp.concatenate([edge_index[0], loop])
    dst = jnp.concatenate([edge_index[1], loop])
    h = gcn_conv(x, src, dst, W1, b1)
    h = jax.nn.relu(h)
    out = gcn_conv(h, src, dst, W2, b2)
    return out

if __name__ == "__main__":
    import jax
    _d = setup_inputs()
    print(jax.jit(kernel)(*tuple(_d.values())))

</pallas_src>

<mosaic_0001>
#map = affine_map<(d0, d1) -> (0, 0)>
#map1 = affine_map<(d0, d1) -> (0, 0, 0)>
module attributes {stable_mosaic.version = 14 : i64} {
  func.func @k(%arg0: i32, %arg1: i32, %arg2: memref<10112x16xf32, #tpu.memory_space<hbm>>, %arg3: memref<16x160x128xi32, #tpu.memory_space<hbm>>, %arg4: memref<16x160x128xi32, #tpu.memory_space<hbm>>, %arg5: memref<128x16xf32, #tpu.memory_space<hbm>>, %arg6: memref<2x10112x16xf32, #tpu.memory_space<hbm>>, %arg7: memref<160x128xi32, #tpu.memory_space<vmem>>, %arg8: memref<160x128xi32, #tpu.memory_space<vmem>>, %arg9: memref<128x16xf32, #tpu.memory_space<vmem>>, %arg10: memref<128x16xf32, #tpu.memory_space<vmem>>, %arg11: memref<128x16xf32, #tpu.memory_space<vmem>>, %arg12: memref<128x16xf32, #tpu.memory_space<vmem>>, %arg13: memref<10112x16xf32, #tpu.memory_space<vmem_shared>>, %arg14: memref<10112x16xf32, #tpu.memory_space<vmem_shared>>, %arg15: memref<!tpu.dma_semaphore, #tpu.memory_space<semaphore_mem>>, %arg16: memref<!tpu.dma_semaphore, #tpu.memory_space<semaphore_mem>>, %arg17: memref<!tpu.dma_semaphore, #tpu.memory_space<semaphore_mem>>, %arg18: memref<!tpu.dma_semaphore, #tpu.memory_space<semaphore_mem>>) attributes {dimension_semantics = [#tpu.dimension_semantics<core_parallel>, #tpu.dimension_semantics<subcore_parallel>], iteration_bounds = array<i64: 2, 16>, scalar_prefetch = 0 : i64, scratch_operands = 12 : i64, tpu.core_type = #tpu.core_type<sc_vector_subcore>, window_params = [{transform_indices = #map}, {transform_indices = #map1}, {transform_indices = #map1}, {transform_indices = #map}, {transform_indices = #map1}]} {
    "tpu.region"() ({
      %run_scoped3A = tpu.sem_alloc : memref<!tpu.dma_semaphore, #tpu.memory_space<semaphore_mem>>
      tpu.enqueue_dma source(%arg5 : memref<128x16xf32, #tpu.memory_space<hbm>>) target(%arg10 : memref<128x16xf32, #tpu.memory_space<vmem>>) target_semaphore(%run_scoped3A : memref<!tpu.dma_semaphore, #tpu.memory_space<semaphore_mem>>)
      tpu.wait_dma2 semaphore(%run_scoped3A : memref<!tpu.dma_semaphore, #tpu.memory_space<semaphore_mem>>) src(%arg5 : memref<128x16xf32, #tpu.memory_space<hbm>>) dst(%arg10 : memref<128x16xf32, #tpu.memory_space<vmem>>)
      tpu.yield
    }) : () -> ()
    "tpu.region"() ({
      %run_scoped3A = tpu.sem_alloc : memref<!tpu.dma_semaphore, #tpu.memory_space<semaphore_mem>>
      %dma_start3A_135 = arith.constant 0 : i32
      %dma_start3A_136 = arith.constant 0 : i32
      %dma_start3A_137 = tpu.memref_slice %arg3[%arg1, %dma_start3A_135, %dma_start3A_136] : memref<16x160x128xi32, #tpu.memory_space<hbm>> -> memref<1x160x128xi32, #tpu.memory_space<hbm>>
      %dma_start3A_138 = tpu.memref_squeeze %dma_start3A_137 : memref<1x160x128xi32, #tpu.memory_space<hbm>> -> memref<160x128xi32, #tpu.memory_space<hbm>>
      %dma_start3A_139 = arith.constant 0 : i32
      %dma_start3A_140 = arith.constant 0 : i32
      %dma_start3A_141 = tpu.memref_slice %arg3[%arg1, %dma_start3A_139, %dma_start3A_140] : memref<16x160x128xi32, #tpu.memory_space<hbm>> -> memref<1x160x128xi32, #tpu.memory_space<hbm>>
      %dma_start3A_142 = tpu.memref_squeeze %dma_start3A_141 : memref<1x160x128xi32, #tpu.memory_space<hbm>> -> memref<160x128xi32, #tpu.memory_space<hbm>>
      tpu.enqueue_dma source(%dma_start3A_142 : memref<160x128xi32, #tpu.memory_space<hbm>>) target(%arg7 : memref<160x128xi32, #tpu.memory_space<vmem>>) target_semaphore(%run_scoped3A : memref<!tpu.dma_semaphore, #tpu.memory_space<semaphore_mem>>)
      %dma_wait3A_143 = arith.constant 0 : i32
      %dma_wait3A_144 = arith.constant 0 : i32
      %dma_wait3A_145 = tpu.memref_slice %arg3[%arg1, %dma_wait3A_143, %dma_wait3A_144] : memref<16x160x128xi32, #tpu.memory_space<hbm>> -> memref<1x160x128xi32, #tpu.memory_space<hbm>>
      %dma_wait3A_146 = tpu.memref_squeeze %dma_wait3A_145 : memref<1x160x128xi32, #tpu.memory_space<hbm>> -> memref<160x128xi32, #tpu.memory_space<hbm>>
      %dma_wait3A_147 = arith.constant 0 : i32
      %dma_wait3A_148 = arith.constant 0 : i32
      %dma_wait3A_149 = tpu.memref_slice %arg3[%arg1, %dma_wait3A_147, %dma_wait3A_148] : memref<16x160x128xi32, #tpu.memory_space<hbm>> -> memref<1x160x128xi32, #tpu.memory_space<hbm>>
      %dma_wait3A_150 = tpu.memref_squeeze %dma_wait3A_149 : memref<1x160x128xi32, #tpu.memory_space<hbm>> -> memref<160x128xi32, #tpu.memory_space<hbm>>
      tpu.wait_dma2 semaphore(%run_scoped3A : memref<!tpu.dma_semaphore, #tpu.memory_space<semaphore_mem>>) src(%dma_wait3A_150 : memref<160x128xi32, #tpu.memory_space<hbm>>) dst(%arg7 : memref<160x128xi32, #tpu.memory_space<vmem>>)
      tpu.yield
    }) : () -> ()
    "tpu.region"() ({
      %run_scoped3A = tpu.sem_alloc : memref<!tpu.dma_semaphore, #tpu.memory_space<semaphore_mem>>
      %dma_start3A_135 = arith.constant 0 : i32
      %dma_start3A_136 = arith.constant 0 : i32
      %dma_start3A_137 = tpu.memref_slice %arg4[%arg1, %dma_start3A_135, %dma_start3A_136] : memref<16x160x128xi32, #tpu.memory_space<hbm>> -> memref<1x160x128xi32, #tpu.memory_space<hbm>>
      %dma_start3A_138 = tpu.memref_squeeze %dma_start3A_137 : memref<1x160x128xi32, #tpu.memory_space<hbm>> -> memref<160x128xi32, #tpu.memory_space<hbm>>
      %dma_start3A_139 = arith.constant 0 : i32
      %dma_start3A_140 = arith.constant 0 : i32
      %dma_start3A_141 = tpu.memref_slice %arg4[%arg1, %dma_start3A_139, %dma_start3A_140] : memref<16x160x128xi32, #tpu.memory_space<hbm>> -> memref<1x160x128xi32, #tpu.memory_space<hbm>>
      %dma_start3A_142 = tpu.memref_squeeze %dma_start3A_141 : memref<1x160x128xi32, #tpu.memory_space<hbm>> -> memref<160x128xi32, #tpu.memory_space<hbm>>
      tpu.enqueue_dma source(%dma_start3A_142 : memref<160x128xi32, #tpu.memory_space<hbm>>) target(%arg8 : memref<160x128xi32, #tpu.memory_space<vmem>>) target_semaphore(%run_scoped3A : memref<!tpu.dma_semaphore, #tpu.memory_space<semaphore_mem>>)
      %dma_wait3A_143 = arith.constant 0 : i32
      %dma_wait3A_144 = arith.constant 0 : i32
      %dma_wait3A_145 = tpu.memref_slice %arg4[%arg1, %dma_wait3A_143, %dma_wait3A_144] : memref<16x160x128xi32, #tpu.memory_space<hbm>> -> memref<1x160x128xi32, #tpu.memory_space<hbm>>
      %dma_wait3A_146 = tpu.memref_squeeze %dma_wait3A_145 : memref<1x160x128xi32, #tpu.memory_space<hbm>> -> memref<160x128xi32, #tpu.memory_space<hbm>>
      %dma_wait3A_147 = arith.constant 0 : i32
      %dma_wait3A_148 = arith.constant 0 : i32
      %dma_wait3A_149 = tpu.memref_slice %arg4[%arg1, %dma_wait3A_147, %dma_wait3A_148] : memref<16x160x128xi32, #tpu.memory_space<hbm>> -> memref<1x160x128xi32, #tpu.memory_space<hbm>>
      %dma_wait3A_150 = tpu.memref_squeeze %dma_wait3A_149 : memref<1x160x128xi32, #tpu.memory_space<hbm>> -> memref<160x128xi32, #tpu.memory_space<hbm>>
      tpu.wait_dma2 semaphore(%run_scoped3A : memref<!tpu.dma_semaphore, #tpu.memory_space<semaphore_mem>>) src(%dma_wait3A_150 : memref<160x128xi32, #tpu.memory_space<hbm>>) dst(%arg8 : memref<160x128xi32, #tpu.memory_space<vmem>>)
      tpu.yield
    }) : () -> ()
    %add3A = arith.constant 0 : i32
    %add3A_0 = arith.addi %add3A, %arg1 : i32
    %lt3A = arith.constant 79 : i32
    %lt3A_1 = arith.cmpi slt, %add3A_0, %lt3A : i32
    %convert_element_type3A = arith.extui %lt3A_1 : i1 to i32
    %cond3A = arith.constant 0 : i32
    %cond3A_2 = arith.cmpi ne, %convert_element_type3A, %cond3A : i32
    scf.if %cond3A_2 {
      %mul3A_135 = arith.constant 128 : i32
      %mul3A_136 = arith.muli %add3A_0, %mul3A_135 : i32
      "tpu.region"() ({
        %run_scoped3A = tpu.sem_alloc : memref<!tpu.dma_semaphore, #tpu.memory_space<semaphore_mem>>
        %dma_start3A_141 = arith.constant 0 : i32
        %dma_start3A_142 = tpu.memref_slice %arg2[%mul3A_136, %dma_start3A_141] : memref<10112x16xf32, #tpu.memory_space<hbm>> -> memref<128x16xf32, #tpu.memory_space<hbm>>
        %dma_start3A_143 = arith.constant 0 : i32
        %dma_start3A_144 = tpu.memref_slice %arg2[%mul3A_136, %dma_start3A_143] : memref<10112x16xf32, #tpu.memory_space<hbm>> -> memref<128x16xf32, #tpu.memory_space<hbm>>
        tpu.enqueue_dma source(%dma_start3A_144 : memref<128x16xf32, #tpu.memory_space<hbm>>) target(%arg9 : memref<128x16xf32, #tpu.memory_space<vmem>>) target_semaphore(%run_scoped3A : memref<!tpu.dma_semaphore, #tpu.memory_space<semaphore_mem>>)
        %dma_wait3A_145 = arith.constant 0 : i32
        %dma_wait3A_146 = tpu.memref_slice %arg2[%mul3A_136, %dma_wait3A_145] : memref<10112x16xf32, #tpu.memory_space<hbm>> -> memref<128x16xf32, #tpu.memory_space<hbm>>
        %dma_wait3A_147 = arith.constant 0 : i32
        %dma_wait3A_148 = tpu.memref_slice %arg2[%mul3A_136, %dma_wait3A_147] : memref<10112x16xf32, #tpu.memory_space<hbm>> -> memref<128x16xf32, #tpu.memory_space<hbm>>
        tpu.wait_dma2 semaphore(%run_scoped3A : memref<!tpu.dma_semaphore, #tpu.memory_space<semaphore_mem>>) src(%dma_wait3A_148 : memref<128x16xf32, #tpu.memory_space<hbm>>) dst(%arg9 : memref<128x16xf32, #tpu.memory_space<vmem>>)
        tpu.yield
      }) : () -> ()
      %mul3A_137 = arith.constant 128 : i32
      %mul3A_138 = arith.muli %add3A_0, %mul3A_137 : i32
      "tpu.region"() ({
        %run_scoped3A = tpu.sem_alloc : memref<!tpu.dma_semaphore, #tpu.memory_space<semaphore_mem>>
        %dma_start3A_141 = arith.constant 0 : i32
        %dma_start3A_142 = tpu.memref_slice %arg13[%mul3A_138, %dma_start3A_141] : memref<10112x16xf32, #tpu.memory_space<vmem_shared>> -> memref<128x16xf32, #tpu.memory_space<vmem_shared>>
        %dma_start3A_143 = arith.constant 0 : i32
        %dma_start3A_144 = tpu.memref_slice %arg13[%mul3A_138, %dma_start3A_143] : memref<10112x16xf32, #tpu.memory_space<vmem_shared>> -> memref<128x16xf32, #tpu.memory_space<vmem_shared>>
        tpu.enqueue_dma source(%arg9 : memref<128x16xf32, #tpu.memory_space<vmem>>) target(%dma_start3A_144 : memref<128x16xf32, #tpu.memory_space<vmem_shared>>) target_semaphore(%run_scoped3A : memref<!tpu.dma_semaphore, #tpu.memory_space<semaphore_mem>>)
        %dma_wait3A_145 = arith.constant 0 : i32
        %dma_wait3A_146 = tpu.memref_slice %arg13[%mul3A_138, %dma_wait3A_145] : memref<10112x16xf32, #tpu.memory_space<vmem_shared>> -> memref<128x16xf32, #tpu.memory_space<vmem_shared>>
        %dma_wait3A_147 = arith.constant 0 : i32
        %dma_wait3A_148 = tpu.memref_slice %arg13[%mul3A_138, %dma_wait3A_147] : memref<10112x16xf32, #tpu.memory_space<vmem_shared>> -> memref<128x16xf32, #tpu.memory_space<vmem_shared>>
        tpu.wait_dma2 semaphore(%run_scoped3A : memref<!tpu.dma_semaphore, #tpu.memory_space<semaphore_mem>>) src(%arg9 : memref<128x16xf32, #tpu.memory_space<vmem>>) dst(%dma_wait3A_148 : memref<128x16xf32, #tpu.memory_space<vmem_shared>>)
        tpu.yield
      }) : () -> ()
      %mul3A_139 = arith.constant 128 : i32
      %mul3A_140 = arith.muli %add3A_0, %mul3A_139 : i32
      "tpu.region"() ({
        %run_scoped3A = tpu.sem_alloc : memref<!tpu.dma_semaphore, #tpu.memory_space<semaphore_mem>>
        %dma_start3A_141 = arith.constant 0 : i32
        %dma_start3A_142 = tpu.memref_slice %arg14[%mul3A_140, %dma_start3A_141] : memref<10112x16xf32, #tpu.memory_space<vmem_shared>> -> memref<128x16xf32, #tpu.memory_space<vmem_shared>>
        %dma_start3A_143 = arith.constant 0 : i32
        %dma_start3A_144 = tpu.memref_slice %arg14[%mul3A_140, %dma_start3A_143] : memref<10112x16xf32, #tpu.memory_space<vmem_shared>> -> memref<128x16xf32, #tpu.memory_space<vmem_shared>>
        tpu.enqueue_dma source(%arg10 : memref<128x16xf32, #tpu.memory_space<vmem>>) target(%dma_start3A_144 : memref<128x16xf32, #tpu.memory_space<vmem_shared>>) target_semaphore(%run_scoped3A : memref<!tpu.dma_semaphore, #tpu.memory_space<semaphore_mem>>)
        %dma_wait3A_145 = arith.constant 0 : i32
        %dma_wait3A_146 = tpu.memref_slice %arg14[%mul3A_140, %dma_wait3A_145] : memref<10112x16xf32, #tpu.memory_space<vmem_shared>> -> memref<128x16xf32, #tpu.memory_space<vmem_shared>>
        %dma_wait3A_147 = arith.constant 0 : i32
        %dma_wait3A_148 = tpu.memref_slice %arg14[%mul3A_140, %dma_wait3A_147] : memref<10112x16xf32, #tpu.memory_space<vmem_shared>> -> memref<128x16xf32, #tpu.memory_space<vmem_shared>>
        tpu.wait_dma2 semaphore(%run_scoped3A : memref<!tpu.dma_semaphore, #tpu.memory_space<semaphore_mem>>) src(%arg10 : memref<128x16xf32, #tpu.memory_space<vmem>>) dst(%dma_wait3A_148 : memref<128x16xf32, #tpu.memory_space<vmem_shared>>)
        tpu.yield
      }) : () -> ()
    } else {
    }
    %add3A_3 = arith.constant 16 : i32
    %add3A_4 = arith.addi %add3A_3, %arg1 : i32
    %lt3A_5 = arith.constant 79 : i32
    %lt3A_6 = arith.cmpi slt, %add3A_4, %lt3A_5 : i32
    %convert_element_type3A_7 = arith.extui %lt3A_6 : i1 to i32
    %cond3A_8 = arith.constant 0 : i32
    %cond3A_9 = arith.cmpi ne, %convert_element_type3A_7, %cond3A_8 : i32
    scf.if %cond3A_9 {
      %mul3A_135 = arith.constant 128 : i32
      %mul3A_136 = arith.muli %add3A_4, %mul3A_135 : i32
      "tpu.region"() ({
        %run_scoped3A = tpu.sem_alloc : memref<!tpu.dma_semaphore, #tpu.memory_space<semaphore_mem>>
        %dma_start3A_141 = arith.constant 0 : i32
        %dma_start3A_142 = tpu.memref_slice %arg2[%mul3A_136, %dma_start3A_141] : memref<10112x16xf32, #tpu.memory_space<hbm>> -> memref<128x16xf32, #tpu.memory_space<hbm>>
        %dma_start3A_143 = arith.constant 0 : i32
        %dma_start3A_144 = tpu.memref_slice %arg2[%mul3A_136, %dma_start3A_143] : memref<10112x16xf32, #tpu.memory_space<hbm>> -> memref<128x16xf32, #tpu.memory_space<hbm>>
        tpu.enqueue_dma source(%dma_start3A_144 : memref<128x16xf32, #tpu.memory_space<hbm>>) target(%arg9 : memref<128x16xf32, #tpu.memory_space<vmem>>) target_semaphore(%run_scoped3A : memref<!tpu.dma_semaphore, #tpu.memory_space<semaphore_mem>>)
        %dma_wait3A_145 = arith.constant 0 : i32
        %dma_wait3A_146 = tpu.memref_slice %arg2[%mul3A_136, %dma_wait3A_145] : memref<10112x16xf32, #tpu.memory_space<hbm>> -> memref<128x16xf32, #tpu.memory_space<hbm>>
        %dma_wait3A_147 = arith.constant 0 : i32
        %dma_wait3A_148 = tpu.memref_slice %arg2[%mul3A_136, %dma_wait3A_147] : memref<10112x16xf32, #tpu.memory_space<hbm>> -> memref<128x16xf32, #tpu.memory_space<hbm>>
        tpu.wait_dma2 semaphore(%run_scoped3A : memref<!tpu.dma_semaphore, #tpu.memory_space<semaphore_mem>>) src(%dma_wait3A_148 : memref<128x16xf32, #tpu.memory_space<hbm>>) dst(%arg9 : memref<128x16xf32, #tpu.memory_space<vmem>>)
        tpu.yield
      }) : () -> ()
      %mul3A_137 = arith.constant 128 : i32
      %mul3A_138 = arith.muli %add3A_4, %mul3A_137 : i32
      "tpu.region"() ({
        %run_scoped3A = tpu.sem_alloc : memref<!tpu.dma_semaphore, #tpu.memory_space<semaphore_mem>>
        %dma_start3A_141 = arith.constant 0 : i32
        %dma_start3A_142 = tpu.memref_slice %arg13[%mul3A_138, %dma_start3A_141] : memref<10112x16xf32, #tpu.memory_space<vmem_shared>> -> memref<128x16xf32, #tpu.memory_space<vmem_shared>>
        %dma_start3A_143 = arith.constant 0 : i32
        %dma_start3A_144 = tpu.memref_slice %arg13[%mul3A_138, %dma_start3A_143] : memref<10112x16xf32, #tpu.memory_space<vmem_shared>> -> memref<128x16xf32, #tpu.memory_space<vmem_shared>>
        tpu.enqueue_dma source(%arg9 : memref<128x16xf32, #tpu.memory_space<vmem>>) target(%dma_start3A_144 : memref<128x16xf32, #tpu.memory_space<vmem_shared>>) target_semaphore(%run_scoped3A : memref<!tpu.dma_semaphore, #tpu.memory_space<semaphore_mem>>)
        %dma_wait3A_145 = arith.constant 0 : i32
        %dma_wait3A_146 = tpu.memref_slice %arg13[%mul3A_138, %dma_wait3A_145] : memref<10112x16xf32, #tpu.memory_space<vmem_shared>> -> memref<128x16xf32, #tpu.memory_space<vmem_shared>>
        %dma_wait3A_147 = arith.constant 0 : i32
        %dma_wait3A_148 = tpu.memref_slice %arg13[%mul3A_138, %dma_wait3A_147] : memref<10112x16xf32, #tpu.memory_space<vmem_shared>> -> memref<128x16xf32, #tpu.memory_space<vmem_shared>>
        tpu.wait_dma2 semaphore(%run_scoped3A : memref<!tpu.dma_semaphore, #tpu.memory_space<semaphore_mem>>) src(%arg9 : memref<128x16xf32, #tpu.memory_space<vmem>>) dst(%dma_wait3A_148 : memref<128x16xf32, #tpu.memory_space<vmem_shared>>)
        tpu.yield
      }) : () -> ()
      %mul3A_139 = arith.constant 128 : i32
      %mul3A_140 = arith.muli %add3A_4, %mul3A_139 : i32
      "tpu.region"() ({
        %run_scoped3A = tpu.sem_alloc : memref<!tpu.dma_semaphore, #tpu.memory_space<semaphore_mem>>
        %dma_start3A_141 = arith.constant 0 : i32
        %dma_start3A_142 = tpu.memref_slice %arg14[%mul3A_140, %dma_start3A_141] : memref<10112x16xf32, #tpu.memory_space<vmem_shared>> -> memref<128x16xf32, #tpu.memory_space<vmem_shared>>
        %dma_start3A_143 = arith.constant 0 : i32
        %dma_start3A_144 = tpu.memref_slice %arg14[%mul3A_140, %dma_start3A_143] : memref<10112x16xf32, #tpu.memory_space<vmem_shared>> -> memref<128x16xf32, #tpu.memory_space<vmem_shared>>
        tpu.enqueue_dma source(%arg10 : memref<128x16xf32, #tpu.memory_space<vmem>>) target(%dma_start3A_144 : memref<128x16xf32, #tpu.memory_space<vmem_shared>>) target_semaphore(%run_scoped3A : memref<!tpu.dma_semaphore, #tpu.memory_space<semaphore_mem>>)
        %dma_wait3A_145 = arith.constant 0 : i32
        %dma_wait3A_146 = tpu.memref_slice %arg14[%mul3A_140, %dma_wait3A_145] : memref<10112x16xf32, #tpu.memory_space<vmem_shared>> -> memref<128x16xf32, #tpu.memory_space<vmem_shared>>
        %dma_wait3A_147 = arith.constant 0 : i32
        %dma_wait3A_148 = tpu.memref_slice %arg14[%mul3A_140, %dma_wait3A_147] : memref<10112x16xf32, #tpu.memory_space<vmem_shared>> -> memref<128x16xf32, #tpu.memory_space<vmem_shared>>
        tpu.wait_dma2 semaphore(%run_scoped3A : memref<!tpu.dma_semaphore, #tpu.memory_space<semaphore_mem>>) src(%arg10 : memref<128x16xf32, #tpu.memory_space<vmem>>) dst(%dma_wait3A_148 : memref<128x16xf32, #tpu.memory_space<vmem_shared>>)
        tpu.yield
      }) : () -> ()
    } else {
    }
    %add3A_10 = arith.constant 32 : i32
    %add3A_11 = arith.addi %add3A_10, %arg1 : i32
    %lt3A_12 = arith.constant 79 : i32
    %lt3A_13 = arith.cmpi slt, %add3A_11, %lt3A_12 : i32
    %convert_element_type3A_14 = arith.extui %lt3A_13 : i1 to i32
    %cond3A_15 = arith.constant 0 : i32
    %cond3A_16 = arith.cmpi ne, %convert_element_type3A_14, %cond3A_15 : i32
    scf.if %cond3A_16 {
      %mul3A_135 = arith.constant 128 : i32
      %mul3A_136 = arith.muli %add3A_11, %mul3A_135 : i32
      "tpu.region"() ({
        %run_scoped3A = tpu.sem_alloc : memref<!tpu.dma_semaphore, #tpu.memory_space<semaphore_mem>>
        %dma_start3A_141 = arith.constant 0 : i32
        %dma_start3A_142 = tpu.memref_slice %arg2[%mul3A_136, %dma_start3A_141] : memref<10112x16xf32, #tpu.memory_space<hbm>> -> memref<128x16xf32, #tpu.memory_space<hbm>>
        %dma_start3A_143 = arith.constant 0 : i32
        %dma_start3A_144 = tpu.memref_slice %arg2[%mul3A_136, %dma_start3A_143] : memref<10112x16xf32, #tpu.memory_space<hbm>> -> memref<128x16xf32, #tpu.memory_space<hbm>>
        tpu.enqueue_dma source(%dma_start3A_144 : memref<128x16xf32, #tpu.memory_space<hbm>>) target(%arg9 : memref<128x16xf32, #tpu.memory_space<vmem>>) target_semaphore(%run_scoped3A : memref<!tpu.dma_semaphore, #tpu.memory_space<semaphore_mem>>)
        %dma_wait3A_145 = arith.constant 0 : i32
        %dma_wait3A_146 = tpu.memref_slice %arg2[%mul3A_136, %dma_wait3A_145] : memref<10112x16xf32, #tpu.memory_space<hbm>> -> memref<128x16xf32, #tpu.memory_space<hbm>>
        %dma_wait3A_147 = arith.constant 0 : i32
        %dma_wait3A_148 = tpu.memref_slice %arg2[%mul3A_136, %dma_wait3A_147] : memref<10112x16xf32, #tpu.memory_space<hbm>> -> memref<128x16xf32, #tpu.memory_space<hbm>>
        tpu.wait_dma2 semaphore(%run_scoped3A : memref<!tpu.dma_semaphore, #tpu.memory_space<semaphore_mem>>) src(%dma_wait3A_148 : memref<128x16xf32, #tpu.memory_space<hbm>>) dst(%arg9 : memref<128x16xf32, #tpu.memory_space<vmem>>)
        tpu.yield
      }) : () -> ()
      %mul3A_137 = arith.constant 128 : i32
      %mul3A_138 = arith.muli %add3A_11, %mul3A_137 : i32
      "tpu.region"() ({
        %run_scoped3A = tpu.sem_alloc : memref<!tpu.dma_semaphore, #tpu.memory_space<semaphore_mem>>
        %dma_start3A_141 = arith.constant 0 : i32
        %dma_start3A_142 = tpu.memref_slice %arg13[%mul3A_138, %dma_start3A_141] : memref<10112x16xf32, #tpu.memory_space<vmem_shared>> -> memref<128x16xf32, #tpu.memory_space<vmem_shared>>
        %dma_start3A_143 = arith.constant 0 : i32
        %dma_start3A_144 = tpu.memref_slice %arg13[%mul3A_138, %dma_start3A_143] : memref<10112x16xf32, #tpu.memory_space<vmem_shared>> -> memref<128x16xf32, #tpu.memory_space<vmem_shared>>
        tpu.enqueue_dma source(%arg9 : memref<128x16xf32, #tpu.memory_space<vmem>>) target(%dma_start3A_144 : memref<128x16xf32, #tpu.memory_space<vmem_shared>>) target_semaphore(%run_scoped3A : memref<!tpu.dma_semaphore, #tpu.memory_space<semaphore_mem>>)
        %dma_wait3A_145 = arith.constant 0 : i32
        %dma_wait3A_146 = tpu.memref_slice %arg13[%mul3A_138, %dma_wait3A_145] : memref<10112x16xf32, #tpu.memory_space<vmem_shared>> -> memref<128x16xf32, #tpu.memory_space<vmem_shared>>
        %dma_wait3A_147 = arith.constant 0 : i32
        %dma_wait3A_148 = tpu.memref_slice %arg13[%mul3A_138, %dma_wait3A_147] : memref<10112x16xf32, #tpu.memory_space<vmem_shared>> -> memref<128x16xf32, #tpu.memory_space<vmem_shared>>
        tpu.wait_dma2 semaphore(%run_scoped3A : memref<!tpu.dma_semaphore, #tpu.memory_space<semaphore_mem>>) src(%arg9 : memref<128x16xf32, #tpu.memory_space<vmem>>) dst(%dma_wait3A_148 : memref<128x16xf32, #tpu.memory_space<vmem_shared>>)
        tpu.yield
      }) : () -> ()
      %mul3A_139 = arith.constant 128 : i32
      %mul3A_140 = arith.muli %add3A_11, %mul3A_139 : i32
      "tpu.region"() ({
        %run_scoped3A = tpu.sem_alloc : memref<!tpu.dma_semaphore, #tpu.memory_space<semaphore_mem>>
        %dma_start3A_141 = arith.constant 0 : i32
        %dma_start3A_142 = tpu.memref_slice %arg14[%mul3A_140, %dma_start3A_141] : memref<10112x16xf32, #tpu.memory_space<vmem_shared>> -> memref<128x16xf32, #tpu.memory_space<vmem_shared>>
        %dma_start3A_143 = arith.constant 0 : i32
        %dma_start3A_144 = tpu.memref_slice %arg14[%mul3A_140, %dma_start3A_143] : memref<10112x16xf32, #tpu.memory_space<vmem_shared>> -> memref<128x16xf32, #tpu.memory_space<vmem_shared>>
        tpu.enqueue_dma source(%arg10 : memref<128x16xf32, #tpu.memory_space<vmem>>) target(%dma_start3A_144 : memref<128x16xf32, #tpu.memory_space<vmem_shared>>) target_semaphore(%run_scoped3A : memref<!tpu.dma_semaphore, #tpu.memory_space<semaphore_mem>>)
        %dma_wait3A_145 = arith.constant 0 : i32
        %dma_wait3A_146 = tpu.memref_slice %arg14[%mul3A_140, %dma_wait3A_145] : memref<10112x16xf32, #tpu.memory_space<vmem_shared>> -> memref<128x16xf32, #tpu.memory_space<vmem_shared>>
        %dma_wait3A_147 = arith.constant 0 : i32
        %dma_wait3A_148 = tpu.memref_slice %arg14[%mul3A_140, %dma_wait3A_147] : memref<10112x16xf32, #tpu.memory_space<vmem_shared>> -> memref<128x16xf32, #tpu.memory_space<vmem_shared>>
        tpu.wait_dma2 semaphore(%run_scoped3A : memref<!tpu.dma_semaphore, #tpu.memory_space<semaphore_mem>>) src(%arg10 : memref<128x16xf32, #tpu.memory_space<vmem>>) dst(%dma_wait3A_148 : memref<128x16xf32, #tpu.memory_space<vmem_shared>>)
        tpu.yield
      }) : () -> ()
    } else {
    }
    %add3A_17 = arith.constant 48 : i32
    %add3A_18 = arith.addi %add3A_17, %arg1 : i32
    %lt3A_19 = arith.constant 79 : i32
    %lt3A_20 = arith.cmpi slt, %add3A_18, %lt3A_19 : i32
    %convert_element_type3A_21 = arith.extui %lt3A_20 : i1 to i32
    %cond3A_22 = arith.constant 0 : i32
    %cond3A_23 = arith.cmpi ne, %convert_element_type3A_21, %cond3A_22 : i32
    scf.if %cond3A_23 {
      %mul3A_135 = arith.constant 128 : i32
      %mul3A_136 = arith.muli %add3A_18, %mul3A_135 : i32
      "tpu.region"() ({
        %run_scoped3A = tpu.sem_alloc : memref<!tpu.dma_semaphore, #tpu.memory_space<semaphore_mem>>
        %dma_start3A_141 = arith.constant 0 : i32
        %dma_start3A_142 = tpu.memref_slice %arg2[%mul3A_136, %dma_start3A_141] : memref<10112x16xf32, #tpu.memory_space<hbm>> -> memref<128x16xf32, #tpu.memory_space<hbm>>
        %dma_start3A_143 = arith.constant 0 : i32
        %dma_start3A_144 = tpu.memref_slice %arg2[%mul3A_136, %dma_start3A_143] : memref<10112x16xf32, #tpu.memory_space<hbm>> -> memref<128x16xf32, #tpu.memory_space<hbm>>
        tpu.enqueue_dma source(%dma_start3A_144 : memref<128x16xf32, #tpu.memory_space<hbm>>) target(%arg9 : memref<128x16xf32, #tpu.memory_space<vmem>>) target_semaphore(%run_scoped3A : memref<!tpu.dma_semaphore, #tpu.memory_space<semaphore_mem>>)
        %dma_wait3A_145 = arith.constant 0 : i32
        %dma_wait3A_146 = tpu.memref_slice %arg2[%mul3A_136, %dma_wait3A_145] : memref<10112x16xf32, #tpu.memory_space<hbm>> -> memref<128x16xf32, #tpu.memory_space<hbm>>
        %dma_wait3A_147 = arith.constant 0 : i32
        %dma_wait3A_148 = tpu.memref_slice %arg2[%mul3A_136, %dma_wait3A_147] : memref<10112x16xf32, #tpu.memory_space<hbm>> -> memref<128x16xf32, #tpu.memory_space<hbm>>
        tpu.wait_dma2 semaphore(%run_scoped3A : memref<!tpu.dma_semaphore, #tpu.memory_space<semaphore_mem>>) src(%dma_wait3A_148 : memref<128x16xf32, #tpu.memory_space<hbm>>) dst(%arg9 : memref<128x16xf32, #tpu.memory_space<vmem>>)
        tpu.yield
      }) : () -> ()
      %mul3A_137 = arith.constant 128 : i32
      %mul3A_138 = arith.muli %add3A_18, %mul3A_137 : i32
      "tpu.region"() ({
        %run_scoped3A = tpu.sem_alloc : memref<!tpu.dma_semaphore, #tpu.memory_space<semaphore_mem>>
        %dma_start3A_141 = arith.constant 0 : i32
        %dma_start3A_142 = tpu.memref_slice %arg13[%mul3A_138, %dma_start3A_141] : memref<10112x16xf32, #tpu.memory_space<vmem_shared>> -> memref<128x16xf32, #tpu.memory_space<vmem_shared>>
        %dma_start3A_143 = arith.constant 0 : i32
        %dma_start3A_144 = tpu.memref_slice %arg13[%mul3A_138, %dma_start3A_143] : memref<10112x16xf32, #tpu.memory_space<vmem_shared>> -> memref<128x16xf32, #tpu.memory_space<vmem_shared>>
        tpu.enqueue_dma source(%arg9 : memref<128x16xf32, #tpu.memory_space<vmem>>) target(%dma_start3A_144 : memref<128x16xf32, #tpu.memory_space<vmem_shared>>) target_semaphore(%run_scoped3A : memref<!tpu.dma_semaphore, #tpu.memory_space<semaphore_mem>>)
        %dma_wait3A_145 = arith.constant 0 : i32
        %dma_wait3A_146 = tpu.memref_slice %arg13[%mul3A_138, %dma_wait3A_145] : memref<10112x16xf32, #tpu.memory_space<vmem_shared>> -> memref<128x16xf32, #tpu.memory_space<vmem_shared>>
        %dma_wait3A_147 = arith.constant 0 : i32
        %dma_wait3A_148 = tpu.memref_slice %arg13[%mul3A_138, %dma_wait3A_147] : memref<10112x16xf32, #tpu.memory_space<vmem_shared>> -> memref<128x16xf32, #tpu.memory_space<vmem_shared>>
        tpu.wait_dma2 semaphore(%run_scoped3A : memref<!tpu.dma_semaphore, #tpu.memory_space<semaphore_mem>>) src(%arg9 : memref<128x16xf32, #tpu.memory_space<vmem>>) dst(%dma_wait3A_148 : memref<128x16xf32, #tpu.memory_space<vmem_shared>>)
        tpu.yield
      }) : () -> ()
      %mul3A_139 = arith.constant 128 : i32
      %mul3A_140 = arith.muli %add3A_18, %mul3A_139 : i32
      "tpu.region"() ({
        %run_scoped3A = tpu.sem_alloc : memref<!tpu.dma_semaphore, #tpu.memory_space<semaphore_mem>>
        %dma_start3A_141 = arith.constant 0 : i32
        %dma_start3A_142 = tpu.memref_slice %arg14[%mul3A_140, %dma_start3A_141] : memref<10112x16xf32, #tpu.memory_space<vmem_shared>> -> memref<128x16xf32, #tpu.memory_space<vmem_shared>>
        %dma_start3A_143 = arith.constant 0 : i32
        %dma_start3A_144 = tpu.memref_slice %arg14[%mul3A_140, %dma_start3A_143] : memref<10112x16xf32, #tpu.memory_space<vmem_shared>> -> memref<128x16xf32, #tpu.memory_space<vmem_shared>>
        tpu.enqueue_dma source(%arg10 : memref<128x16xf32, #tpu.memory_space<vmem>>) target(%dma_start3A_144 : memref<128x16xf32, #tpu.memory_space<vmem_shared>>) target_semaphore(%run_scoped3A : memref<!tpu.dma_semaphore, #tpu.memory_space<semaphore_mem>>)
        %dma_wait3A_145 = arith.constant 0 : i32
        %dma_wait3A_146 = tpu.memref_slice %arg14[%mul3A_140, %dma_wait3A_145] : memref<10112x16xf32, #tpu.memory_space<vmem_shared>> -> memref<128x16xf32, #tpu.memory_space<vmem_shared>>
        %dma_wait3A_147 = arith.constant 0 : i32
        %dma_wait3A_148 = tpu.memref_slice %arg14[%mul3A_140, %dma_wait3A_147] : memref<10112x16xf32, #tpu.memory_space<vmem_shared>> -> memref<128x16xf32, #tpu.memory_space<vmem_shared>>
        tpu.wait_dma2 semaphore(%run_scoped3A : memref<!tpu.dma_semaphore, #tpu.memory_space<semaphore_mem>>) src(%arg10 : memref<128x16xf32, #tpu.memory_space<vmem>>) dst(%dma_wait3A_148 : memref<128x16xf32, #tpu.memory_space<vmem_shared>>)
        tpu.yield
      }) : () -> ()
    } else {
    }
    %add3A_24 = arith.constant 64 : i32
    %add3A_25 = arith.addi %add3A_24, %arg1 : i32
    %lt3A_26 = arith.constant 79 : i32
    %lt3A_27 = arith.cmpi slt, %add3A_25, %lt3A_26 : i32
    %convert_element_type3A_28 = arith.extui %lt3A_27 : i1 to i32
    %cond3A_29 = arith.constant 0 : i32
    %cond3A_30 = arith.cmpi ne, %convert_element_type3A_28, %cond3A_29 : i32
    scf.if %cond3A_30 {
      %mul3A_135 = arith.constant 128 : i32
      %mul3A_136 = arith.muli %add3A_25, %mul3A_135 : i32
      "tpu.region"() ({
        %run_scoped3A = tpu.sem_alloc : memref<!tpu.dma_semaphore, #tpu.memory_space<semaphore_mem>>
        %dma_start3A_141 = arith.constant 0 : i32
        %dma_start3A_142 = tpu.memref_slice %arg2[%mul3A_136, %dma_start3A_141] : memref<10112x16xf32, #tpu.memory_space<hbm>> -> memref<128x16xf32, #tpu.memory_space<hbm>>
        %dma_start3A_143 = arith.constant 0 : i32
        %dma_start3A_144 = tpu.memref_slice %arg2[%mul3A_136, %dma_start3A_143] : memref<10112x16xf32, #tpu.memory_space<hbm>> -> memref<128x16xf32, #tpu.memory_space<hbm>>
        tpu.enqueue_dma source(%dma_start3A_144 : memref<128x16xf32, #tpu.memory_space<hbm>>) target(%arg9 : memref<128x16xf32, #tpu.memory_space<vmem>>) target_semaphore(%run_scoped3A : memref<!tpu.dma_semaphore, #tpu.memory_space<semaphore_mem>>)
        %dma_wait3A_145 = arith.constant 0 : i32
        %dma_wait3A_146 = tpu.memref_slice %arg2[%mul3A_136, %dma_wait3A_145] : memref<10112x16xf32, #tpu.memory_space<hbm>> -> memref<128x16xf32, #tpu.memory_space<hbm>>
        %dma_wait3A_147 = arith.constant 0 : i32
        %dma_wait3A_148 = tpu.memref_slice %arg2[%mul3A_136, %dma_wait3A_147] : memref<10112x16xf32, #tpu.memory_space<hbm>> -> memref<128x16xf32, #tpu.memory_space<hbm>>
        tpu.wait_dma2 semaphore(%run_scoped3A : memref<!tpu.dma_semaphore, #tpu.memory_space<semaphore_mem>>) src(%dma_wait3A_148 : memref<128x16xf32, #tpu.memory_space<hbm>>) dst(%arg9 : memref<128x16xf32, #tpu.memory_space<vmem>>)
        tpu.yield
      }) : () -> ()
      %mul3A_137 = arith.constant 128 : i32
      %mul3A_138 = arith.muli %add3A_25, %mul3A_137 : i32
      "tpu.region"() ({
        %run_scoped3A = tpu.sem_alloc : memref<!tpu.dma_semaphore, #tpu.memory_space<semaphore_mem>>
        %dma_start3A_141 = arith.constant 0 : i32
        %dma_start3A_142 = tpu.memref_slice %arg13[%mul3A_138, %dma_start3A_141] : memref<10112x16xf32, #tpu.memory_space<vmem_shared>> -> memref<128x16xf32, #tpu.memory_space<vmem_shared>>
        %dma_start3A_143 = arith.constant 0 : i32
        %dma_start3A_144 = tpu.memref_slice %arg13[%mul3A_138, %dma_start3A_143] : memref<10112x16xf32, #tpu.memory_space<vmem_shared>> -> memref<128x16xf32, #tpu.memory_space<vmem_shared>>
        tpu.enqueue_dma source(%arg9 : memref<128x16xf32, #tpu.memory_space<vmem>>) target(%dma_start3A_144 : memref<128x16xf32, #tpu.memory_space<vmem_shared>>) target_semaphore(%run_scoped3A : memref<!tpu.dma_semaphore, #tpu.memory_space<semaphore_mem>>)
        %dma_wait3A_145 = arith.constant 0 : i32
        %dma_wait3A_146 = tpu.memref_slice %arg13[%mul3A_138, %dma_wait3A_145] : memref<10112x16xf32, #tpu.memory_space<vmem_shared>> -> memref<128x16xf32, #tpu.memory_space<vmem_shared>>
        %dma_wait3A_147 = arith.constant 0 : i32
        %dma_wait3A_148 = tpu.memref_slice %arg13[%mul3A_138, %dma_wait3A_147] : memref<10112x16xf32, #tpu.memory_space<vmem_shared>> -> memref<128x16xf32, #tpu.memory_space<vmem_shared>>
        tpu.wait_dma2 semaphore(%run_scoped3A : memref<!tpu.dma_semaphore, #tpu.memory_space<semaphore_mem>>) src(%arg9 : memref<128x16xf32, #tpu.memory_space<vmem>>) dst(%dma_wait3A_148 : memref<128x16xf32, #tpu.memory_space<vmem_shared>>)
        tpu.yield
      }) : () -> ()
      %mul3A_139 = arith.constant 128 : i32
      %mul3A_140 = arith.muli %add3A_25, %mul3A_139 : i32
      "tpu.region"() ({
        %run_scoped3A = tpu.sem_alloc : memref<!tpu.dma_semaphore, #tpu.memory_space<semaphore_mem>>
        %dma_start3A_141 = arith.constant 0 : i32
        %dma_start3A_142 = tpu.memref_slice %arg14[%mul3A_140, %dma_start3A_141] : memref<10112x16xf32, #tpu.memory_space<vmem_shared>> -> memref<128x16xf32, #tpu.memory_space<vmem_shared>>
        %dma_start3A_143 = arith.constant 0 : i32
        %dma_start3A_144 = tpu.memref_slice %arg14[%mul3A_140, %dma_start3A_143] : memref<10112x16xf32, #tpu.memory_space<vmem_shared>> -> memref<128x16xf32, #tpu.memory_space<vmem_shared>>
        tpu.enqueue_dma source(%arg10 : memref<128x16xf32, #tpu.memory_space<vmem>>) target(%dma_start3A_144 : memref<128x16xf32, #tpu.memory_space<vmem_shared>>) target_semaphore(%run_scoped3A : memref<!tpu.dma_semaphore, #tpu.memory_space<semaphore_mem>>)
        %dma_wait3A_145 = arith.constant 0 : i32
        %dma_wait3A_146 = tpu.memref_slice %arg14[%mul3A_140, %dma_wait3A_145] : memref<10112x16xf32, #tpu.memory_space<vmem_shared>> -> memref<128x16xf32, #tpu.memory_space<vmem_shared>>
        %dma_wait3A_147 = arith.constant 0 : i32
        %dma_wait3A_148 = tpu.memref_slice %arg14[%mul3A_140, %dma_wait3A_147] : memref<10112x16xf32, #tpu.memory_space<vmem_shared>> -> memref<128x16xf32, #tpu.memory_space<vmem_shared>>
        tpu.wait_dma2 semaphore(%run_scoped3A : memref<!tpu.dma_semaphore, #tpu.memory_space<semaphore_mem>>) src(%arg10 : memref<128x16xf32, #tpu.memory_space<vmem>>) dst(%dma_wait3A_148 : memref<128x16xf32, #tpu.memory_space<vmem_shared>>)
        tpu.yield
      }) : () -> ()
    } else {
    }
    %barrier3A = arith.constant 0 : index
    tpu.barrier barrier_id(%barrier3A)
    %mul3A = arith.constant 80 : i32
    %mul3A_31 = arith.muli %arg0, %mul3A : i32
    %add3A_32 = arith.constant 0 : i32
    %add3A_33 = arith.addi %mul3A_31, %add3A_32 : i32
    %dma_start3A = arith.constant 0 : i32
    %dma_start3A_34 = tpu.memref_slice %arg7[%add3A_33, %dma_start3A] : memref<160x128xi32, #tpu.memory_space<vmem>> -> memref<1x128xi32, #tpu.memory_space<vmem>>
    %dma_start3A_35 = tpu.memref_squeeze %dma_start3A_34 : memref<1x128xi32, #tpu.memory_space<vmem>> -> memref<128xi32, #tpu.memory_space<vmem>>
    %dma_start3A_36 = arith.constant 0 : i32
    %dma_start3A_37 = arith.constant 0 : i32
    %dma_start3A_38 = tpu.memref_slice %arg13[%dma_start3A_36, %dma_start3A_37] : memref<10112x16xf32, #tpu.memory_space<vmem_shared>> -> memref<10112x16xf32, #tpu.memory_space<vmem_shared>>
    tpu.enqueue_indirect_dma source(%dma_start3A_38 : memref<10112x16xf32, #tpu.memory_space<vmem_shared>>) target(%arg9 : memref<128x16xf32, #tpu.memory_space<vmem>>) offsets(%dma_start3A_35 : memref<128xi32, #tpu.memory_space<vmem>>) semaphore(%arg15 : memref<!tpu.dma_semaphore, #tpu.memory_space<semaphore_mem>>)
    %add3A_39 = arith.constant 1 : i32
    %add3A_40 = arith.addi %mul3A_31, %add3A_39 : i32
    %dma_start3A_41 = arith.constant 0 : i32
    %dma_start3A_42 = tpu.memref_slice %arg7[%add3A_40, %dma_start3A_41] : memref<160x128xi32, #tpu.memory_space<vmem>> -> memref<1x128xi32, #tpu.memory_space<vmem>>
    %dma_start3A_43 = tpu.memref_squeeze %dma_start3A_42 : memref<1x128xi32, #tpu.memory_space<vmem>> -> memref<128xi32, #tpu.memory_space<vmem>>
    %dma_start3A_44 = arith.constant 0 : i32
    %dma_start3A_45 = arith.constant 0 : i32
    %dma_start3A_46 = tpu.memref_slice %arg13[%dma_start3A_44, %dma_start3A_45] : memref<10112x16xf32, #tpu.memory_space<vmem_shared>> -> memref<10112x16xf32, #tpu.memory_space<vmem_shared>>
    tpu.enqueue_indirect_dma source(%dma_start3A_46 : memref<10112x16xf32, #tpu.memory_space<vmem_shared>>) target(%arg10 : memref<128x16xf32, #tpu.memory_space<vmem>>) offsets(%dma_start3A_43 : memref<128xi32, #tpu.memory_space<vmem>>) semaphore(%arg16 : memref<!tpu.dma_semaphore, #tpu.memory_space<semaphore_mem>>)
    %add3A_47 = arith.constant 2 : i32
    %add3A_48 = arith.addi %mul3A_31, %add3A_47 : i32
    %dma_start3A_49 = arith.constant 0 : i32
    %dma_start3A_50 = tpu.memref_slice %arg7[%add3A_48, %dma_start3A_49] : memref<160x128xi32, #tpu.memory_space<vmem>> -> memref<1x128xi32, #tpu.memory_space<vmem>>
    %dma_start3A_51 = tpu.memref_squeeze %dma_start3A_50 : memref<1x128xi32, #tpu.memory_space<vmem>> -> memref<128xi32, #tpu.memory_space<vmem>>
    %dma_start3A_52 = arith.constant 0 : i32
    %dma_start3A_53 = arith.constant 0 : i32
    %dma_start3A_54 = tpu.memref_slice %arg13[%dma_start3A_52, %dma_start3A_53] : memref<10112x16xf32, #tpu.memory_space<vmem_shared>> -> memref<10112x16xf32, #tpu.memory_space<vmem_shared>>
    tpu.enqueue_indirect_dma source(%dma_start3A_54 : memref<10112x16xf32, #tpu.memory_space<vmem_shared>>) target(%arg11 : memref<128x16xf32, #tpu.memory_space<vmem>>) offsets(%dma_start3A_51 : memref<128xi32, #tpu.memory_space<vmem>>) semaphore(%arg17 : memref<!tpu.dma_semaphore, #tpu.memory_space<semaphore_mem>>)
    %add3A_55 = arith.constant 3 : i32
    %add3A_56 = arith.addi %mul3A_31, %add3A_55 : i32
    %dma_start3A_57 = arith.constant 0 : i32
    %dma_start3A_58 = tpu.memref_slice %arg7[%add3A_56, %dma_start3A_57] : memref<160x128xi32, #tpu.memory_space<vmem>> -> memref<1x128xi32, #tpu.memory_space<vmem>>
    %dma_start3A_59 = tpu.memref_squeeze %dma_start3A_58 : memref<1x128xi32, #tpu.memory_space<vmem>> -> memref<128xi32, #tpu.memory_space<vmem>>
    %dma_start3A_60 = arith.constant 0 : i32
    %dma_start3A_61 = arith.constant 0 : i32
    %dma_start3A_62 = tpu.memref_slice %arg13[%dma_start3A_60, %dma_start3A_61] : memref<10112x16xf32, #tpu.memory_space<vmem_shared>> -> memref<10112x16xf32, #tpu.memory_space<vmem_shared>>
    tpu.enqueue_indirect_dma source(%dma_start3A_62 : memref<10112x16xf32, #tpu.memory_space<vmem_shared>>) target(%arg12 : memref<128x16xf32, #tpu.memory_space<vmem>>) offsets(%dma_start3A_59 : memref<128xi32, #tpu.memory_space<vmem>>) semaphore(%arg18 : memref<!tpu.dma_semaphore, #tpu.memory_space<semaphore_mem>>)
    %scan3A = arith.constant 0 : i32
    %scan3A_63 = arith.constant 0 : i32
    %scan3A_64 = arith.constant 19 : i32
    %scan3A_65 = arith.addi %scan3A_63, %scan3A_64 : i32
    %scan3A_66 = arith.constant 1 : i32
    scf.for %scan3A_135 = %scan3A_63 to %scan3A_65 step %scan3A_66  : i32 {
      %mul3A_136 = arith.constant 4 : i32
      %mul3A_137 = arith.muli %scan3A_135, %mul3A_136 : i32
      %add3A_138 = arith.addi %mul3A_31, %mul3A_137 : i32
      %add3A_139 = arith.constant 0 : i32
      %add3A_140 = arith.addi %add3A_138, %add3A_139 : i32
      %dma_wait3A_141 = arith.constant 0 : i32
      %dma_wait3A_142 = tpu.memref_slice %arg7[%add3A_140, %dma_wait3A_141] : memref<160x128xi32, #tpu.memory_space<vmem>> -> memref<1x128xi32, #tpu.memory_space<vmem>>
      %dma_wait3A_143 = tpu.memref_squeeze %dma_wait3A_142 : memref<1x128xi32, #tpu.memory_space<vmem>> -> memref<128xi32, #tpu.memory_space<vmem>>
      %dma_wait3A_144 = arith.constant 0 : i32
      %dma_wait3A_145 = arith.constant 0 : i32
      %dma_wait3A_146 = tpu.memref_slice %arg13[%dma_wait3A_144, %dma_wait3A_145] : memref<10112x16xf32, #tpu.memory_space<vmem_shared>> -> memref<10112x16xf32, #tpu.memory_space<vmem_shared>>
      tpu.wait_indirect_dma semaphore(%arg15 : memref<!tpu.dma_semaphore, #tpu.memory_space<semaphore_mem>>) src(%dma_wait3A_146 : memref<10112x16xf32, #tpu.memory_space<vmem_shared>>) dst(%arg9 : memref<128x16xf32, #tpu.memory_space<vmem>>)
      "tpu.region"() ({
        %run_scoped3A = tpu.sem_alloc : memref<!tpu.dma_semaphore, #tpu.memory_space<semaphore_mem>>
        %dma_start3A_206 = arith.constant 0 : i32
        %dma_start3A_207 = tpu.memref_slice %arg8[%add3A_140, %dma_start3A_206] : memref<160x128xi32, #tpu.memory_space<vmem>> -> memref<1x128xi32, #tpu.memory_space<vmem>>
        %dma_start3A_208 = tpu.memref_squeeze %dma_start3A_207 : memref<1x128xi32, #tpu.memory_space<vmem>> -> memref<128xi32, #tpu.memory_space<vmem>>
        %dma_start3A_209 = arith.constant 0 : i32
        %dma_start3A_210 = arith.constant 0 : i32
        %dma_start3A_211 = tpu.memref_slice %arg14[%dma_start3A_209, %dma_start3A_210] : memref<10112x16xf32, #tpu.memory_space<vmem_shared>> -> memref<10112x16xf32, #tpu.memory_space<vmem_shared>>
        tpu.enqueue_indirect_dma source(%arg9 : memref<128x16xf32, #tpu.memory_space<vmem>>) target(%dma_start3A_211 : memref<10112x16xf32, #tpu.memory_space<vmem_shared>>) offsets(%dma_start3A_208 : memref<128xi32, #tpu.memory_space<vmem>>) semaphore(%run_scoped3A : memref<!tpu.dma_semaphore, #tpu.memory_space<semaphore_mem>>) {add = true}
        %dma_wait3A_212 = arith.constant 0 : i32
        %dma_wait3A_213 = tpu.memref_slice %arg8[%add3A_140, %dma_wait3A_212] : memref<160x128xi32, #tpu.memory_space<vmem>> -> memref<1x128xi32, #tpu.memory_space<vmem>>
        %dma_wait3A_214 = tpu.memref_squeeze %dma_wait3A_213 : memref<1x128xi32, #tpu.memory_space<vmem>> -> memref<128xi32, #tpu.memory_space<vmem>>
        %dma_wait3A_215 = arith.constant 0 : i32
        %dma_wait3A_216 = arith.constant 0 : i32
        %dma_wait3A_217 = tpu.memref_slice %arg14[%dma_wait3A_215, %dma_wait3A_216] : memref<10112x16xf32, #tpu.memory_space<vmem_shared>> -> memref<10112x16xf32, #tpu.memory_space<vmem_shared>>
        tpu.wait_indirect_dma semaphore(%run_scoped3A : memref<!tpu.dma_semaphore, #tpu.memory_space<semaphore_mem>>) src(%arg9 : memref<128x16xf32, #tpu.memory_space<vmem>>) dst(%dma_wait3A_217 : memref<10112x16xf32, #tpu.memory_space<vmem_shared>>)
        tpu.yield
      }) : () -> ()
      %add3A_147 = arith.constant 4 : i32
      %add3A_148 = arith.addi %add3A_140, %add3A_147 : i32
      %dma_start3A_149 = arith.constant 0 : i32
      %dma_start3A_150 = tpu.memref_slice %arg7[%add3A_148, %dma_start3A_149] : memref<160x128xi32, #tpu.memory_space<vmem>> -> memref<1x128xi32, #tpu.memory_space<vmem>>
      %dma_start3A_151 = tpu.memref_squeeze %dma_start3A_150 : memref<1x128xi32, #tpu.memory_space<vmem>> -> memref<128xi32, #tpu.memory_space<vmem>>
      %dma_start3A_152 = arith.constant 0 : i32
      %dma_start3A_153 = arith.constant 0 : i32
      %dma_start3A_154 = tpu.memref_slice %arg13[%dma_start3A_152, %dma_start3A_153] : memref<10112x16xf32, #tpu.memory_space<vmem_shared>> -> memref<10112x16xf32, #tpu.memory_space<vmem_shared>>
      tpu.enqueue_indirect_dma source(%dma_start3A_154 : memref<10112x16xf32, #tpu.memory_space<vmem_shared>>) target(%arg9 : memref<128x16xf32, #tpu.memory_space<vmem>>) offsets(%dma_start3A_151 : memref<128xi32, #tpu.memory_space<vmem>>) semaphore(%arg15 : memref<!tpu.dma_semaphore, #tpu.memory_space<semaphore_mem>>)
      %add3A_155 = arith.addi %mul3A_31, %mul3A_137 : i32
      %add3A_156 = arith.constant 1 : i32
      %add3A_157 = arith.addi %add3A_155, %add3A_156 : i32
      %dma_wait3A_158 = arith.constant 0 : i32
      %dma_wait3A_159 = tpu.memref_slice %arg7[%add3A_157, %dma_wait3A_158] : memref<160x128xi32, #tpu.memory_space<vmem>> -> memref<1x128xi32, #tpu.memory_space<vmem>>
      %dma_wait3A_160 = tpu.memref_squeeze %dma_wait3A_159 : memref<1x128xi32, #tpu.memory_space<vmem>> -> memref<128xi32, #tpu.memory_space<vmem>>
      %dma_wait3A_161 = arith.constant 0 : i32
      %dma_wait3A_162 = arith.constant 0 : i32
      %dma_wait3A_163 = tpu.memref_slice %arg13[%dma_wait3A_161, %dma_wait3A_162] : memref<10112x16xf32, #tpu.memory_space<vmem_shared>> -> memref<10112x16xf32, #tpu.memory_space<vmem_shared>>
      tpu.wait_indirect_dma semaphore(%arg16 : memref<!tpu.dma_semaphore, #tpu.memory_space<semaphore_mem>>) src(%dma_wait3A_163 : memref<10112x16xf32, #tpu.memory_space<vmem_shared>>) dst(%arg10 : memref<128x16xf32, #tpu.memory_space<vmem>>)
      "tpu.region"() ({
        %run_scoped3A = tpu.sem_alloc : memref<!tpu.dma_semaphore, #tpu.memory_space<semaphore_mem>>
        %dma_start3A_206 = arith.constant 0 : i32
        %dma_start3A_207 = tpu.memref_slice %arg8[%add3A_157, %dma_start3A_206] : memref<160x128xi32, #tpu.memory_space<vmem>> -> memref<1x128xi32, #tpu.memory_space<vmem>>
        %dma_start3A_208 = tpu.memref_squeeze %dma_start3A_207 : memref<1x128xi32, #tpu.memory_space<vmem>> -> memref<128xi32, #tpu.memory_space<vmem>>
        %dma_start3A_209 = arith.constant 0 : i32
        %dma_start3A_210 = arith.constant 0 : i32
        %dma_start3A_211 = tpu.memref_slice %arg14[%dma_start3A_209, %dma_start3A_210] : memref<10112x16xf32, #tpu.memory_space<vmem_shared>> -> memref<10112x16xf32, #tpu.memory_space<vmem_shared>>
        tpu.enqueue_indirect_dma source(%arg10 : memref<128x16xf32, #tpu.memory_space<vmem>>) target(%dma_start3A_211 : memref<10112x16xf32, #tpu.memory_space<vmem_shared>>) offsets(%dma_start3A_208 : memref<128xi32, #tpu.memory_space<vmem>>) semaphore(%run_scoped3A : memref<!tpu.dma_semaphore, #tpu.memory_space<semaphore_mem>>) {add = true}
        %dma_wait3A_212 = arith.constant 0 : i32
        %dma_wait3A_213 = tpu.memref_slice %arg8[%add3A_157, %dma_wait3A_212] : memref<160x128xi32, #tpu.memory_space<vmem>> -> memref<1x128xi32, #tpu.memory_space<vmem>>
        %dma_wait3A_214 = tpu.memref_squeeze %dma_wait3A_213 : memref<1x128xi32, #tpu.memory_space<vmem>> -> memref<128xi32, #tpu.memory_space<vmem>>
        %dma_wait3A_215 = arith.constant 0 : i32
        %dma_wait3A_216 = arith.constant 0 : i32
        %dma_wait3A_217 = tpu.memref_slice %arg14[%dma_wait3A_215, %dma_wait3A_216] : memref<10112x16xf32, #tpu.memory_space<vmem_shared>> -> memref<10112x16xf32, #tpu.memory_space<vmem_shared>>
        tpu.wait_indirect_dma semaphore(%run_scoped3A : memref<!tpu.dma_semaphore, #tpu.memory_space<semaphore_mem>>) src(%arg10 : memref<128x16xf32, #tpu.memory_space<vmem>>) dst(%dma_wait3A_217 : memref<10112x16xf32, #tpu.memory_space<vmem_shared>>)
        tpu.yield
      }) : () -> ()
      %add3A_164 = arith.constant 4 : i32
      %add3A_165 = arith.addi %add3A_157, %add3A_164 : i32
      %dma_start3A_166 = arith.constant 0 : i32
      %dma_start3A_167 = tpu.memref_slice %arg7[%add3A_165, %dma_start3A_166] : memref<160x128xi32, #tpu.memory_space<vmem>> -> memref<1x128xi32, #tpu.memory_space<vmem>>
      %dma_start3A_168 = tpu.memref_squeeze %dma_start3A_167 : memref<1x128xi32, #tpu.memory_space<vmem>> -> memref<128xi32, #tpu.memory_space<vmem>>
      %dma_start3A_169 = arith.constant 0 : i32
      %dma_start3A_170 = arith.constant 0 : i32
      %dma_start3A_171 = tpu.memref_slice %arg13[%dma_start3A_169, %dma_start3A_170] : memref<10112x16xf32, #tpu.memory_space<vmem_shared>> -> memref<10112x16xf32, #tpu.memory_space<vmem_shared>>
      tpu.enqueue_indirect_dma source(%dma_start3A_171 : memref<10112x16xf32, #tpu.memory_space<vmem_shared>>) target(%arg10 : memref<128x16xf32, #tpu.memory_space<vmem>>) offsets(%dma_start3A_168 : memref<128xi32, #tpu.memory_space<vmem>>) semaphore(%arg16 : memref<!tpu.dma_semaphore, #tpu.memory_space<semaphore_mem>>)
      %add3A_172 = arith.addi %mul3A_31, %mul3A_137 : i32
      %add3A_173 = arith.constant 2 : i32
      %add3A_174 = arith.addi %add3A_172, %add3A_173 : i32
      %dma_wait3A_175 = arith.constant 0 : i32
      %dma_wait3A_176 = tpu.memref_slice %arg7[%add3A_174, %dma_wait3A_175] : memref<160x128xi32, #tpu.memory_space<vmem>> -> memref<1x128xi32, #tpu.memory_space<vmem>>
      %dma_wait3A_177 = tpu.memref_squeeze %dma_wait3A_176 : memref<1x128xi32, #tpu.memory_space<vmem>> -> memref<128xi32, #tpu.memory_space<vmem>>
      %dma_wait3A_178 = arith.constant 0 : i32
      %dma_wait3A_179 = arith.constant 0 : i32
      %dma_wait3A_180 = tpu.memref_slice %arg13[%dma_wait3A_178, %dma_wait3A_179] : memref<10112x16xf32, #tpu.memory_space<vmem_shared>> -> memref<10112x16xf32, #tpu.memory_space<vmem_shared>>
      tpu.wait_indirect_dma semaphore(%arg17 : memref<!tpu.dma_semaphore, #tpu.memory_space<semaphore_mem>>) src(%dma_wait3A_180 : memref<10112x16xf32, #tpu.memory_space<vmem_shared>>) dst(%arg11 : memref<128x16xf32, #tpu.memory_space<vmem>>)
      "tpu.region"() ({
        %run_scoped3A = tpu.sem_alloc : memref<!tpu.dma_semaphore, #tpu.memory_space<semaphore_mem>>
        %dma_start3A_206 = arith.constant 0 : i32
        %dma_start3A_207 = tpu.memref_slice %arg8[%add3A_174, %dma_start3A_206] : memref<160x128xi32, #tpu.memory_space<vmem>> -> memref<1x128xi32, #tpu.memory_space<vmem>>
        %dma_start3A_208 = tpu.memref_squeeze %dma_start3A_207 : memref<1x128xi32, #tpu.memory_space<vmem>> -> memref<128xi32, #tpu.memory_space<vmem>>
        %dma_start3A_209 = arith.constant 0 : i32
        %dma_start3A_210 = arith.constant 0 : i32
        %dma_start3A_211 = tpu.memref_slice %arg14[%dma_start3A_209, %dma_start3A_210] : memref<10112x16xf32, #tpu.memory_space<vmem_shared>> -> memref<10112x16xf32, #tpu.memory_space<vmem_shared>>
        tpu.enqueue_indirect_dma source(%arg11 : memref<128x16xf32, #tpu.memory_space<vmem>>) target(%dma_start3A_211 : memref<10112x16xf32, #tpu.memory_space<vmem_shared>>) offsets(%dma_start3A_208 : memref<128xi32, #tpu.memory_space<vmem>>) semaphore(%run_scoped3A : memref<!tpu.dma_semaphore, #tpu.memory_space<semaphore_mem>>) {add = true}
        %dma_wait3A_212 = arith.constant 0 : i32
        %dma_wait3A_213 = tpu.memref_slice %arg8[%add3A_174, %dma_wait3A_212] : memref<160x128xi32, #tpu.memory_space<vmem>> -> memref<1x128xi32, #tpu.memory_space<vmem>>
        %dma_wait3A_214 = tpu.memref_squeeze %dma_wait3A_213 : memref<1x128xi32, #tpu.memory_space<vmem>> -> memref<128xi32, #tpu.memory_space<vmem>>
        %dma_wait3A_215 = arith.constant 0 : i32
        %dma_wait3A_216 = arith.constant 0 : i32
        %dma_wait3A_217 = tpu.memref_slice %arg14[%dma_wait3A_215, %dma_wait3A_216] : memref<10112x16xf32, #tpu.memory_space<vmem_shared>> -> memref<10112x16xf32, #tpu.memory_space<vmem_shared>>
        tpu.wait_indirect_dma semaphore(%run_scoped3A : memref<!tpu.dma_semaphore, #tpu.memory_space<semaphore_mem>>) src(%arg11 : memref<128x16xf32, #tpu.memory_space<vmem>>) dst(%dma_wait3A_217 : memref<10112x16xf32, #tpu.memory_space<vmem_shared>>)
        tpu.yield
      }) : () -> ()
      %add3A_181 = arith.constant 4 : i32
      %add3A_182 = arith.addi %add3A_174, %add3A_181 : i32
      %dma_start3A_183 = arith.constant 0 : i32
      %dma_start3A_184 = tpu.memref_slice %arg7[%add3A_182, %dma_start3A_183] : memref<160x128xi32, #tpu.memory_space<vmem>> -> memref<1x128xi32, #tpu.memory_space<vmem>>
      %dma_start3A_185 = tpu.memref_squeeze %dma_start3A_184 : memref<1x128xi32, #tpu.memory_space<vmem>> -> memref<128xi32, #tpu.memory_space<vmem>>
      %dma_start3A_186 = arith.constant 0 : i32
      %dma_start3A_187 = arith.constant 0 : i32
      %dma_start3A_188 = tpu.memref_slice %arg13[%dma_start3A_186, %dma_start3A_187] : memref<10112x16xf32, #tpu.memory_space<vmem_shared>> -> memref<10112x16xf32, #tpu.memory_space<vmem_shared>>
      tpu.enqueue_indirect_dma source(%dma_start3A_188 : memref<10112x16xf32, #tpu.memory_space<vmem_shared>>) target(%arg11 : memref<128x16xf32, #tpu.memory_space<vmem>>) offsets(%dma_start3A_185 : memref<128xi32, #tpu.memory_space<vmem>>) semaphore(%arg17 : memref<!tpu.dma_semaphore, #tpu.memory_space<semaphore_mem>>)
      %add3A_189 = arith.addi %mul3A_31, %mul3A_137 : i32
      %add3A_190 = arith.constant 3 : i32
      %add3A_191 = arith.addi %add3A_189, %add3A_190 : i32
      %dma_wait3A_192 = arith.constant 0 : i32
      %dma_wait3A_193 = tpu.memref_slice %arg7[%add3A_191, %dma_wait3A_192] : memref<160x128xi32, #tpu.memory_space<vmem>> -> memref<1x128xi32, #tpu.memory_space<vmem>>
      %dma_wait3A_194 = tpu.memref_squeeze %dma_wait3A_193 : memref<1x128xi32, #tpu.memory_space<vmem>> -> memref<128xi32, #tpu.memory_space<vmem>>
      %dma_wait3A_195 = arith.constant 0 : i32
      %dma_wait3A_196 = arith.constant 0 : i32
      %dma_wait3A_197 = tpu.memref_slice %arg13[%dma_wait3A_195, %dma_wait3A_196] : memref<10112x16xf32, #tpu.memory_space<vmem_shared>> -> memref<10112x16xf32, #tpu.memory_space<vmem_shared>>
      tpu.wait_indirect_dma semaphore(%arg18 : memref<!tpu.dma_semaphore, #tpu.memory_space<semaphore_mem>>) src(%dma_wait3A_197 : memref<10112x16xf32, #tpu.memory_space<vmem_shared>>) dst(%arg12 : memref<128x16xf32, #tpu.memory_space<vmem>>)
      "tpu.region"() ({
        %run_scoped3A = tpu.sem_alloc : memref<!tpu.dma_semaphore, #tpu.memory_space<semaphore_mem>>
        %dma_start3A_206 = arith.constant 0 : i32
        %dma_start3A_207 = tpu.memref_slice %arg8[%add3A_191, %dma_start3A_206] : memref<160x128xi32, #tpu.memory_space<vmem>> -> memref<1x128xi32, #tpu.memory_space<vmem>>
        %dma_start3A_208 = tpu.memref_squeeze %dma_start3A_207 : memref<1x128xi32, #tpu.memory_space<vmem>> -> memref<128xi32, #tpu.memory_space<vmem>>
        %dma_start3A_209 = arith.constant 0 : i32
        %dma_start3A_210 = arith.constant 0 : i32
        %dma_start3A_211 = tpu.memref_slice %arg14[%dma_start3A_209, %dma_start3A_210] : memref<10112x16xf32, #tpu.memory_space<vmem_shared>> -> memref<10112x16xf32, #tpu.memory_space<vmem_shared>>
        tpu.enqueue_indirect_dma source(%arg12 : memref<128x16xf32, #tpu.memory_space<vmem>>) target(%dma_start3A_211 : memref<10112x16xf32, #tpu.memory_space<vmem_shared>>) offsets(%dma_start3A_208 : memref<128xi32, #tpu.memory_space<vmem>>) semaphore(%run_scoped3A : memref<!tpu.dma_semaphore, #tpu.memory_space<semaphore_mem>>) {add = true}
        %dma_wait3A_212 = arith.constant 0 : i32
        %dma_wait3A_213 = tpu.memref_slice %arg8[%add3A_191, %dma_wait3A_212] : memref<160x128xi32, #tpu.memory_space<vmem>> -> memref<1x128xi32, #tpu.memory_space<vmem>>
        %dma_wait3A_214 = tpu.memref_squeeze %dma_wait3A_213 : memref<1x128xi32, #tpu.memory_space<vmem>> -> memref<128xi32, #tpu.memory_space<vmem>>
        %dma_wait3A_215 = arith.constant 0 : i32
        %dma_wait3A_216 = arith.constant 0 : i32
        %dma_wait3A_217 = tpu.memref_slice %arg14[%dma_wait3A_215, %dma_wait3A_216] : memref<10112x16xf32, #tpu.memory_space<vmem_shared>> -> memref<10112x16xf32, #tpu.memory_space<vmem_shared>>
        tpu.wait_indirect_dma semaphore(%run_scoped3A : memref<!tpu.dma_semaphore, #tpu.memory_space<semaphore_mem>>) src(%arg12 : memref<128x16xf32, #tpu.memory_space<vmem>>) dst(%dma_wait3A_217 : memref<10112x16xf32, #tpu.memory_space<vmem_shared>>)
        tpu.yield
      }) : () -> ()
      %add3A_198 = arith.constant 4 : i32
      %add3A_199 = arith.addi %add3A_191, %add3A_198 : i32
      %dma_start3A_200 = arith.constant 0 : i32
      %dma_start3A_201 = tpu.memref_slice %arg7[%add3A_199, %dma_start3A_200] : memref<160x128xi32, #tpu.memory_space<vmem>> -> memref<1x128xi32, #tpu.memory_space<vmem>>
      %dma_start3A_202 = tpu.memref_squeeze %dma_start3A_201 : memref<1x128xi32, #tpu.memory_space<vmem>> -> memref<128xi32, #tpu.memory_space<vmem>>
      %dma_start3A_203 = arith.constant 0 : i32
      %dma_start3A_204 = arith.constant 0 : i32
      %dma_start3A_205 = tpu.memref_slice %arg13[%dma_start3A_203, %dma_start3A_204] : memref<10112x16xf32, #tpu.memory_space<vmem_shared>> -> memref<10112x16xf32, #tpu.memory_space<vmem_shared>>
      tpu.enqueue_indirect_dma source(%dma_start3A_205 : memref<10112x16xf32, #tpu.memory_space<vmem_shared>>) target(%arg12 : memref<128x16xf32, #tpu.memory_space<vmem>>) offsets(%dma_start3A_202 : memref<128xi32, #tpu.memory_space<vmem>>) semaphore(%arg18 : memref<!tpu.dma_semaphore, #tpu.memory_space<semaphore_mem>>)
    }
    %scan3A_67 = arith.constant 19 : i32
    %add3A_68 = arith.constant 80 : i32
    %add3A_69 = arith.addi %mul3A_31, %add3A_68 : i32
    %sub3A = arith.constant 4 : i32
    %sub3A_70 = arith.subi %add3A_69, %sub3A : i32
    %add3A_71 = arith.constant 0 : i32
    %add3A_72 = arith.addi %sub3A_70, %add3A_71 : i32
    %dma_wait3A = arith.constant 0 : i32
    %dma_wait3A_73 = tpu.memref_slice %arg7[%add3A_72, %dma_wait3A] : memref<160x128xi32, #tpu.memory_space<vmem>> -> memref<1x128xi32, #tpu.memory_space<vmem>>
    %dma_wait3A_74 = tpu.memref_squeeze %dma_wait3A_73 : memref<1x128xi32, #tpu.memory_space<vmem>> -> memref<128xi32, #tpu.memory_space<vmem>>
    %dma_wait3A_75 = arith.constant 0 : i32
    %dma_wait3A_76 = arith.constant 0 : i32
    %dma_wait3A_77 = tpu.memref_slice %arg13[%dma_wait3A_75, %dma_wait3A_76] : memref<10112x16xf32, #tpu.memory_space<vmem_shared>> -> memref<10112x16xf32, #tpu.memory_space<vmem_shared>>
    tpu.wait_indirect_dma semaphore(%arg15 : memref<!tpu.dma_semaphore, #tpu.memory_space<semaphore_mem>>) src(%dma_wait3A_77 : memref<10112x16xf32, #tpu.memory_space<vmem_shared>>) dst(%arg9 : memref<128x16xf32, #tpu.memory_space<vmem>>)
    "tpu.region"() ({
      %run_scoped3A = tpu.sem_alloc : memref<!tpu.dma_semaphore, #tpu.memory_space<semaphore_mem>>
      %dma_start3A_135 = arith.constant 0 : i32
      %dma_start3A_136 = tpu.memref_slice %arg8[%add3A_72, %dma_start3A_135] : memref<160x128xi32, #tpu.memory_space<vmem>> -> memref<1x128xi32, #tpu.memory_space<vmem>>
      %dma_start3A_137 = tpu.memref_squeeze %dma_start3A_136 : memref<1x128xi32, #tpu.memory_space<vmem>> -> memref<128xi32, #tpu.memory_space<vmem>>
      %dma_start3A_138 = arith.constant 0 : i32
      %dma_start3A_139 = arith.constant 0 : i32
      %dma_start3A_140 = tpu.memref_slice %arg14[%dma_start3A_138, %dma_start3A_139] : memref<10112x16xf32, #tpu.memory_space<vmem_shared>> -> memref<10112x16xf32, #tpu.memory_space<vmem_shared>>
      tpu.enqueue_indirect_dma source(%arg9 : memref<128x16xf32, #tpu.memory_space<vmem>>) target(%dma_start3A_140 : memref<10112x16xf32, #tpu.memory_space<vmem_shared>>) offsets(%dma_start3A_137 : memref<128xi32, #tpu.memory_space<vmem>>) semaphore(%run_scoped3A : memref<!tpu.dma_semaphore, #tpu.memory_space<semaphore_mem>>) {add = true}
      %dma_wait3A_141 = arith.constant 0 : i32
      %dma_wait3A_142 = tpu.memref_slice %arg8[%add3A_72, %dma_wait3A_141] : memref<160x128xi32, #tpu.memory_space<vmem>> -> memref<1x128xi32, #tpu.memory_space<vmem>>
      %dma_wait3A_143 = tpu.memref_squeeze %dma_wait3A_142 : memref<1x128xi32, #tpu.memory_space<vmem>> -> memref<128xi32, #tpu.memory_space<vmem>>
      %dma_wait3A_144 = arith.constant 0 : i32
      %dma_wait3A_145 = arith.constant 0 : i32
      %dma_wait3A_146 = tpu.memref_slice %arg14[%dma_wait3A_144, %dma_wait3A_145] : memref<10112x16xf32, #tpu.memory_space<vmem_shared>> -> memref<10112x16xf32, #tpu.memory_space<vmem_shared>>
      tpu.wait_indirect_dma semaphore(%run_scoped3A : memref<!tpu.dma_semaphore, #tpu.memory_space<semaphore_mem>>) src(%arg9 : memref<128x16xf32, #tpu.memory_space<vmem>>) dst(%dma_wait3A_146 : memref<10112x16xf32, #tpu.memory_space<vmem_shared>>)
      tpu.yield
    }) : () -> ()
    %add3A_78 = arith.constant 80 : i32
    %add3A_79 = arith.addi %mul3A_31, %add3A_78 : i32
    %sub3A_80 = arith.constant 4 : i32
    %sub3A_81 = arith.subi %add3A_79, %sub3A_80 : i32
    %add3A_82 = arith.constant 1 : i32
    %add3A_83 = arith.addi %sub3A_81, %add3A_82 : i32
    %dma_wait3A_84 = arith.constant 0 : i32
    %dma_wait3A_85 = tpu.memref_slice %arg7[%add3A_83, %dma_wait3A_84] : memref<160x128xi32, #tpu.memory_space<vmem>> -> memref<1x128xi32, #tpu.memory_space<vmem>>
    %dma_wait3A_86 = tpu.memref_squeeze %dma_wait3A_85 : memref<1x128xi32, #tpu.memory_space<vmem>> -> memref<128xi32, #tpu.memory_space<vmem>>
    %dma_wait3A_87 = arith.constant 0 : i32
    %dma_wait3A_88 = arith.constant 0 : i32
    %dma_wait3A_89 = tpu.memref_slice %arg13[%dma_wait3A_87, %dma_wait3A_88] : memref<10112x16xf32, #tpu.memory_space<vmem_shared>> -> memref<10112x16xf32, #tpu.memory_space<vmem_shared>>
    tpu.wait_indirect_dma semaphore(%arg16 : memref<!tpu.dma_semaphore, #tpu.memory_space<semaphore_mem>>) src(%dma_wait3A_89 : memref<10112x16xf32, #tpu.memory_space<vmem_shared>>) dst(%arg10 : memref<128x16xf32, #tpu.memory_space<vmem>>)
    "tpu.region"() ({
      %run_scoped3A = tpu.sem_alloc : memref<!tpu.dma_semaphore, #tpu.memory_space<semaphore_mem>>
      %dma_start3A_135 = arith.constant 0 : i32
      %dma_start3A_136 = tpu.memref_slice %arg8[%add3A_83, %dma_start3A_135] : memref<160x128xi32, #tpu.memory_space<vmem>> -> memref<1x128xi32, #tpu.memory_space<vmem>>
      %dma_start3A_137 = tpu.memref_squeeze %dma_start3A_136 : memref<1x128xi32, #tpu.memory_space<vmem>> -> memref<128xi32, #tpu.memory_space<vmem>>
      %dma_start3A_138 = arith.constant 0 : i32
      %dma_start3A_139 = arith.constant 0 : i32
      %dma_start3A_140 = tpu.memref_slice %arg14[%dma_start3A_138, %dma_start3A_139] : memref<10112x16xf32, #tpu.memory_space<vmem_shared>> -> memref<10112x16xf32, #tpu.memory_space<vmem_shared>>
      tpu.enqueue_indirect_dma source(%arg10 : memref<128x16xf32, #tpu.memory_space<vmem>>) target(%dma_start3A_140 : memref<10112x16xf32, #tpu.memory_space<vmem_shared>>) offsets(%dma_start3A_137 : memref<128xi32, #tpu.memory_space<vmem>>) semaphore(%run_scoped3A : memref<!tpu.dma_semaphore, #tpu.memory_space<semaphore_mem>>) {add = true}
      %dma_wait3A_141 = arith.constant 0 : i32
      %dma_wait3A_142 = tpu.memref_slice %arg8[%add3A_83, %dma_wait3A_141] : memref<160x128xi32, #tpu.memory_space<vmem>> -> memref<1x128xi32, #tpu.memory_space<vmem>>
      %dma_wait3A_143 = tpu.memref_squeeze %dma_wait3A_142 : memref<1x128xi32, #tpu.memory_space<vmem>> -> memref<128xi32, #tpu.memory_space<vmem>>
      %dma_wait3A_144 = arith.constant 0 : i32
      %dma_wait3A_145 = arith.constant 0 : i32
      %dma_wait3A_146 = tpu.memref_slice %arg14[%dma_wait3A_144, %dma_wait3A_145] : memref<10112x16xf32, #tpu.memory_space<vmem_shared>> -> memref<10112x16xf32, #tpu.memory_space<vmem_shared>>
      tpu.wait_indirect_dma semaphore(%run_scoped3A : memref<!tpu.dma_semaphore, #tpu.memory_space<semaphore_mem>>) src(%arg10 : memref<128x16xf32, #tpu.memory_space<vmem>>) dst(%dma_wait3A_146 : memref<10112x16xf32, #tpu.memory_space<vmem_shared>>)
      tpu.yield
    }) : () -> ()
    %add3A_90 = arith.constant 80 : i32
    %add3A_91 = arith.addi %mul3A_31, %add3A_90 : i32
    %sub3A_92 = arith.constant 4 : i32
    %sub3A_93 = arith.subi %add3A_91, %sub3A_92 : i32
    %add3A_94 = arith.constant 2 : i32
    %add3A_95 = arith.addi %sub3A_93, %add3A_94 : i32
    %dma_wait3A_96 = arith.constant 0 : i32
    %dma_wait3A_97 = tpu.memref_slice %arg7[%add3A_95, %dma_wait3A_96] : memref<160x128xi32, #tpu.memory_space<vmem>> -> memref<1x128xi32, #tpu.memory_space<vmem>>
    %dma_wait3A_98 = tpu.memref_squeeze %dma_wait3A_97 : memref<1x128xi32, #tpu.memory_space<vmem>> -> memref<128xi32, #tpu.memory_space<vmem>>
    %dma_wait3A_99 = arith.constant 0 : i32
    %dma_wait3A_100 = arith.constant 0 : i32
    %dma_wait3A_101 = tpu.memref_slice %arg13[%dma_wait3A_99, %dma_wait3A_100] : memref<10112x16xf32, #tpu.memory_space<vmem_shared>> -> memref<10112x16xf32, #tpu.memory_space<vmem_shared>>
    tpu.wait_indirect_dma semaphore(%arg17 : memref<!tpu.dma_semaphore, #tpu.memory_space<semaphore_mem>>) src(%dma_wait3A_101 : memref<10112x16xf32, #tpu.memory_space<vmem_shared>>) dst(%arg11 : memref<128x16xf32, #tpu.memory_space<vmem>>)
    "tpu.region"() ({
      %run_scoped3A = tpu.sem_alloc : memref<!tpu.dma_semaphore, #tpu.memory_space<semaphore_mem>>
      %dma_start3A_135 = arith.constant 0 : i32
      %dma_start3A_136 = tpu.memref_slice %arg8[%add3A_95, %dma_start3A_135] : memref<160x128xi32, #tpu.memory_space<vmem>> -> memref<1x128xi32, #tpu.memory_space<vmem>>
      %dma_start3A_137 = tpu.memref_squeeze %dma_start3A_136 : memref<1x128xi32, #tpu.memory_space<vmem>> -> memref<128xi32, #tpu.memory_space<vmem>>
      %dma_start3A_138 = arith.constant 0 : i32
      %dma_start3A_139 = arith.constant 0 : i32
      %dma_start3A_140 = tpu.memref_slice %arg14[%dma_start3A_138, %dma_start3A_139] : memref<10112x16xf32, #tpu.memory_space<vmem_shared>> -> memref<10112x16xf32, #tpu.memory_space<vmem_shared>>
      tpu.enqueue_indirect_dma source(%arg11 : memref<128x16xf32, #tpu.memory_space<vmem>>) target(%dma_start3A_140 : memref<10112x16xf32, #tpu.memory_space<vmem_shared>>) offsets(%dma_start3A_137 : memref<128xi32, #tpu.memory_space<vmem>>) semaphore(%run_scoped3A : memref<!tpu.dma_semaphore, #tpu.memory_space<semaphore_mem>>) {add = true}
      %dma_wait3A_141 = arith.constant 0 : i32
      %dma_wait3A_142 = tpu.memref_slice %arg8[%add3A_95, %dma_wait3A_141] : memref<160x128xi32, #tpu.memory_space<vmem>> -> memref<1x128xi32, #tpu.memory_space<vmem>>
      %dma_wait3A_143 = tpu.memref_squeeze %dma_wait3A_142 : memref<1x128xi32, #tpu.memory_space<vmem>> -> memref<128xi32, #tpu.memory_space<vmem>>
      %dma_wait3A_144 = arith.constant 0 : i32
      %dma_wait3A_145 = arith.constant 0 : i32
      %dma_wait3A_146 = tpu.memref_slice %arg14[%dma_wait3A_144, %dma_wait3A_145] : memref<10112x16xf32, #tpu.memory_space<vmem_shared>> -> memref<10112x16xf32, #tpu.memory_space<vmem_shared>>
      tpu.wait_indirect_dma semaphore(%run_scoped3A : memref<!tpu.dma_semaphore, #tpu.memory_space<semaphore_mem>>) src(%arg11 : memref<128x16xf32, #tpu.memory_space<vmem>>) dst(%dma_wait3A_146 : memref<10112x16xf32, #tpu.memory_space<vmem_shared>>)
      tpu.yield
    }) : () -> ()
    %add3A_102 = arith.constant 80 : i32
    %add3A_103 = arith.addi %mul3A_31, %add3A_102 : i32
    %sub3A_104 = arith.constant 4 : i32
    %sub3A_105 = arith.subi %add3A_103, %sub3A_104 : i32
    %add3A_106 = arith.constant 3 : i32
    %add3A_107 = arith.addi %sub3A_105, %add3A_106 : i32
    %dma_wait3A_108 = arith.constant 0 : i32
    %dma_wait3A_109 = tpu.memref_slice %arg7[%add3A_107, %dma_wait3A_108] : memref<160x128xi32, #tpu.memory_space<vmem>> -> memref<1x128xi32, #tpu.memory_space<vmem>>
    %dma_wait3A_110 = tpu.memref_squeeze %dma_wait3A_109 : memref<1x128xi32, #tpu.memory_space<vmem>> -> memref<128xi32, #tpu.memory_space<vmem>>
    %dma_wait3A_111 = arith.constant 0 : i32
    %dma_wait3A_112 = arith.constant 0 : i32
    %dma_wait3A_113 = tpu.memref_slice %arg13[%dma_wait3A_111, %dma_wait3A_112] : memref<10112x16xf32, #tpu.memory_space<vmem_shared>> -> memref<10112x16xf32, #tpu.memory_space<vmem_shared>>
    tpu.wait_indirect_dma semaphore(%arg18 : memref<!tpu.dma_semaphore, #tpu.memory_space<semaphore_mem>>) src(%dma_wait3A_113 : memref<10112x16xf32, #tpu.memory_space<vmem_shared>>) dst(%arg12 : memref<128x16xf32, #tpu.memory_space<vmem>>)
    "tpu.region"() ({
      %run_scoped3A = tpu.sem_alloc : memref<!tpu.dma_semaphore, #tpu.memory_space<semaphore_mem>>
      %dma_start3A_135 = arith.constant 0 : i32
      %dma_start3A_136 = tpu.memref_slice %arg8[%add3A_107, %dma_start3A_135] : memref<160x128xi32, #tpu.memory_space<vmem>> -> memref<1x128xi32, #tpu.memory_space<vmem>>
      %dma_start3A_137 = tpu.memref_squeeze %dma_start3A_136 : memref<1x128xi32, #tpu.memory_space<vmem>> -> memref<128xi32, #tpu.memory_space<vmem>>
      %dma_start3A_138 = arith.constant 0 : i32
      %dma_start3A_139 = arith.constant 0 : i32
      %dma_start3A_140 = tpu.memref_slice %arg14[%dma_start3A_138, %dma_start3A_139] : memref<10112x16xf32, #tpu.memory_space<vmem_shared>> -> memref<10112x16xf32, #tpu.memory_space<vmem_shared>>
      tpu.enqueue_indirect_dma source(%arg12 : memref<128x16xf32, #tpu.memory_space<vmem>>) target(%dma_start3A_140 : memref<10112x16xf32, #tpu.memory_space<vmem_shared>>) offsets(%dma_start3A_137 : memref<128xi32, #tpu.memory_space<vmem>>) semaphore(%run_scoped3A : memref<!tpu.dma_semaphore, #tpu.memory_space<semaphore_mem>>) {add = true}
      %dma_wait3A_141 = arith.constant 0 : i32
      %dma_wait3A_142 = tpu.memref_slice %arg8[%add3A_107, %dma_wait3A_141] : memref<160x128xi32, #tpu.memory_space<vmem>> -> memref<1x128xi32, #tpu.memory_space<vmem>>
      %dma_wait3A_143 = tpu.memref_squeeze %dma_wait3A_142 : memref<1x128xi32, #tpu.memory_space<vmem>> -> memref<128xi32, #tpu.memory_space<vmem>>
      %dma_wait3A_144 = arith.constant 0 : i32
      %dma_wait3A_145 = arith.constant 0 : i32
      %dma_wait3A_146 = tpu.memref_slice %arg14[%dma_wait3A_144, %dma_wait3A_145] : memref<10112x16xf32, #tpu.memory_space<vmem_shared>> -> memref<10112x16xf32, #tpu.memory_space<vmem_shared>>
      tpu.wait_indirect_dma semaphore(%run_scoped3A : memref<!tpu.dma_semaphore, #tpu.memory_space<semaphore_mem>>) src(%arg12 : memref<128x16xf32, #tpu.memory_space<vmem>>) dst(%dma_wait3A_146 : memref<10112x16xf32, #tpu.memory_space<vmem_shared>>)
      tpu.yield
    }) : () -> ()
    %barrier3A_114 = arith.constant 0 : index
    tpu.barrier barrier_id(%barrier3A_114)
    %mul3A_115 = arith.constant 632 : i32
    %mul3A_116 = arith.muli %arg1, %mul3A_115 : i32
    %add3A_117 = arith.constant 0 : i32
    %add3A_118 = arith.addi %mul3A_116, %add3A_117 : i32
    "tpu.region"() ({
      %run_scoped3A = tpu.sem_alloc : memref<!tpu.dma_semaphore, #tpu.memory_space<semaphore_mem>>
      %dma_start3A_135 = arith.constant 0 : i32
      %dma_start3A_136 = arith.constant 0 : i32
      %dma_start3A_137 = tpu.memref_slice %arg9[%dma_start3A_135, %dma_start3A_136] : memref<128x16xf32, #tpu.memory_space<vmem>> -> memref<128x16xf32, #tpu.memory_space<vmem>>
      %dma_start3A_138 = arith.constant 0 : i32
      %dma_start3A_139 = tpu.memref_slice %arg14[%add3A_118, %dma_start3A_138] : memref<10112x16xf32, #tpu.memory_space<vmem_shared>> -> memref<128x16xf32, #tpu.memory_space<vmem_shared>>
      %dma_start3A_140 = arith.constant 0 : i32
      %dma_start3A_141 = arith.constant 0 : i32
      %dma_start3A_142 = tpu.memref_slice %arg9[%dma_start3A_140, %dma_start3A_141] : memref<128x16xf32, #tpu.memory_space<vmem>> -> memref<128x16xf32, #tpu.memory_space<vmem>>
      %dma_start3A_143 = arith.constant 0 : i32
      %dma_start3A_144 = tpu.memref_slice %arg14[%add3A_118, %dma_start3A_143] : memref<10112x16xf32, #tpu.memory_space<vmem_shared>> -> memref<128x16xf32, #tpu.memory_space<vmem_shared>>
      tpu.enqueue_dma source(%dma_start3A_144 : memref<128x16xf32, #tpu.memory_space<vmem_shared>>) target(%dma_start3A_142 : memref<128x16xf32, #tpu.memory_space<vmem>>) target_semaphore(%run_scoped3A : memref<!tpu.dma_semaphore, #tpu.memory_space<semaphore_mem>>)
      %dma_wait3A_145 = arith.constant 0 : i32
      %dma_wait3A_146 = arith.constant 0 : i32
      %dma_wait3A_147 = tpu.memref_slice %arg9[%dma_wait3A_145, %dma_wait3A_146] : memref<128x16xf32, #tpu.memory_space<vmem>> -> memref<128x16xf32, #tpu.memory_space<vmem>>
      %dma_wait3A_148 = arith.constant 0 : i32
      %dma_wait3A_149 = tpu.memref_slice %arg14[%add3A_118, %dma_wait3A_148] : memref<10112x16xf32, #tpu.memory_space<vmem_shared>> -> memref<128x16xf32, #tpu.memory_space<vmem_shared>>
      %dma_wait3A_150 = arith.constant 0 : i32
      %dma_wait3A_151 = arith.constant 0 : i32
      %dma_wait3A_152 = tpu.memref_slice %arg9[%dma_wait3A_150, %dma_wait3A_151] : memref<128x16xf32, #tpu.memory_space<vmem>> -> memref<128x16xf32, #tpu.memory_space<vmem>>
      %dma_wait3A_153 = arith.constant 0 : i32
      %dma_wait3A_154 = tpu.memref_slice %arg14[%add3A_118, %dma_wait3A_153] : memref<10112x16xf32, #tpu.memory_space<vmem_shared>> -> memref<128x16xf32, #tpu.memory_space<vmem_shared>>
      tpu.wait_dma2 semaphore(%run_scoped3A : memref<!tpu.dma_semaphore, #tpu.memory_space<semaphore_mem>>) src(%dma_wait3A_154 : memref<128x16xf32, #tpu.memory_space<vmem_shared>>) dst(%dma_wait3A_152 : memref<128x16xf32, #tpu.memory_space<vmem>>)
      tpu.yield
    }) : () -> ()
    "tpu.region"() ({
      %run_scoped3A = tpu.sem_alloc : memref<!tpu.dma_semaphore, #tpu.memory_space<semaphore_mem>>
      %dma_start3A_135 = arith.constant 0 : i32
      %dma_start3A_136 = arith.constant 0 : i32
      %dma_start3A_137 = tpu.memref_slice %arg9[%dma_start3A_135, %dma_start3A_136] : memref<128x16xf32, #tpu.memory_space<vmem>> -> memref<128x16xf32, #tpu.memory_space<vmem>>
      %dma_start3A_138 = arith.constant 0 : i32
      %dma_start3A_139 = tpu.memref_slice %arg6[%arg0, %add3A_118, %dma_start3A_138] : memref<2x10112x16xf32, #tpu.memory_space<hbm>> -> memref<1x128x16xf32, #tpu.memory_space<hbm>>
      %dma_start3A_140 = tpu.memref_squeeze %dma_start3A_139 : memref<1x128x16xf32, #tpu.memory_space<hbm>> -> memref<128x16xf32, #tpu.memory_space<hbm>>
      %dma_start3A_141 = arith.constant 0 : i32
      %dma_start3A_142 = tpu.memref_slice %arg6[%arg0, %add3A_118, %dma_start3A_141] : memref<2x10112x16xf32, #tpu.memory_space<hbm>> -> memref<1x128x16xf32, #tpu.memory_space<hbm>>
      %dma_start3A_143 = tpu.memref_squeeze %dma_start3A_142 : memref<1x128x16xf32, #tpu.memory_space<hbm>> -> memref<128x16xf32, #tpu.memory_space<hbm>>
      %dma_start3A_144 = arith.constant 0 : i32
      %dma_start3A_145 = arith.constant 0 : i32
      %dma_start3A_146 = tpu.memref_slice %arg9[%dma_start3A_144, %dma_start3A_145] : memref<128x16xf32, #tpu.memory_space<vmem>> -> memref<128x16xf32, #tpu.memory_space<vmem>>
      tpu.enqueue_dma source(%dma_start3A_146 : memref<128x16xf32, #tpu.memory_space<vmem>>) target(%dma_start3A_143 : memref<128x16xf32, #tpu.memory_space<hbm>>) target_semaphore(%run_scoped3A : memref<!tpu.dma_semaphore, #tpu.memory_space<semaphore_mem>>)
      %dma_wait3A_147 = arith.constant 0 : i32
      %dma_wait3A_148 = arith.constant 0 : i32
      %dma_wait3A_149 = tpu.memref_slice %arg9[%dma_wait3A_147, %dma_wait3A_148] : memref<128x16xf32, #tpu.memory_space<vmem>> -> memref<128x16xf32, #tpu.memory_space<vmem>>
      %dma_wait3A_150 = arith.constant 0 : i32
      %dma_wait3A_151 = tpu.memref_slice %arg6[%arg0, %add3A_118, %dma_wait3A_150] : memref<2x10112x16xf32, #tpu.memory_space<hbm>> -> memref<1x128x16xf32, #tpu.memory_space<hbm>>
      %dma_wait3A_152 = tpu.memref_squeeze %dma_wait3A_151 : memref<1x128x16xf32, #tpu.memory_space<hbm>> -> memref<128x16xf32, #tpu.memory_space<hbm>>
      %dma_wait3A_153 = arith.constant 0 : i32
      %dma_wait3A_154 = tpu.memref_slice %arg6[%arg0, %add3A_118, %dma_wait3A_153] : memref<2x10112x16xf32, #tpu.memory_space<hbm>> -> memref<1x128x16xf32, #tpu.memory_space<hbm>>
      %dma_wait3A_155 = tpu.memref_squeeze %dma_wait3A_154 : memref<1x128x16xf32, #tpu.memory_space<hbm>> -> memref<128x16xf32, #tpu.memory_space<hbm>>
      %dma_wait3A_156 = arith.constant 0 : i32
      %dma_wait3A_157 = arith.constant 0 : i32
      %dma_wait3A_158 = tpu.memref_slice %arg9[%dma_wait3A_156, %dma_wait3A_157] : memref<128x16xf32, #tpu.memory_space<vmem>> -> memref<128x16xf32, #tpu.memory_space<vmem>>
      tpu.wait_dma2 semaphore(%run_scoped3A : memref<!tpu.dma_semaphore, #tpu.memory_space<semaphore_mem>>) src(%dma_wait3A_158 : memref<128x16xf32, #tpu.memory_space<vmem>>) dst(%dma_wait3A_155 : memref<128x16xf32, #tpu.memory_space<hbm>>)
      tpu.yield
    }) : () -> ()
    %mul3A_119 = arith.constant 632 : i32
    %mul3A_120 = arith.muli %arg1, %mul3A_119 : i32
    %add3A_121 = arith.constant 128 : i32
    %add3A_122 = arith.addi %mul3A_120, %add3A_121 : i32
    "tpu.region"() ({
      %run_scoped3A = tpu.sem_alloc : memref<!tpu.dma_semaphore, #tpu.memory_space<semaphore_mem>>
      %dma_start3A_135 = arith.constant 0 : i32
      %dma_start3A_136 = arith.constant 0 : i32
      %dma_start3A_137 = tpu.memref_slice %arg9[%dma_start3A_135, %dma_start3A_136] : memref<128x16xf32, #tpu.memory_space<vmem>> -> memref<128x16xf32, #tpu.memory_space<vmem>>
      %dma_start3A_138 = arith.constant 0 : i32
      %dma_start3A_139 = tpu.memref_slice %arg14[%add3A_122, %dma_start3A_138] : memref<10112x16xf32, #tpu.memory_space<vmem_shared>> -> memref<128x16xf32, #tpu.memory_space<vmem_shared>>
      %dma_start3A_140 = arith.constant 0 : i32
      %dma_start3A_141 = arith.constant 0 : i32
      %dma_start3A_142 = tpu.memref_slice %arg9[%dma_start3A_140, %dma_start3A_141] : memref<128x16xf32, #tpu.memory_space<vmem>> -> memref<128x16xf32, #tpu.memory_space<vmem>>
      %dma_start3A_143 = arith.constant 0 : i32
      %dma_start3A_144 = tpu.memref_slice %arg14[%add3A_122, %dma_start3A_143] : memref<10112x16xf32, #tpu.memory_space<vmem_shared>> -> memref<128x16xf32, #tpu.memory_space<vmem_shared>>
      tpu.enqueue_dma source(%dma_start3A_144 : memref<128x16xf32, #tpu.memory_space<vmem_shared>>) target(%dma_start3A_142 : memref<128x16xf32, #tpu.memory_space<vmem>>) target_semaphore(%run_scoped3A : memref<!tpu.dma_semaphore, #tpu.memory_space<semaphore_mem>>)
      %dma_wait3A_145 = arith.constant 0 : i32
      %dma_wait3A_146 = arith.constant 0 : i32
      %dma_wait3A_147 = tpu.memref_slice %arg9[%dma_wait3A_145, %dma_wait3A_146] : memref<128x16xf32, #tpu.memory_space<vmem>> -> memref<128x16xf32, #tpu.memory_space<vmem>>
      %dma_wait3A_148 = arith.constant 0 : i32
      %dma_wait3A_149 = tpu.memref_slice %arg14[%add3A_122, %dma_wait3A_148] : memref<10112x16xf32, #tpu.memory_space<vmem_shared>> -> memref<128x16xf32, #tpu.memory_space<vmem_shared>>
      %dma_wait3A_150 = arith.constant 0 : i32
      %dma_wait3A_151 = arith.constant 0 : i32
      %dma_wait3A_152 = tpu.memref_slice %arg9[%dma_wait3A_150, %dma_wait3A_151] : memref<128x16xf32, #tpu.memory_space<vmem>> -> memref<128x16xf32, #tpu.memory_space<vmem>>
      %dma_wait3A_153 = arith.constant 0 : i32
      %dma_wait3A_154 = tpu.memref_slice %arg14[%add3A_122, %dma_wait3A_153] : memref<10112x16xf32, #tpu.memory_space<vmem_shared>> -> memref<128x16xf32, #tpu.memory_space<vmem_shared>>
      tpu.wait_dma2 semaphore(%run_scoped3A : memref<!tpu.dma_semaphore, #tpu.memory_space<semaphore_mem>>) src(%dma_wait3A_154 : memref<128x16xf32, #tpu.memory_space<vmem_shared>>) dst(%dma_wait3A_152 : memref<128x16xf32, #tpu.memory_space<vmem>>)
      tpu.yield
    }) : () -> ()
    "tpu.region"() ({
      %run_scoped3A = tpu.sem_alloc : memref<!tpu.dma_semaphore, #tpu.memory_space<semaphore_mem>>
      %dma_start3A_135 = arith.constant 0 : i32
      %dma_start3A_136 = arith.constant 0 : i32
      %dma_start3A_137 = tpu.memref_slice %arg9[%dma_start3A_135, %dma_start3A_136] : memref<128x16xf32, #tpu.memory_space<vmem>> -> memref<128x16xf32, #tpu.memory_space<vmem>>
      %dma_start3A_138 = arith.constant 0 : i32
      %dma_start3A_139 = tpu.memref_slice %arg6[%arg0, %add3A_122, %dma_start3A_138] : memref<2x10112x16xf32, #tpu.memory_space<hbm>> -> memref<1x128x16xf32, #tpu.memory_space<hbm>>
      %dma_start3A_140 = tpu.memref_squeeze %dma_start3A_139 : memref<1x128x16xf32, #tpu.memory_space<hbm>> -> memref<128x16xf32, #tpu.memory_space<hbm>>
      %dma_start3A_141 = arith.constant 0 : i32
      %dma_start3A_142 = tpu.memref_slice %arg6[%arg0, %add3A_122, %dma_start3A_141] : memref<2x10112x16xf32, #tpu.memory_space<hbm>> -> memref<1x128x16xf32, #tpu.memory_space<hbm>>
      %dma_start3A_143 = tpu.memref_squeeze %dma_start3A_142 : memref<1x128x16xf32, #tpu.memory_space<hbm>> -> memref<128x16xf32, #tpu.memory_space<hbm>>
      %dma_start3A_144 = arith.constant 0 : i32
      %dma_start3A_145 = arith.constant 0 : i32
      %dma_start3A_146 = tpu.memref_slice %arg9[%dma_start3A_144, %dma_start3A_145] : memref<128x16xf32, #tpu.memory_space<vmem>> -> memref<128x16xf32, #tpu.memory_space<vmem>>
      tpu.enqueue_dma source(%dma_start3A_146 : memref<128x16xf32, #tpu.memory_space<vmem>>) target(%dma_start3A_143 : memref<128x16xf32, #tpu.memory_space<hbm>>) target_semaphore(%run_scoped3A : memref<!tpu.dma_semaphore, #tpu.memory_space<semaphore_mem>>)
      %dma_wait3A_147 = arith.constant 0 : i32
      %dma_wait3A_148 = arith.constant 0 : i32
      %dma_wait3A_149 = tpu.memref_slice %arg9[%dma_wait3A_147, %dma_wait3A_148] : memref<128x16xf32, #tpu.memory_space<vmem>> -> memref<128x16xf32, #tpu.memory_space<vmem>>
      %dma_wait3A_150 = arith.constant 0 : i32
      %dma_wait3A_151 = tpu.memref_slice %arg6[%arg0, %add3A_122, %dma_wait3A_150] : memref<2x10112x16xf32, #tpu.memory_space<hbm>> -> memref<1x128x16xf32, #tpu.memory_space<hbm>>
      %dma_wait3A_152 = tpu.memref_squeeze %dma_wait3A_151 : memref<1x128x16xf32, #tpu.memory_space<hbm>> -> memref<128x16xf32, #tpu.memory_space<hbm>>
      %dma_wait3A_153 = arith.constant 0 : i32
      %dma_wait3A_154 = tpu.memref_slice %arg6[%arg0, %add3A_122, %dma_wait3A_153] : memref<2x10112x16xf32, #tpu.memory_space<hbm>> -> memref<1x128x16xf32, #tpu.memory_space<hbm>>
      %dma_wait3A_155 = tpu.memref_squeeze %dma_wait3A_154 : memref<1x128x16xf32, #tpu.memory_space<hbm>> -> memref<128x16xf32, #tpu.memory_space<hbm>>
      %dma_wait3A_156 = arith.constant 0 : i32
      %dma_wait3A_157 = arith.constant 0 : i32
      %dma_wait3A_158 = tpu.memref_slice %arg9[%dma_wait3A_156, %dma_wait3A_157] : memref<128x16xf32, #tpu.memory_space<vmem>> -> memref<128x16xf32, #tpu.memory_space<vmem>>
      tpu.wait_dma2 semaphore(%run_scoped3A : memref<!tpu.dma_semaphore, #tpu.memory_space<semaphore_mem>>) src(%dma_wait3A_158 : memref<128x16xf32, #tpu.memory_space<vmem>>) dst(%dma_wait3A_155 : memref<128x16xf32, #tpu.memory_space<hbm>>)
      tpu.yield
    }) : () -> ()
    %mul3A_123 = arith.constant 632 : i32
    %mul3A_124 = arith.muli %arg1, %mul3A_123 : i32
    %add3A_125 = arith.constant 256 : i32
    %add3A_126 = arith.addi %mul3A_124, %add3A_125 : i32
    "tpu.region"() ({
      %run_scoped3A = tpu.sem_alloc : memref<!tpu.dma_semaphore, #tpu.memory_space<semaphore_mem>>
      %dma_start3A_135 = arith.constant 0 : i32
      %dma_start3A_136 = arith.constant 0 : i32
      %dma_start3A_137 = tpu.memref_slice %arg9[%dma_start3A_135, %dma_start3A_136] : memref<128x16xf32, #tpu.memory_space<vmem>> -> memref<128x16xf32, #tpu.memory_space<vmem>>
      %dma_start3A_138 = arith.constant 0 : i32
      %dma_start3A_139 = tpu.memref_slice %arg14[%add3A_126, %dma_start3A_138] : memref<10112x16xf32, #tpu.memory_space<vmem_shared>> -> memref<128x16xf32, #tpu.memory_space<vmem_shared>>
      %dma_start3A_140 = arith.constant 0 : i32
      %dma_start3A_141 = arith.constant 0 : i32
      %dma_start3A_142 = tpu.memref_slice %arg9[%dma_start3A_140, %dma_start3A_141] : memref<128x16xf32, #tpu.memory_space<vmem>> -> memref<128x16xf32, #tpu.memory_space<vmem>>
      %dma_start3A_143 = arith.constant 0 : i32
      %dma_start3A_144 = tpu.memref_slice %arg14[%add3A_126, %dma_start3A_143] : memref<10112x16xf32, #tpu.memory_space<vmem_shared>> -> memref<128x16xf32, #tpu.memory_space<vmem_shared>>
      tpu.enqueue_dma source(%dma_start3A_144 : memref<128x16xf32, #tpu.memory_space<vmem_shared>>) target(%dma_start3A_142 : memref<128x16xf32, #tpu.memory_space<vmem>>) target_semaphore(%run_scoped3A : memref<!tpu.dma_semaphore, #tpu.memory_space<semaphore_mem>>)
      %dma_wait3A_145 = arith.constant 0 : i32
      %dma_wait3A_146 = arith.constant 0 : i32
      %dma_wait3A_147 = tpu.memref_slice %arg9[%dma_wait3A_145, %dma_wait3A_146] : memref<128x16xf32, #tpu.memory_space<vmem>> -> memref<128x16xf32, #tpu.memory_space<vmem>>
      %dma_wait3A_148 = arith.constant 0 : i32
      %dma_wait3A_149 = tpu.memref_slice %arg14[%add3A_126, %dma_wait3A_148] : memref<10112x16xf32, #tpu.memory_space<vmem_shared>> -> memref<128x16xf32, #tpu.memory_space<vmem_shared>>
      %dma_wait3A_150 = arith.constant 0 : i32
      %dma_wait3A_151 = arith.constant 0 : i32
      %dma_wait3A_152 = tpu.memref_slice %arg9[%dma_wait3A_150, %dma_wait3A_151] : memref<128x16xf32, #tpu.memory_space<vmem>> -> memref<128x16xf32, #tpu.memory_space<vmem>>
      %dma_wait3A_153 = arith.constant 0 : i32
      %dma_wait3A_154 = tpu.memref_slice %arg14[%add3A_126, %dma_wait3A_153] : memref<10112x16xf32, #tpu.memory_space<vmem_shared>> -> memref<128x16xf32, #tpu.memory_space<vmem_shared>>
      tpu.wait_dma2 semaphore(%run_scoped3A : memref<!tpu.dma_semaphore, #tpu.memory_space<semaphore_mem>>) src(%dma_wait3A_154 : memref<128x16xf32, #tpu.memory_space<vmem_shared>>) dst(%dma_wait3A_152 : memref<128x16xf32, #tpu.memory_space<vmem>>)
      tpu.yield
    }) : () -> ()
    "tpu.region"() ({
      %run_scoped3A = tpu.sem_alloc : memref<!tpu.dma_semaphore, #tpu.memory_space<semaphore_mem>>
      %dma_start3A_135 = arith.constant 0 : i32
      %dma_start3A_136 = arith.constant 0 : i32
      %dma_start3A_137 = tpu.memref_slice %arg9[%dma_start3A_135, %dma_start3A_136] : memref<128x16xf32, #tpu.memory_space<vmem>> -> memref<128x16xf32, #tpu.memory_space<vmem>>
      %dma_start3A_138 = arith.constant 0 : i32
      %dma_start3A_139 = tpu.memref_slice %arg6[%arg0, %add3A_126, %dma_start3A_138] : memref<2x10112x16xf32, #tpu.memory_space<hbm>> -> memref<1x128x16xf32, #tpu.memory_space<hbm>>
      %dma_start3A_140 = tpu.memref_squeeze %dma_start3A_139 : memref<1x128x16xf32, #tpu.memory_space<hbm>> -> memref<128x16xf32, #tpu.memory_space<hbm>>
      %dma_start3A_141 = arith.constant 0 : i32
      %dma_start3A_142 = tpu.memref_slice %arg6[%arg0, %add3A_126, %dma_start3A_141] : memref<2x10112x16xf32, #tpu.memory_space<hbm>> -> memref<1x128x16xf32, #tpu.memory_space<hbm>>
      %dma_start3A_143 = tpu.memref_squeeze %dma_start3A_142 : memref<1x128x16xf32, #tpu.memory_space<hbm>> -> memref<128x16xf32, #tpu.memory_space<hbm>>
      %dma_start3A_144 = arith.constant 0 : i32
      %dma_start3A_145 = arith.constant 0 : i32
      %dma_start3A_146 = tpu.memref_slice %arg9[%dma_start3A_144, %dma_start3A_145] : memref<128x16xf32, #tpu.memory_space<vmem>> -> memref<128x16xf32, #tpu.memory_space<vmem>>
      tpu.enqueue_dma source(%dma_start3A_146 : memref<128x16xf32, #tpu.memory_space<vmem>>) target(%dma_start3A_143 : memref<128x16xf32, #tpu.memory_space<hbm>>) target_semaphore(%run_scoped3A : memref<!tpu.dma_semaphore, #tpu.memory_space<semaphore_mem>>)
      %dma_wait3A_147 = arith.constant 0 : i32
      %dma_wait3A_148 = arith.constant 0 : i32
      %dma_wait3A_149 = tpu.memref_slice %arg9[%dma_wait3A_147, %dma_wait3A_148] : memref<128x16xf32, #tpu.memory_space<vmem>> -> memref<128x16xf32, #tpu.memory_space<vmem>>
      %dma_wait3A_150 = arith.constant 0 : i32
      %dma_wait3A_151 = tpu.memref_slice %arg6[%arg0, %add3A_126, %dma_wait3A_150] : memref<2x10112x16xf32, #tpu.memory_space<hbm>> -> memref<1x128x16xf32, #tpu.memory_space<hbm>>
      %dma_wait3A_152 = tpu.memref_squeeze %dma_wait3A_151 : memref<1x128x16xf32, #tpu.memory_space<hbm>> -> memref<128x16xf32, #tpu.memory_space<hbm>>
      %dma_wait3A_153 = arith.constant 0 : i32
      %dma_wait3A_154 = tpu.memref_slice %arg6[%arg0, %add3A_126, %dma_wait3A_153] : memref<2x10112x16xf32, #tpu.memory_space<hbm>> -> memref<1x128x16xf32, #tpu.memory_space<hbm>>
      %dma_wait3A_155 = tpu.memref_squeeze %dma_wait3A_154 : memref<1x128x16xf32, #tpu.memory_space<hbm>> -> memref<128x16xf32, #tpu.memory_space<hbm>>
      %dma_wait3A_156 = arith.constant 0 : i32
      %dma_wait3A_157 = arith.constant 0 : i32
      %dma_wait3A_158 = tpu.memref_slice %arg9[%dma_wait3A_156, %dma_wait3A_157] : memref<128x16xf32, #tpu.memory_space<vmem>> -> memref<128x16xf32, #tpu.memory_space<vmem>>
      tpu.wait_dma2 semaphore(%run_scoped3A : memref<!tpu.dma_semaphore, #tpu.memory_space<semaphore_mem>>) src(%dma_wait3A_158 : memref<128x16xf32, #tpu.memory_space<vmem>>) dst(%dma_wait3A_155 : memref<128x16xf32, #tpu.memory_space<hbm>>)
      tpu.yield
    }) : () -> ()
    %mul3A_127 = arith.constant 632 : i32
    %mul3A_128 = arith.muli %arg1, %mul3A_127 : i32
    %add3A_129 = arith.constant 384 : i32
    %add3A_130 = arith.addi %mul3A_128, %add3A_129 : i32
    "tpu.region"() ({
      %run_scoped3A = tpu.sem_alloc : memref<!tpu.dma_semaphore, #tpu.memory_space<semaphore_mem>>
      %dma_start3A_135 = arith.constant 0 : i32
      %dma_start3A_136 = arith.constant 0 : i32
      %dma_start3A_137 = tpu.memref_slice %arg9[%dma_start3A_135, %dma_start3A_136] : memref<128x16xf32, #tpu.memory_space<vmem>> -> memref<128x16xf32, #tpu.memory_space<vmem>>
      %dma_start3A_138 = arith.constant 0 : i32
      %dma_start3A_139 = tpu.memref_slice %arg14[%add3A_130, %dma_start3A_138] : memref<10112x16xf32, #tpu.memory_space<vmem_shared>> -> memref<128x16xf32, #tpu.memory_space<vmem_shared>>
      %dma_start3A_140 = arith.constant 0 : i32
      %dma_start3A_141 = arith.constant 0 : i32
      %dma_start3A_142 = tpu.memref_slice %arg9[%dma_start3A_140, %dma_start3A_141] : memref<128x16xf32, #tpu.memory_space<vmem>> -> memref<128x16xf32, #tpu.memory_space<vmem>>
      %dma_start3A_143 = arith.constant 0 : i32
      %dma_start3A_144 = tpu.memref_slice %arg14[%add3A_130, %dma_start3A_143] : memref<10112x16xf32, #tpu.memory_space<vmem_shared>> -> memref<128x16xf32, #tpu.memory_space<vmem_shared>>
      tpu.enqueue_dma source(%dma_start3A_144 : memref<128x16xf32, #tpu.memory_space<vmem_shared>>) target(%dma_start3A_142 : memref<128x16xf32, #tpu.memory_space<vmem>>) target_semaphore(%run_scoped3A : memref<!tpu.dma_semaphore, #tpu.memory_space<semaphore_mem>>)
      %dma_wait3A_145 = arith.constant 0 : i32
      %dma_wait3A_146 = arith.constant 0 : i32
      %dma_wait3A_147 = tpu.memref_slice %arg9[%dma_wait3A_145, %dma_wait3A_146] : memref<128x16xf32, #tpu.memory_space<vmem>> -> memref<128x16xf32, #tpu.memory_space<vmem>>
      %dma_wait3A_148 = arith.constant 0 : i32
      %dma_wait3A_149 = tpu.memref_slice %arg14[%add3A_130, %dma_wait3A_148] : memref<10112x16xf32, #tpu.memory_space<vmem_shared>> -> memref<128x16xf32, #tpu.memory_space<vmem_shared>>
      %dma_wait3A_150 = arith.constant 0 : i32
      %dma_wait3A_151 = arith.constant 0 : i32
      %dma_wait3A_152 = tpu.memref_slice %arg9[%dma_wait3A_150, %dma_wait3A_151] : memref<128x16xf32, #tpu.memory_space<vmem>> -> memref<128x16xf32, #tpu.memory_space<vmem>>
      %dma_wait3A_153 = arith.constant 0 : i32
      %dma_wait3A_154 = tpu.memref_slice %arg14[%add3A_130, %dma_wait3A_153] : memref<10112x16xf32, #tpu.memory_space<vmem_shared>> -> memref<128x16xf32, #tpu.memory_space<vmem_shared>>
      tpu.wait_dma2 semaphore(%run_scoped3A : memref<!tpu.dma_semaphore, #tpu.memory_space<semaphore_mem>>) src(%dma_wait3A_154 : memref<128x16xf32, #tpu.memory_space<vmem_shared>>) dst(%dma_wait3A_152 : memref<128x16xf32, #tpu.memory_space<vmem>>)
      tpu.yield
    }) : () -> ()
    "tpu.region"() ({
      %run_scoped3A = tpu.sem_alloc : memref<!tpu.dma_semaphore, #tpu.memory_space<semaphore_mem>>
      %dma_start3A_135 = arith.constant 0 : i32
      %dma_start3A_136 = arith.constant 0 : i32
      %dma_start3A_137 = tpu.memref_slice %arg9[%dma_start3A_135, %dma_start3A_136] : memref<128x16xf32, #tpu.memory_space<vmem>> -> memref<128x16xf32, #tpu.memory_space<vmem>>
      %dma_start3A_138 = arith.constant 0 : i32
      %dma_start3A_139 = tpu.memref_slice %arg6[%arg0, %add3A_130, %dma_start3A_138] : memref<2x10112x16xf32, #tpu.memory_space<hbm>> -> memref<1x128x16xf32, #tpu.memory_space<hbm>>
      %dma_start3A_140 = tpu.memref_squeeze %dma_start3A_139 : memref<1x128x16xf32, #tpu.memory_space<hbm>> -> memref<128x16xf32, #tpu.memory_space<hbm>>
      %dma_start3A_141 = arith.constant 0 : i32
      %dma_start3A_142 = tpu.memref_slice %arg6[%arg0, %add3A_130, %dma_start3A_141] : memref<2x10112x16xf32, #tpu.memory_space<hbm>> -> memref<1x128x16xf32, #tpu.memory_space<hbm>>
      %dma_start3A_143 = tpu.memref_squeeze %dma_start3A_142 : memref<1x128x16xf32, #tpu.memory_space<hbm>> -> memref<128x16xf32, #tpu.memory_space<hbm>>
      %dma_start3A_144 = arith.constant 0 : i32
      %dma_start3A_145 = arith.constant 0 : i32
      %dma_start3A_146 = tpu.memref_slice %arg9[%dma_start3A_144, %dma_start3A_145] : memref<128x16xf32, #tpu.memory_space<vmem>> -> memref<128x16xf32, #tpu.memory_space<vmem>>
      tpu.enqueue_dma source(%dma_start3A_146 : memref<128x16xf32, #tpu.memory_space<vmem>>) target(%dma_start3A_143 : memref<128x16xf32, #tpu.memory_space<hbm>>) target_semaphore(%run_scoped3A : memref<!tpu.dma_semaphore, #tpu.memory_space<semaphore_mem>>)
      %dma_wait3A_147 = arith.constant 0 : i32
      %dma_wait3A_148 = arith.constant 0 : i32
      %dma_wait3A_149 = tpu.memref_slice %arg9[%dma_wait3A_147, %dma_wait3A_148] : memref<128x16xf32, #tpu.memory_space<vmem>> -> memref<128x16xf32, #tpu.memory_space<vmem>>
      %dma_wait3A_150 = arith.constant 0 : i32
      %dma_wait3A_151 = tpu.memref_slice %arg6[%arg0, %add3A_130, %dma_wait3A_150] : memref<2x10112x16xf32, #tpu.memory_space<hbm>> -> memref<1x128x16xf32, #tpu.memory_space<hbm>>
      %dma_wait3A_152 = tpu.memref_squeeze %dma_wait3A_151 : memref<1x128x16xf32, #tpu.memory_space<hbm>> -> memref<128x16xf32, #tpu.memory_space<hbm>>
      %dma_wait3A_153 = arith.constant 0 : i32
      %dma_wait3A_154 = tpu.memref_slice %arg6[%arg0, %add3A_130, %dma_wait3A_153] : memref<2x10112x16xf32, #tpu.memory_space<hbm>> -> memref<1x128x16xf32, #tpu.memory_space<hbm>>
      %dma_wait3A_155 = tpu.memref_squeeze %dma_wait3A_154 : memref<1x128x16xf32, #tpu.memory_space<hbm>> -> memref<128x16xf32, #tpu.memory_space<hbm>>
      %dma_wait3A_156 = arith.constant 0 : i32
      %dma_wait3A_157 = arith.constant 0 : i32
      %dma_wait3A_158 = tpu.memref_slice %arg9[%dma_wait3A_156, %dma_wait3A_157] : memref<128x16xf32, #tpu.memory_space<vmem>> -> memref<128x16xf32, #tpu.memory_space<vmem>>
      tpu.wait_dma2 semaphore(%run_scoped3A : memref<!tpu.dma_semaphore, #tpu.memory_space<semaphore_mem>>) src(%dma_wait3A_158 : memref<128x16xf32, #tpu.memory_space<vmem>>) dst(%dma_wait3A_155 : memref<128x16xf32, #tpu.memory_space<hbm>>)
      tpu.yield
    }) : () -> ()
    %mul3A_131 = arith.constant 632 : i32
    %mul3A_132 = arith.muli %arg1, %mul3A_131 : i32
    %add3A_133 = arith.constant 512 : i32
    %add3A_134 = arith.addi %mul3A_132, %add3A_133 : i32
    "tpu.region"() ({
      %run_scoped3A = tpu.sem_alloc : memref<!tpu.dma_semaphore, #tpu.memory_space<semaphore_mem>>
      %dma_start3A_135 = arith.constant 0 : i32
      %dma_start3A_136 = arith.constant 0 : i32
      %dma_start3A_137 = tpu.memref_slice %arg9[%dma_start3A_135, %dma_start3A_136] : memref<128x16xf32, #tpu.memory_space<vmem>> -> memref<120x16xf32, #tpu.memory_space<vmem>>
      %dma_start3A_138 = arith.constant 0 : i32
      %dma_start3A_139 = tpu.memref_slice %arg14[%add3A_134, %dma_start3A_138] : memref<10112x16xf32, #tpu.memory_space<vmem_shared>> -> memref<120x16xf32, #tpu.memory_space<vmem_shared>>
      %dma_start3A_140 = arith.constant 0 : i32
      %dma_start3A_141 = arith.constant 0 : i32
      %dma_start3A_142 = tpu.memref_slice %arg9[%dma_start3A_140, %dma_start3A_141] : memref<128x16xf32, #tpu.memory_space<vmem>> -> memref<120x16xf32, #tpu.memory_space<vmem>>
      %dma_start3A_143 = arith.constant 0 : i32
      %dma_start3A_144 = tpu.memref_slice %arg14[%add3A_134, %dma_start3A_143] : memref<10112x16xf32, #tpu.memory_space<vmem_shared>> -> memref<120x16xf32, #tpu.memory_space<vmem_shared>>
      tpu.enqueue_dma source(%dma_start3A_144 : memref<120x16xf32, #tpu.memory_space<vmem_shared>>) target(%dma_start3A_142 : memref<120x16xf32, #tpu.memory_space<vmem>>) target_semaphore(%run_scoped3A : memref<!tpu.dma_semaphore, #tpu.memory_space<semaphore_mem>>)
      %dma_wait3A_145 = arith.constant 0 : i32
      %dma_wait3A_146 = arith.constant 0 : i32
      %dma_wait3A_147 = tpu.memref_slice %arg9[%dma_wait3A_145, %dma_wait3A_146] : memref<128x16xf32, #tpu.memory_space<vmem>> -> memref<120x16xf32, #tpu.memory_space<vmem>>
      %dma_wait3A_148 = arith.constant 0 : i32
      %dma_wait3A_149 = tpu.memref_slice %arg14[%add3A_134, %dma_wait3A_148] : memref<10112x16xf32, #tpu.memory_space<vmem_shared>> -> memref<120x16xf32, #tpu.memory_space<vmem_shared>>
      %dma_wait3A_150 = arith.constant 0 : i32
      %dma_wait3A_151 = arith.constant 0 : i32
      %dma_wait3A_152 = tpu.memref_slice %arg9[%dma_wait3A_150, %dma_wait3A_151] : memref<128x16xf32, #tpu.memory_space<vmem>> -> memref<120x16xf32, #tpu.memory_space<vmem>>
      %dma_wait3A_153 = arith.constant 0 : i32
      %dma_wait3A_154 = tpu.memref_slice %arg14[%add3A_134, %dma_wait3A_153] : memref<10112x16xf32, #tpu.memory_space<vmem_shared>> -> memref<120x16xf32, #tpu.memory_space<vmem_shared>>
      tpu.wait_dma2 semaphore(%run_scoped3A : memref<!tpu.dma_semaphore, #tpu.memory_space<semaphore_mem>>) src(%dma_wait3A_154 : memref<120x16xf32, #tpu.memory_space<vmem_shared>>) dst(%dma_wait3A_152 : memref<120x16xf32, #tpu.memory_space<vmem>>)
      tpu.yield
    }) : () -> ()
    "tpu.region"() ({
      %run_scoped3A = tpu.sem_alloc : memref<!tpu.dma_semaphore, #tpu.memory_space<semaphore_mem>>
      %dma_start3A_135 = arith.constant 0 : i32
      %dma_start3A_136 = arith.constant 0 : i32
      %dma_start3A_137 = tpu.memref_slice %arg9[%dma_start3A_135, %dma_start3A_136] : memref<128x16xf32, #tpu.memory_space<vmem>> -> memref<120x16xf32, #tpu.memory_space<vmem>>
      %dma_start3A_138 = arith.constant 0 : i32
      %dma_start3A_139 = tpu.memref_slice %arg6[%arg0, %add3A_134, %dma_start3A_138] : memref<2x10112x16xf32, #tpu.memory_space<hbm>> -> memref<1x120x16xf32, #tpu.memory_space<hbm>>
      %dma_start3A_140 = tpu.memref_squeeze %dma_start3A_139 : memref<1x120x16xf32, #tpu.memory_space<hbm>> -> memref<120x16xf32, #tpu.memory_space<hbm>>
      %dma_start3A_141 = arith.constant 0 : i32
      %dma_start3A_142 = tpu.memref_slice %arg6[%arg0, %add3A_134, %dma_start3A_141] : memref<2x10112x16xf32, #tpu.memory_space<hbm>> -> memref<1x120x16xf32, #tpu.memory_space<hbm>>
      %dma_start3A_143 = tpu.memref_squeeze %dma_start3A_142 : memref<1x120x16xf32, #tpu.memory_space<hbm>> -> memref<120x16xf32, #tpu.memory_space<hbm>>
      %dma_start3A_144 = arith.constant 0 : i32
      %dma_start3A_145 = arith.constant 0 : i32
      %dma_start3A_146 = tpu.memref_slice %arg9[%dma_start3A_144, %dma_start3A_145] : memref<128x16xf32, #tpu.memory_space<vmem>> -> memref<120x16xf32, #tpu.memory_space<vmem>>
      tpu.enqueue_dma source(%dma_start3A_146 : memref<120x16xf32, #tpu.memory_space<vmem>>) target(%dma_start3A_143 : memref<120x16xf32, #tpu.memory_space<hbm>>) target_semaphore(%run_scoped3A : memref<!tpu.dma_semaphore, #tpu.memory_space<semaphore_mem>>)
      %dma_wait3A_147 = arith.constant 0 : i32
      %dma_wait3A_148 = arith.constant 0 : i32
      %dma_wait3A_149 = tpu.memref_slice %arg9[%dma_wait3A_147, %dma_wait3A_148] : memref<128x16xf32, #tpu.memory_space<vmem>> -> memref<120x16xf32, #tpu.memory_space<vmem>>
      %dma_wait3A_150 = arith.constant 0 : i32
      %dma_wait3A_151 = tpu.memref_slice %arg6[%arg0, %add3A_134, %dma_wait3A_150] : memref<2x10112x16xf32, #tpu.memory_space<hbm>> -> memref<1x120x16xf32, #tpu.memory_space<hbm>>
      %dma_wait3A_152 = tpu.memref_squeeze %dma_wait3A_151 : memref<1x120x16xf32, #tpu.memory_space<hbm>> -> memref<120x16xf32, #tpu.memory_space<hbm>>
      %dma_wait3A_153 = arith.constant 0 : i32
      %dma_wait3A_154 = tpu.memref_slice %arg6[%arg0, %add3A_134, %dma_wait3A_153] : memref<2x10112x16xf32, #tpu.memory_space<hbm>> -> memref<1x120x16xf32, #tpu.memory_space<hbm>>
      %dma_wait3A_155 = tpu.memref_squeeze %dma_wait3A_154 : memref<1x120x16xf32, #tpu.memory_space<hbm>> -> memref<120x16xf32, #tpu.memory_space<hbm>>
      %dma_wait3A_156 = arith.constant 0 : i32
      %dma_wait3A_157 = arith.constant 0 : i32
      %dma_wait3A_158 = tpu.memref_slice %arg9[%dma_wait3A_156, %dma_wait3A_157] : memref<128x16xf32, #tpu.memory_space<vmem>> -> memref<120x16xf32, #tpu.memory_space<vmem>>
      tpu.wait_dma2 semaphore(%run_scoped3A : memref<!tpu.dma_semaphore, #tpu.memory_space<semaphore_mem>>) src(%dma_wait3A_158 : memref<120x16xf32, #tpu.memory_space<vmem>>) dst(%dma_wait3A_155 : memref<120x16xf32, #tpu.memory_space<hbm>>)
      tpu.yield
    }) : () -> ()
    return
  }
}

#map = affine_map<(d0, d1) -> (0, 0, 0)>
#map1 = affine_map<(d0, d1) -> (0)>
module attributes {stable_mosaic.version = 14 : i64} {
  func.func @k(%arg0: i32, %arg1: i32, %arg2: memref<16x160x128xi32, #tpu.memory_space<hbm>>, %arg3: memref<10112xf32, #tpu.memory_space<hbm>>, %arg4: memref<20224xf32, #tpu.memory_space<hbm>>, %arg5: memref<160x128xi32, #tpu.memory_space<vmem>>, %arg6: memref<128xf32, #tpu.memory_space<vmem>>, %arg7: memref<632xf32, #tpu.memory_space<vmem>>, %arg8: memref<10112xf32, #tpu.memory_space<vmem_shared>>) attributes {dimension_semantics = [#tpu.dimension_semantics<core_parallel>, #tpu.dimension_semantics<subcore_parallel>], iteration_bounds = array<i64: 2, 16>, scalar_prefetch = 0 : i64, scratch_operands = 4 : i64, tpu.core_type = #tpu.core_type<sc_vector_subcore>, window_params = [{transform_indices = #map}, {transform_indices = #map1}, {transform_indices = #map1}]} {
    %eq3A = arith.constant 0 : i32
    %eq3A_0 = arith.cmpi eq, %arg1, %eq3A : i32
    %convert_element_type3A = arith.extui %eq3A_0 : i1 to i32
    %cond3A = arith.constant 0 : i32
    %cond3A_1 = arith.cmpi ne, %convert_element_type3A, %cond3A : i32
    scf.if %cond3A_1 {
      "tpu.region"() ({
        %run_scoped3A = tpu.sem_alloc : memref<!tpu.dma_semaphore, #tpu.memory_space<semaphore_mem>>
        tpu.enqueue_dma source(%arg3 : memref<10112xf32, #tpu.memory_space<hbm>>) target(%arg8 : memref<10112xf32, #tpu.memory_space<vmem_shared>>) target_semaphore(%run_scoped3A : memref<!tpu.dma_semaphore, #tpu.memory_space<semaphore_mem>>)
        tpu.wait_dma2 semaphore(%run_scoped3A : memref<!tpu.dma_semaphore, #tpu.memory_space<semaphore_mem>>) src(%arg3 : memref<10112xf32, #tpu.memory_space<hbm>>) dst(%arg8 : memref<10112xf32, #tpu.memory_space<vmem_shared>>)
        tpu.yield
      }) : () -> ()
    } else {
    }
    "tpu.region"() ({
      %run_scoped3A = tpu.sem_alloc : memref<!tpu.dma_semaphore, #tpu.memory_space<semaphore_mem>>
      %dma_start3A = arith.constant 0 : i32
      %dma_start3A_61 = arith.constant 0 : i32
      %dma_start3A_62 = tpu.memref_slice %arg2[%arg1, %dma_start3A, %dma_start3A_61] : memref<16x160x128xi32, #tpu.memory_space<hbm>> -> memref<1x160x128xi32, #tpu.memory_space<hbm>>
      %dma_start3A_63 = tpu.memref_squeeze %dma_start3A_62 : memref<1x160x128xi32, #tpu.memory_space<hbm>> -> memref<160x128xi32, #tpu.memory_space<hbm>>
      %dma_start3A_64 = arith.constant 0 : i32
      %dma_start3A_65 = arith.constant 0 : i32
      %dma_start3A_66 = tpu.memref_slice %arg2[%arg1, %dma_start3A_64, %dma_start3A_65] : memref<16x160x128xi32, #tpu.memory_space<hbm>> -> memref<1x160x128xi32, #tpu.memory_space<hbm>>
      %dma_start3A_67 = tpu.memref_squeeze %dma_start3A_66 : memref<1x160x128xi32, #tpu.memory_space<hbm>> -> memref<160x128xi32, #tpu.memory_space<hbm>>
      tpu.enqueue_dma source(%dma_start3A_67 : memref<160x128xi32, #tpu.memory_space<hbm>>) target(%arg5 : memref<160x128xi32, #tpu.memory_space<vmem>>) target_semaphore(%run_scoped3A : memref<!tpu.dma_semaphore, #tpu.memory_space<semaphore_mem>>)
      %dma_wait3A = arith.constant 0 : i32
      %dma_wait3A_68 = arith.constant 0 : i32
      %dma_wait3A_69 = tpu.memref_slice %arg2[%arg1, %dma_wait3A, %dma_wait3A_68] : memref<16x160x128xi32, #tpu.memory_space<hbm>> -> memref<1x160x128xi32, #tpu.memory_space<hbm>>
      %dma_wait3A_70 = tpu.memref_squeeze %dma_wait3A_69 : memref<1x160x128xi32, #tpu.memory_space<hbm>> -> memref<160x128xi32, #tpu.memory_space<hbm>>
      %dma_wait3A_71 = arith.constant 0 : i32
      %dma_wait3A_72 = arith.constant 0 : i32
      %dma_wait3A_73 = tpu.memref_slice %arg2[%arg1, %dma_wait3A_71, %dma_wait3A_72] : memref<16x160x128xi32, #tpu.memory_space<hbm>> -> memref<1x160x128xi32, #tpu.memory_space<hbm>>
      %dma_wait3A_74 = tpu.memref_squeeze %dma_wait3A_73 : memref<1x160x128xi32, #tpu.memory_space<hbm>> -> memref<160x128xi32, #tpu.memory_space<hbm>>
      tpu.wait_dma2 semaphore(%run_scoped3A : memref<!tpu.dma_semaphore, #tpu.memory_space<semaphore_mem>>) src(%dma_wait3A_74 : memref<160x128xi32, #tpu.memory_space<hbm>>) dst(%arg5 : memref<160x128xi32, #tpu.memory_space<vmem>>)
      tpu.yield
    }) : () -> ()
    %broadcast_in_dim3A = arith.constant 1.000000e+00 : f32
    %broadcast_in_dim3A_2 = vector.broadcast %broadcast_in_dim3A : f32 to vector<16xf32>
    %swap3A = arith.constant 0 : index
    %swap3A_3 = tpu.vector_load %arg6[%swap3A] {strides = array<i32>} : memref<128xf32, #tpu.memory_space<vmem>>, vector<16xf32>,
    %swap3A_4 = vector.shape_cast %swap3A_3 : vector<16xf32> to vector<16xf32>
    %swap3A_5 = vector.shape_cast %broadcast_in_dim3A_2 : vector<16xf32> to vector<16xf32>
    tpu.vector_store %arg6[%swap3A], %swap3A_5 {strides = array<i32>} : memref<128xf32, #tpu.memory_space<vmem>>, vector<16xf32>,
    %broadcast_in_dim3A_6 = arith.constant 1.000000e+00 : f32
    %broadcast_in_dim3A_7 = vector.broadcast %broadcast_in_dim3A_6 : f32 to vector<16xf32>
    %swap3A_8 = arith.constant 16 : index
    %swap3A_9 = tpu.vector_load %arg6[%swap3A_8] {strides = array<i32>} : memref<128xf32, #tpu.memory_space<vmem>>, vector<16xf32>,
    %swap3A_10 = vector.shape_cast %swap3A_9 : vector<16xf32> to vector<16xf32>
    %swap3A_11 = vector.shape_cast %broadcast_in_dim3A_7 : vector<16xf32> to vector<16xf32>
    tpu.vector_store %arg6[%swap3A_8], %swap3A_11 {strides = array<i32>} : memref<128xf32, #tpu.memory_space<vmem>>, vector<16xf32>,
    %broadcast_in_dim3A_12 = arith.constant 1.000000e+00 : f32
    %broadcast_in_dim3A_13 = vector.broadcast %broadcast_in_dim3A_12 : f32 to vector<16xf32>
    %swap3A_14 = arith.constant 32 : index
    %swap3A_15 = tpu.vector_load %arg6[%swap3A_14] {strides = array<i32>} : memref<128xf32, #tpu.memory_space<vmem>>, vector<16xf32>,
    %swap3A_16 = vector.shape_cast %swap3A_15 : vector<16xf32> to vector<16xf32>
    %swap3A_17 = vector.shape_cast %broadcast_in_dim3A_13 : vector<16xf32> to vector<16xf32>
    tpu.vector_store %arg6[%swap3A_14], %swap3A_17 {strides = array<i32>} : memref<128xf32, #tpu.memory_space<vmem>>, vector<16xf32>,
    %broadcast_in_dim3A_18 = arith.constant 1.000000e+00 : f32
    %broadcast_in_dim3A_19 = vector.broadcast %broadcast_in_dim3A_18 : f32 to vector<16xf32>
    %swap3A_20 = arith.constant 48 : index
    %swap3A_21 = tpu.vector_load %arg6[%swap3A_20] {strides = array<i32>} : memref<128xf32, #tpu.memory_space<vmem>>, vector<16xf32>,
    %swap3A_22 = vector.shape_cast %swap3A_21 : vector<16xf32> to vector<16xf32>
    %swap3A_23 = vector.shape_cast %broadcast_in_dim3A_19 : vector<16xf32> to vector<16xf32>
    tpu.vector_store %arg6[%swap3A_20], %swap3A_23 {strides = array<i32>} : memref<128xf32, #tpu.memory_space<vmem>>, vector<16xf32>,
    %broadcast_in_dim3A_24 = arith.constant 1.000000e+00 : f32
    %broadcast_in_dim3A_25 = vector.broadcast %broadcast_in_dim3A_24 : f32 to vector<16xf32>
    %swap3A_26 = arith.constant 64 : index
    %swap3A_27 = tpu.vector_load %arg6[%swap3A_26] {strides = array<i32>} : memref<128xf32, #tpu.memory_space<vmem>>, vector<16xf32>,
    %swap3A_28 = vector.shape_cast %swap3A_27 : vector<16xf32> to vector<16xf32>
    %swap3A_29 = vector.shape_cast %broadcast_in_dim3A_25 : vector<16xf32> to vector<16xf32>
    tpu.vector_store %arg6[%swap3A_26], %swap3A_29 {strides = array<i32>} : memref<128xf32, #tpu.memory_space<vmem>>, vector<16xf32>,
    %broadcast_in_dim3A_30 = arith.constant 1.000000e+00 : f32
    %broadcast_in_dim3A_31 = vector.broadcast %broadcast_in_dim3A_30 : f32 to vector<16xf32>
    %swap3A_32 = arith.constant 80 : index
    %swap3A_33 = tpu.vector_load %arg6[%swap3A_32] {strides = array<i32>} : memref<128xf32, #tpu.memory_space<vmem>>, vector<16xf32>,
    %swap3A_34 = vector.shape_cast %swap3A_33 : vector<16xf32> to vector<16xf32>
    %swap3A_35 = vector.shape_cast %broadcast_in_dim3A_31 : vector<16xf32> to vector<16xf32>
    tpu.vector_store %arg6[%swap3A_32], %swap3A_35 {strides = array<i32>} : memref<128xf32, #tpu.memory_space<vmem>>, vector<16xf32>,
    %broadcast_in_dim3A_36 = arith.constant 1.000000e+00 : f32
    %broadcast_in_dim3A_37 = vector.broadcast %broadcast_in_dim3A_36 : f32 to vector<16xf32>
    %swap3A_38 = arith.constant 96 : index
    %swap3A_39 = tpu.vector_load %arg6[%swap3A_38] {strides = array<i32>} : memref<128xf32, #tpu.memory_space<vmem>>, vector<16xf32>,
    %swap3A_40 = vector.shape_cast %swap3A_39 : vector<16xf32> to vector<16xf32>
    %swap3A_41 = vector.shape_cast %broadcast_in_dim3A_37 : vector<16xf32> to vector<16xf32>
    tpu.vector_store %arg6[%swap3A_38], %swap3A_41 {strides = array<i32>} : memref<128xf32, #tpu.memory_space<vmem>>, vector<16xf32>,
    %broadcast_in_dim3A_42 = arith.constant 1.000000e+00 : f32
    %broadcast_in_dim3A_43 = vector.broadcast %broadcast_in_dim3A_42 : f32 to vector<16xf32>
    %swap3A_44 = arith.constant 112 : index
    %swap3A_45 = tpu.vector_load %arg6[%swap3A_44] {strides = array<i32>} : memref<128xf32, #tpu.memory_space<vmem>>, vector<16xf32>,
    %swap3A_46 = vector.shape_cast %swap3A_45 : vector<16xf32> to vector<16xf32>
    %swap3A_47 = vector.shape_cast %broadcast_in_dim3A_43 : vector<16xf32> to vector<16xf32>
    tpu.vector_store %arg6[%swap3A_44], %swap3A_47 {strides = array<i32>} : memref<128xf32, #tpu.memory_space<vmem>>, vector<16xf32>,
    %barrier3A = arith.constant 0 : index
    tpu.barrier barrier_id(%barrier3A)
    %mul3A = arith.constant 80 : i32
    %mul3A_48 = arith.muli %arg0, %mul3A : i32
    %scan3A = arith.constant 0 : i32
    %scan3A_49 = arith.constant 0 : i32
    %scan3A_50 = arith.constant 80 : i32
    %scan3A_51 = arith.addi %scan3A_49, %scan3A_50 : i32
    %scan3A_52 = arith.constant 1 : i32
    scf.for %scan3A_61 = %scan3A_49 to %scan3A_51 step %scan3A_52  : i32 {
      %add3A_62 = arith.addi %mul3A_48, %scan3A_61 : i32
      "tpu.region"() ({
        %run_scoped3A = tpu.sem_alloc : memref<!tpu.dma_semaphore, #tpu.memory_space<semaphore_mem>>
        %dma_start3A = arith.constant 0 : i32
        %dma_start3A_63 = tpu.memref_slice %arg5[%add3A_62, %dma_start3A] : memref<160x128xi32, #tpu.memory_space<vmem>> -> memref<1x128xi32, #tpu.memory_space<vmem>>
        %dma_start3A_64 = tpu.memref_squeeze %dma_start3A_63 : memref<1x128xi32, #tpu.memory_space<vmem>> -> memref<128xi32, #tpu.memory_space<vmem>>
        %dma_start3A_65 = arith.constant 0 : i32
        %dma_start3A_66 = tpu.memref_slice %arg8[%dma_start3A_65] : memref<10112xf32, #tpu.memory_space<vmem_shared>> -> memref<10112xf32, #tpu.memory_space<vmem_shared>>
        tpu.enqueue_indirect_dma source(%arg6 : memref<128xf32, #tpu.memory_space<vmem>>) target(%dma_start3A_66 : memref<10112xf32, #tpu.memory_space<vmem_shared>>) offsets(%dma_start3A_64 : memref<128xi32, #tpu.memory_space<vmem>>) semaphore(%run_scoped3A : memref<!tpu.dma_semaphore, #tpu.memory_space<semaphore_mem>>) {add = true}
        %dma_wait3A = arith.constant 0 : i32
        %dma_wait3A_67 = tpu.memref_slice %arg5[%add3A_62, %dma_wait3A] : memref<160x128xi32, #tpu.memory_space<vmem>> -> memref<1x128xi32, #tpu.memory_space<vmem>>
        %dma_wait3A_68 = tpu.memref_squeeze %dma_wait3A_67 : memref<1x128xi32, #tpu.memory_space<vmem>> -> memref<128xi32, #tpu.memory_space<vmem>>
        %dma_wait3A_69 = arith.constant 0 : i32
        %dma_wait3A_70 = tpu.memref_slice %arg8[%dma_wait3A_69] : memref<10112xf32, #tpu.memory_space<vmem_shared>> -> memref<10112xf32, #tpu.memory_space<vmem_shared>>
        tpu.wait_indirect_dma semaphore(%run_scoped3A : memref<!tpu.dma_semaphore, #tpu.memory_space<semaphore_mem>>) src(%arg6 : memref<128xf32, #tpu.memory_space<vmem>>) dst(%dma_wait3A_70 : memref<10112xf32, #tpu.memory_space<vmem_shared>>)
        tpu.yield
      }) : () -> ()
    }
    %scan3A_53 = arith.constant 80 : i32
    %barrier3A_54 = arith.constant 0 : index
    tpu.barrier barrier_id(%barrier3A_54)
    %mul3A_55 = arith.constant 632 : i32
    %mul3A_56 = arith.muli %arg1, %mul3A_55 : i32
    "tpu.region"() ({
      %run_scoped3A = tpu.sem_alloc : memref<!tpu.dma_semaphore, #tpu.memory_space<semaphore_mem>>
      %dma_start3A = tpu.memref_slice %arg8[%mul3A_56] : memref<10112xf32, #tpu.memory_space<vmem_shared>> -> memref<632xf32, #tpu.memory_space<vmem_shared>>
      %dma_start3A_61 = tpu.memref_slice %arg8[%mul3A_56] : memref<10112xf32, #tpu.memory_space<vmem_shared>> -> memref<632xf32, #tpu.memory_space<vmem_shared>>
      tpu.enqueue_dma source(%dma_start3A_61 : memref<632xf32, #tpu.memory_space<vmem_shared>>) target(%arg7 : memref<632xf32, #tpu.memory_space<vmem>>) target_semaphore(%run_scoped3A : memref<!tpu.dma_semaphore, #tpu.memory_space<semaphore_mem>>)
      %dma_wait3A = tpu.memref_slice %arg8[%mul3A_56] : memref<10112xf32, #tpu.memory_space<vmem_shared>> -> memref<632xf32, #tpu.memory_space<vmem_shared>>
      %dma_wait3A_62 = tpu.memref_slice %arg8[%mul3A_56] : memref<10112xf32, #tpu.memory_space<vmem_shared>> -> memref<632xf32, #tpu.memory_space<vmem_shared>>
      tpu.wait_dma2 semaphore(%run_scoped3A : memref<!tpu.dma_semaphore, #tpu.memory_space<semaphore_mem>>) src(%dma_wait3A_62 : memref<632xf32, #tpu.memory_space<vmem_shared>>) dst(%arg7 : memref<632xf32, #tpu.memory_space<vmem>>)
      tpu.yield
    }) : () -> ()
    %mul3A_57 = arith.constant 10112 : i32
    %mul3A_58 = arith.muli %arg0, %mul3A_57 : i32
    %mul3A_59 = arith.constant 632 : i32
    %mul3A_60 = arith.muli %arg1, %mul3A_59 : i32
    %add3A = arith.addi %mul3A_58, %mul3A_60 : i32
    "tpu.region"() ({
      %run_scoped3A = tpu.sem_alloc : memref<!tpu.dma_semaphore, #tpu.memory_space<semaphore_mem>>
      %dma_start3A = tpu.memref_slice %arg4[%add3A] : memref<20224xf32, #tpu.memory_space<hbm>> -> memref<632xf32, #tpu.memory_space<hbm>>
      %dma_start3A_61 = tpu.memref_slice %arg4[%add3A] : memref<20224xf32, #tpu.memory_space<hbm>> -> memref<632xf32, #tpu.memory_space<hbm>>
      tpu.enqueue_dma source(%arg7 : memref<632xf32, #tpu.memory_space<vmem>>) target(%dma_start3A_61 : memref<632xf32, #tpu.memory_space<hbm>>) target_semaphore(%run_scoped3A : memref<!tpu.dma_semaphore, #tpu.memory_space<semaphore_mem>>)
      %dma_wait3A = tpu.memref_slice %arg4[%add3A] : memref<20224xf32, #tpu.memory_space<hbm>> -> memref<632xf32, #tpu.memory_space<hbm>>
      %dma_wait3A_62 = tpu.memref_slice %arg4[%add3A] : memref<20224xf32, #tpu.memory_space<hbm>> -> memref<632xf32, #tpu.memory_space<hbm>>
      tpu.wait_dma2 semaphore(%run_scoped3A : memref<!tpu.dma_semaphore, #tpu.memory_space<semaphore_mem>>) src(%arg7 : memref<632xf32, #tpu.memory_space<vmem>>) dst(%dma_wait3A_62 : memref<632xf32, #tpu.memory_space<hbm>>)
      tpu.yield
    }) : () -> ()
    return
  }
}

#map = affine_map<(d0, d1) -> (0, 0)>
#map1 = affine_map<(d0, d1) -> (0, 0, 0)>
module attributes {stable_mosaic.version = 14 : i64} {
  func.func @k(%arg0: i32, %arg1: i32, %arg2: memref<20480x64xf32, #tpu.memory_space<hbm>>, %arg3: memref<32x160x128xi32, #tpu.memory_space<hbm>>, %arg4: memref<16x160x128xi32, #tpu.memory_space<hbm>>, %arg5: memref<10112x64xf32, #tpu.memory_space<hbm>>, %arg6: memref<2x10112x64xf32, #tpu.memory_space<hbm>>, %arg7: memref<160x128xi32, #tpu.memory_space<vmem>>, %arg8: memref<160x128xi32, #tpu.memory_space<vmem>>, %arg9: memref<128x64xf32, #tpu.memory_space<vmem>>, %arg10: memref<128x64xf32, #tpu.memory_space<vmem>>, %arg11: memref<128x64xf32, #tpu.memory_space<vmem>>, %arg12: memref<128x64xf32, #tpu.memory_space<vmem>>, %arg13: memref<10112x64xf32, #tpu.memory_space<vmem_shared>>, %arg14: memref<!tpu.dma_semaphore, #tpu.memory_space<semaphore_mem>>, %arg15: memref<!tpu.dma_semaphore, #tpu.memory_space<semaphore_mem>>, %arg16: memref<!tpu.dma_semaphore, #tpu.memory_space<semaphore_mem>>, %arg17: memref<!tpu.dma_semaphore, #tpu.memory_space<semaphore_mem>>) attributes {dimension_semantics = [#tpu.dimension_semantics<core_parallel>, #tpu.dimension_semantics<subcore_parallel>], iteration_bounds = array<i64: 2, 16>, scalar_prefetch = 0 : i64, scratch_operands = 11 : i64, tpu.core_type = #tpu.core_type<sc_vector_subcore>, window_params = [{transform_indices = #map}, {transform_indices = #map1}, {transform_indices = #map1}, {transform_indices = #map}, {transform_indices = #map1}]} {
    %mul3A = arith.constant 16 : i32
    %mul3A_0 = arith.muli %arg0, %mul3A : i32
    %add3A = arith.addi %mul3A_0, %arg1 : i32
    %eq3A = arith.constant 0 : i32
    %eq3A_1 = arith.cmpi eq, %arg1, %eq3A : i32
    %convert_element_type3A = arith.extui %eq3A_1 : i1 to i32
    %cond3A = arith.constant 0 : i32
    %cond3A_2 = arith.cmpi ne, %convert_element_type3A, %cond3A : i32
    scf.if %cond3A_2 {
      "tpu.region"() ({
        %run_scoped3A_86 = tpu.sem_alloc : memref<!tpu.dma_semaphore, #tpu.memory_space<semaphore_mem>>
        tpu.enqueue_dma source(%arg5 : memref<10112x64xf32, #tpu.memory_space<hbm>>) target(%arg13 : memref<10112x64xf32, #tpu.memory_space<vmem_shared>>) target_semaphore(%run_scoped3A_86 : memref<!tpu.dma_semaphore, #tpu.memory_space<semaphore_mem>>)
        tpu.wait_dma2 semaphore(%run_scoped3A_86 : memref<!tpu.dma_semaphore, #tpu.memory_space<semaphore_mem>>) src(%arg5 : memref<10112x64xf32, #tpu.memory_space<hbm>>) dst(%arg13 : memref<10112x64xf32, #tpu.memory_space<vmem_shared>>)
        tpu.yield
      }) : () -> ()
    } else {
    }
    "tpu.region"() ({
      %run_scoped3A_86 = tpu.sem_alloc : memref<!tpu.dma_semaphore, #tpu.memory_space<semaphore_mem>>
      %dma_start3A_87 = arith.constant 0 : i32
      %dma_start3A_88 = arith.constant 0 : i32
      %dma_start3A_89 = tpu.memref_slice %arg3[%add3A, %dma_start3A_87, %dma_start3A_88] : memref<32x160x128xi32, #tpu.memory_space<hbm>> -> memref<1x160x128xi32, #tpu.memory_space<hbm>>
      %dma_start3A_90 = tpu.memref_squeeze %dma_start3A_89 : memref<1x160x128xi32, #tpu.memory_space<hbm>> -> memref<160x128xi32, #tpu.memory_space<hbm>>
      %dma_start3A_91 = arith.constant 0 : i32
      %dma_start3A_92 = arith.constant 0 : i32
      %dma_start3A_93 = tpu.memref_slice %arg3[%add3A, %dma_start3A_91, %dma_start3A_92] : memref<32x160x128xi32, #tpu.memory_space<hbm>> -> memref<1x160x128xi32, #tpu.memory_space<hbm>>
      %dma_start3A_94 = tpu.memref_squeeze %dma_start3A_93 : memref<1x160x128xi32, #tpu.memory_space<hbm>> -> memref<160x128xi32, #tpu.memory_space<hbm>>
      tpu.enqueue_dma source(%dma_start3A_94 : memref<160x128xi32, #tpu.memory_space<hbm>>) target(%arg7 : memref<160x128xi32, #tpu.memory_space<vmem>>) target_semaphore(%run_scoped3A_86 : memref<!tpu.dma_semaphore, #tpu.memory_space<semaphore_mem>>)
      %dma_wait3A_95 = arith.constant 0 : i32
      %dma_wait3A_96 = arith.constant 0 : i32
      %dma_wait3A_97 = tpu.memref_slice %arg3[%add3A, %dma_wait3A_95, %dma_wait3A_96] : memref<32x160x128xi32, #tpu.memory_space<hbm>> -> memref<1x160x128xi32, #tpu.memory_space<hbm>>
      %dma_wait3A_98 = tpu.memref_squeeze %dma_wait3A_97 : memref<1x160x128xi32, #tpu.memory_space<hbm>> -> memref<160x128xi32, #tpu.memory_space<hbm>>
      %dma_wait3A_99 = arith.constant 0 : i32
      %dma_wait3A_100 = arith.constant 0 : i32
      %dma_wait3A_101 = tpu.memref_slice %arg3[%add3A, %dma_wait3A_99, %dma_wait3A_100] : memref<32x160x128xi32, #tpu.memory_space<hbm>> -> memref<1x160x128xi32, #tpu.memory_space<hbm>>
      %dma_wait3A_102 = tpu.memref_squeeze %dma_wait3A_101 : memref<1x160x128xi32, #tpu.memory_space<hbm>> -> memref<160x128xi32, #tpu.memory_space<hbm>>
      tpu.wait_dma2 semaphore(%run_scoped3A_86 : memref<!tpu.dma_semaphore, #tpu.memory_space<semaphore_mem>>) src(%dma_wait3A_102 : memref<160x128xi32, #tpu.memory_space<hbm>>) dst(%arg7 : memref<160x128xi32, #tpu.memory_space<vmem>>)
      tpu.yield
    }) : () -> ()
    "tpu.region"() ({
      %run_scoped3A_86 = tpu.sem_alloc : memref<!tpu.dma_semaphore, #tpu.memory_space<semaphore_mem>>
      %dma_start3A_87 = arith.constant 0 : i32
      %dma_start3A_88 = arith.constant 0 : i32
      %dma_start3A_89 = tpu.memref_slice %arg4[%arg1, %dma_start3A_87, %dma_start3A_88] : memref<16x160x128xi32, #tpu.memory_space<hbm>> -> memref<1x160x128xi32, #tpu.memory_space<hbm>>
      %dma_start3A_90 = tpu.memref_squeeze %dma_start3A_89 : memref<1x160x128xi32, #tpu.memory_space<hbm>> -> memref<160x128xi32, #tpu.memory_space<hbm>>
      %dma_start3A_91 = arith.constant 0 : i32
      %dma_start3A_92 = arith.constant 0 : i32
      %dma_start3A_93 = tpu.memref_slice %arg4[%arg1, %dma_start3A_91, %dma_start3A_92] : memref<16x160x128xi32, #tpu.memory_space<hbm>> -> memref<1x160x128xi32, #tpu.memory_space<hbm>>
      %dma_start3A_94 = tpu.memref_squeeze %dma_start3A_93 : memref<1x160x128xi32, #tpu.memory_space<hbm>> -> memref<160x128xi32, #tpu.memory_space<hbm>>
      tpu.enqueue_dma source(%dma_start3A_94 : memref<160x128xi32, #tpu.memory_space<hbm>>) target(%arg8 : memref<160x128xi32, #tpu.memory_space<vmem>>) target_semaphore(%run_scoped3A_86 : memref<!tpu.dma_semaphore, #tpu.memory_space<semaphore_mem>>)
      %dma_wait3A_95 = arith.constant 0 : i32
      %dma_wait3A_96 = arith.constant 0 : i32
      %dma_wait3A_97 = tpu.memref_slice %arg4[%arg1, %dma_wait3A_95, %dma_wait3A_96] : memref<16x160x128xi32, #tpu.memory_space<hbm>> -> memref<1x160x128xi32, #tpu.memory_space<hbm>>
      %dma_wait3A_98 = tpu.memref_squeeze %dma_wait3A_97 : memref<1x160x128xi32, #tpu.memory_space<hbm>> -> memref<160x128xi32, #tpu.memory_space<hbm>>
      %dma_wait3A_99 = arith.constant 0 : i32
      %dma_wait3A_100 = arith.constant 0 : i32
      %dma_wait3A_101 = tpu.memref_slice %arg4[%arg1, %dma_wait3A_99, %dma_wait3A_100] : memref<16x160x128xi32, #tpu.memory_space<hbm>> -> memref<1x160x128xi32, #tpu.memory_space<hbm>>
      %dma_wait3A_102 = tpu.memref_squeeze %dma_wait3A_101 : memref<1x160x128xi32, #tpu.memory_space<hbm>> -> memref<160x128xi32, #tpu.memory_space<hbm>>
      tpu.wait_dma2 semaphore(%run_scoped3A_86 : memref<!tpu.dma_semaphore, #tpu.memory_space<semaphore_mem>>) src(%dma_wait3A_102 : memref<160x128xi32, #tpu.memory_space<hbm>>) dst(%arg8 : memref<160x128xi32, #tpu.memory_space<vmem>>)
      tpu.yield
    }) : () -> ()
    %barrier3A = arith.constant 0 : index
    tpu.barrier barrier_id(%barrier3A)
    %dma_start3A = arith.constant 0 : i32
    %dma_start3A_3 = arith.constant 0 : i32
    %dma_start3A_4 = tpu.memref_slice %arg7[%dma_start3A, %dma_start3A_3] : memref<160x128xi32, #tpu.memory_space<vmem>> -> memref<1x128xi32, #tpu.memory_space<vmem>>
    %dma_start3A_5 = tpu.memref_squeeze %dma_start3A_4 : memref<1x128xi32, #tpu.memory_space<vmem>> -> memref<128xi32, #tpu.memory_space<vmem>>
    %dma_start3A_6 = arith.constant 0 : i32
    %dma_start3A_7 = arith.constant 0 : i32
    %dma_start3A_8 = tpu.memref_slice %arg2[%dma_start3A_6, %dma_start3A_7] : memref<20480x64xf32, #tpu.memory_space<hbm>> -> memref<20480x64xf32, #tpu.memory_space<hbm>>
    tpu.enqueue_indirect_dma source(%dma_start3A_8 : memref<20480x64xf32, #tpu.memory_space<hbm>>) target(%arg9 : memref<128x64xf32, #tpu.memory_space<vmem>>) offsets(%dma_start3A_5 : memref<128xi32, #tpu.memory_space<vmem>>) semaphore(%arg14 : memref<!tpu.dma_semaphore, #tpu.memory_space<semaphore_mem>>)
    %dma_start3A_9 = arith.constant 1 : i32
    %dma_start3A_10 = arith.constant 0 : i32
    %dma_start3A_11 = tpu.memref_slice %arg7[%dma_start3A_9, %dma_start3A_10] : memref<160x128xi32, #tpu.memory_space<vmem>> -> memref<1x128xi32, #tpu.memory_space<vmem>>
    %dma_start3A_12 = tpu.memref_squeeze %dma_start3A_11 : memref<1x128xi32, #tpu.memory_space<vmem>> -> memref<128xi32, #tpu.memory_space<vmem>>
    %dma_start3A_13 = arith.constant 0 : i32
    %dma_start3A_14 = arith.constant 0 : i32
    %dma_start3A_15 = tpu.memref_slice %arg2[%dma_start3A_13, %dma_start3A_14] : memref<20480x64xf32, #tpu.memory_space<hbm>> -> memref<20480x64xf32, #tpu.memory_space<hbm>>
    tpu.enqueue_indirect_dma source(%dma_start3A_15 : memref<20480x64xf32, #tpu.memory_space<hbm>>) target(%arg10 : memref<128x64xf32, #tpu.memory_space<vmem>>) offsets(%dma_start3A_12 : memref<128xi32, #tpu.memory_space<vmem>>) semaphore(%arg15 : memref<!tpu.dma_semaphore, #tpu.memory_space<semaphore_mem>>)
    %dma_start3A_16 = arith.constant 2 : i32
    %dma_start3A_17 = arith.constant 0 : i32
    %dma_start3A_18 = tpu.memref_slice %arg7[%dma_start3A_16, %dma_start3A_17] : memref<160x128xi32, #tpu.memory_space<vmem>> -> memref<1x128xi32, #tpu.memory_space<vmem>>
    %dma_start3A_19 = tpu.memref_squeeze %dma_start3A_18 : memref<1x128xi32, #tpu.memory_space<vmem>> -> memref<128xi32, #tpu.memory_space<vmem>>
    %dma_start3A_20 = arith.constant 0 : i32
    %dma_start3A_21 = arith.constant 0 : i32
    %dma_start3A_22 = tpu.memref_slice %arg2[%dma_start3A_20, %dma_start3A_21] : memref<20480x64xf32, #tpu.memory_space<hbm>> -> memref<20480x64xf32, #tpu.memory_space<hbm>>
    tpu.enqueue_indirect_dma source(%dma_start3A_22 : memref<20480x64xf32, #tpu.memory_space<hbm>>) target(%arg11 : memref<128x64xf32, #tpu.memory_space<vmem>>) offsets(%dma_start3A_19 : memref<128xi32, #tpu.memory_space<vmem>>) semaphore(%arg16 : memref<!tpu.dma_semaphore, #tpu.memory_space<semaphore_mem>>)
    %dma_start3A_23 = arith.constant 3 : i32
    %dma_start3A_24 = arith.constant 0 : i32
    %dma_start3A_25 = tpu.memref_slice %arg7[%dma_start3A_23, %dma_start3A_24] : memref<160x128xi32, #tpu.memory_space<vmem>> -> memref<1x128xi32, #tpu.memory_space<vmem>>
    %dma_start3A_26 = tpu.memref_squeeze %dma_start3A_25 : memref<1x128xi32, #tpu.memory_space<vmem>> -> memref<128xi32, #tpu.memory_space<vmem>>
    %dma_start3A_27 = arith.constant 0 : i32
    %dma_start3A_28 = arith.constant 0 : i32
    %dma_start3A_29 = tpu.memref_slice %arg2[%dma_start3A_27, %dma_start3A_28] : memref<20480x64xf32, #tpu.memory_space<hbm>> -> memref<20480x64xf32, #tpu.memory_space<hbm>>
    tpu.enqueue_indirect_dma source(%dma_start3A_29 : memref<20480x64xf32, #tpu.memory_space<hbm>>) target(%arg12 : memref<128x64xf32, #tpu.memory_space<vmem>>) offsets(%dma_start3A_26 : memref<128xi32, #tpu.memory_space<vmem>>) semaphore(%arg17 : memref<!tpu.dma_semaphore, #tpu.memory_space<semaphore_mem>>)
    %scan3A = arith.constant 0 : i32
    %scan3A_30 = arith.constant 0 : i32
    %scan3A_31 = arith.constant 39 : i32
    %scan3A_32 = arith.addi %scan3A_30, %scan3A_31 : i32
    %scan3A_33 = arith.constant 1 : i32
    scf.for %scan3A_86 = %scan3A_30 to %scan3A_32 step %scan3A_33  : i32 {
      %mul3A_87 = arith.constant 4 : i32
      %mul3A_88 = arith.muli %scan3A_86, %mul3A_87 : i32
      %add3A_89 = arith.constant 0 : i32
      %add3A_90 = arith.addi %mul3A_88, %add3A_89 : i32
      %dma_wait3A_91 = arith.constant 0 : i32
      %dma_wait3A_92 = tpu.memref_slice %arg7[%add3A_90, %dma_wait3A_91] : memref<160x128xi32, #tpu.memory_space<vmem>> -> memref<1x128xi32, #tpu.memory_space<vmem>>
      %dma_wait3A_93 = tpu.memref_squeeze %dma_wait3A_92 : memref<1x128xi32, #tpu.memory_space<vmem>> -> memref<128xi32, #tpu.memory_space<vmem>>
      %dma_wait3A_94 = arith.constant 0 : i32
      %dma_wait3A_95 = arith.constant 0 : i32
      %dma_wait3A_96 = tpu.memref_slice %arg2[%dma_wait3A_94, %dma_wait3A_95] : memref<20480x64xf32, #tpu.memory_space<hbm>> -> memref<20480x64xf32, #tpu.memory_space<hbm>>
      tpu.wait_indirect_dma semaphore(%arg14 : memref<!tpu.dma_semaphore, #tpu.memory_space<semaphore_mem>>) src(%dma_wait3A_96 : memref<20480x64xf32, #tpu.memory_space<hbm>>) dst(%arg9 : memref<128x64xf32, #tpu.memory_space<vmem>>)
      "tpu.region"() ({
        %run_scoped3A_153 = tpu.sem_alloc : memref<!tpu.dma_semaphore, #tpu.memory_space<semaphore_mem>>
        %dma_start3A_154 = arith.constant 0 : i32
        %dma_start3A_155 = tpu.memref_slice %arg8[%add3A_90, %dma_start3A_154] : memref<160x128xi32, #tpu.memory_space<vmem>> -> memref<1x128xi32, #tpu.memory_space<vmem>>
        %dma_start3A_156 = tpu.memref_squeeze %dma_start3A_155 : memref<1x128xi32, #tpu.memory_space<vmem>> -> memref<128xi32, #tpu.memory_space<vmem>>
        %dma_start3A_157 = arith.constant 0 : i32
        %dma_start3A_158 = arith.constant 0 : i32
        %dma_start3A_159 = tpu.memref_slice %arg13[%dma_start3A_157, %dma_start3A_158] : memref<10112x64xf32, #tpu.memory_space<vmem_shared>> -> memref<10112x64xf32, #tpu.memory_space<vmem_shared>>
        tpu.enqueue_indirect_dma source(%arg9 : memref<128x64xf32, #tpu.memory_space<vmem>>) target(%dma_start3A_159 : memref<10112x64xf32, #tpu.memory_space<vmem_shared>>) offsets(%dma_start3A_156 : memref<128xi32, #tpu.memory_space<vmem>>) semaphore(%run_scoped3A_153 : memref<!tpu.dma_semaphore, #tpu.memory_space<semaphore_mem>>) {add = true}
        %dma_wait3A_160 = arith.constant 0 : i32
        %dma_wait3A_161 = tpu.memref_slice %arg8[%add3A_90, %dma_wait3A_160] : memref<160x128xi32, #tpu.memory_space<vmem>> -> memref<1x128xi32, #tpu.memory_space<vmem>>
        %dma_wait3A_162 = tpu.memref_squeeze %dma_wait3A_161 : memref<1x128xi32, #tpu.memory_space<vmem>> -> memref<128xi32, #tpu.memory_space<vmem>>
        %dma_wait3A_163 = arith.constant 0 : i32
        %dma_wait3A_164 = arith.constant 0 : i32
        %dma_wait3A_165 = tpu.memref_slice %arg13[%dma_wait3A_163, %dma_wait3A_164] : memref<10112x64xf32, #tpu.memory_space<vmem_shared>> -> memref<10112x64xf32, #tpu.memory_space<vmem_shared>>
        tpu.wait_indirect_dma semaphore(%run_scoped3A_153 : memref<!tpu.dma_semaphore, #tpu.memory_space<semaphore_mem>>) src(%arg9 : memref<128x64xf32, #tpu.memory_space<vmem>>) dst(%dma_wait3A_165 : memref<10112x64xf32, #tpu.memory_space<vmem_shared>>)
        tpu.yield
      }) : () -> ()
      %add3A_97 = arith.constant 4 : i32
      %add3A_98 = arith.addi %add3A_90, %add3A_97 : i32
      %dma_start3A_99 = arith.constant 0 : i32
      %dma_start3A_100 = tpu.memref_slice %arg7[%add3A_98, %dma_start3A_99] : memref<160x128xi32, #tpu.memory_space<vmem>> -> memref<1x128xi32, #tpu.memory_space<vmem>>
      %dma_start3A_101 = tpu.memref_squeeze %dma_start3A_100 : memref<1x128xi32, #tpu.memory_space<vmem>> -> memref<128xi32, #tpu.memory_space<vmem>>
      %dma_start3A_102 = arith.constant 0 : i32
      %dma_start3A_103 = arith.constant 0 : i32
      %dma_start3A_104 = tpu.memref_slice %arg2[%dma_start3A_102, %dma_start3A_103] : memref<20480x64xf32, #tpu.memory_space<hbm>> -> memref<20480x64xf32, #tpu.memory_space<hbm>>
      tpu.enqueue_indirect_dma source(%dma_start3A_104 : memref<20480x64xf32, #tpu.memory_space<hbm>>) target(%arg9 : memref<128x64xf32, #tpu.memory_space<vmem>>) offsets(%dma_start3A_101 : memref<128xi32, #tpu.memory_space<vmem>>) semaphore(%arg14 : memref<!tpu.dma_semaphore, #tpu.memory_space<semaphore_mem>>)
      %add3A_105 = arith.constant 1 : i32
      %add3A_106 = arith.addi %mul3A_88, %add3A_105 : i32
      %dma_wait3A_107 = arith.constant 0 : i32
      %dma_wait3A_108 = tpu.memref_slice %arg7[%add3A_106, %dma_wait3A_107] : memref<160x128xi32, #tpu.memory_space<vmem>> -> memref<1x128xi32, #tpu.memory_space<vmem>>
      %dma_wait3A_109 = tpu.memref_squeeze %dma_wait3A_108 : memref<1x128xi32, #tpu.memory_space<vmem>> -> memref<128xi32, #tpu.memory_space<vmem>>
      %dma_wait3A_110 = arith.constant 0 : i32
      %dma_wait3A_111 = arith.constant 0 : i32
      %dma_wait3A_112 = tpu.memref_slice %arg2[%dma_wait3A_110, %dma_wait3A_111] : memref<20480x64xf32, #tpu.memory_space<hbm>> -> memref<20480x64xf32, #tpu.memory_space<hbm>>
      tpu.wait_indirect_dma semaphore(%arg15 : memref<!tpu.dma_semaphore, #tpu.memory_space<semaphore_mem>>) src(%dma_wait3A_112 : memref<20480x64xf32, #tpu.memory_space<hbm>>) dst(%arg10 : memref<128x64xf32, #tpu.memory_space<vmem>>)
      "tpu.region"() ({
        %run_scoped3A_153 = tpu.sem_alloc : memref<!tpu.dma_semaphore, #tpu.memory_space<semaphore_mem>>
        %dma_start3A_154 = arith.constant 0 : i32
        %dma_start3A_155 = tpu.memref_slice %arg8[%add3A_106, %dma_start3A_154] : memref<160x128xi32, #tpu.memory_space<vmem>> -> memref<1x128xi32, #tpu.memory_space<vmem>>
        %dma_start3A_156 = tpu.memref_squeeze %dma_start3A_155 : memref<1x128xi32, #tpu.memory_space<vmem>> -> memref<128xi32, #tpu.memory_space<vmem>>
        %dma_start3A_157 = arith.constant 0 : i32
        %dma_start3A_158 = arith.constant 0 : i32
        %dma_start3A_159 = tpu.memref_slice %arg13[%dma_start3A_157, %dma_start3A_158] : memref<10112x64xf32, #tpu.memory_space<vmem_shared>> -> memref<10112x64xf32, #tpu.memory_space<vmem_shared>>
        tpu.enqueue_indirect_dma source(%arg10 : memref<128x64xf32, #tpu.memory_space<vmem>>) target(%dma_start3A_159 : memref<10112x64xf32, #tpu.memory_space<vmem_shared>>) offsets(%dma_start3A_156 : memref<128xi32, #tpu.memory_space<vmem>>) semaphore(%run_scoped3A_153 : memref<!tpu.dma_semaphore, #tpu.memory_space<semaphore_mem>>) {add = true}
        %dma_wait3A_160 = arith.constant 0 : i32
        %dma_wait3A_161 = tpu.memref_slice %arg8[%add3A_106, %dma_wait3A_160] : memref<160x128xi32, #tpu.memory_space<vmem>> -> memref<1x128xi32, #tpu.memory_space<vmem>>
        %dma_wait3A_162 = tpu.memref_squeeze %dma_wait3A_161 : memref<1x128xi32, #tpu.memory_space<vmem>> -> memref<128xi32, #tpu.memory_space<vmem>>
        %dma_wait3A_163 = arith.constant 0 : i32
        %dma_wait3A_164 = arith.constant 0 : i32
        %dma_wait3A_165 = tpu.memref_slice %arg13[%dma_wait3A_163, %dma_wait3A_164] : memref<10112x64xf32, #tpu.memory_space<vmem_shared>> -> memref<10112x64xf32, #tpu.memory_space<vmem_shared>>
        tpu.wait_indirect_dma semaphore(%run_scoped3A_153 : memref<!tpu.dma_semaphore, #tpu.memory_space<semaphore_mem>>) src(%arg10 : memref<128x64xf32, #tpu.memory_space<vmem>>) dst(%dma_wait3A_165 : memref<10112x64xf32, #tpu.memory_space<vmem_shared>>)
        tpu.yield
      }) : () -> ()
      %add3A_113 = arith.constant 4 : i32
      %add3A_114 = arith.addi %add3A_106, %add3A_113 : i32
      %dma_start3A_115 = arith.constant 0 : i32
      %dma_start3A_116 = tpu.memref_slice %arg7[%add3A_114, %dma_start3A_115] : memref<160x128xi32, #tpu.memory_space<vmem>> -> memref<1x128xi32, #tpu.memory_space<vmem>>
      %dma_start3A_117 = tpu.memref_squeeze %dma_start3A_116 : memref<1x128xi32, #tpu.memory_space<vmem>> -> memref<128xi32, #tpu.memory_space<vmem>>
      %dma_start3A_118 = arith.constant 0 : i32
      %dma_start3A_119 = arith.constant 0 : i32
      %dma_start3A_120 = tpu.memref_slice %arg2[%dma_start3A_118, %dma_start3A_119] : memref<20480x64xf32, #tpu.memory_space<hbm>> -> memref<20480x64xf32, #tpu.memory_space<hbm>>
      tpu.enqueue_indirect_dma source(%dma_start3A_120 : memref<20480x64xf32, #tpu.memory_space<hbm>>) target(%arg10 : memref<128x64xf32, #tpu.memory_space<vmem>>) offsets(%dma_start3A_117 : memref<128xi32, #tpu.memory_space<vmem>>) semaphore(%arg15 : memref<!tpu.dma_semaphore, #tpu.memory_space<semaphore_mem>>)
      %add3A_121 = arith.constant 2 : i32
      %add3A_122 = arith.addi %mul3A_88, %add3A_121 : i32
      %dma_wait3A_123 = arith.constant 0 : i32
      %dma_wait3A_124 = tpu.memref_slice %arg7[%add3A_122, %dma_wait3A_123] : memref<160x128xi32, #tpu.memory_space<vmem>> -> memref<1x128xi32, #tpu.memory_space<vmem>>
      %dma_wait3A_125 = tpu.memref_squeeze %dma_wait3A_124 : memref<1x128xi32, #tpu.memory_space<vmem>> -> memref<128xi32, #tpu.memory_space<vmem>>
      %dma_wait3A_126 = arith.constant 0 : i32
      %dma_wait3A_127 = arith.constant 0 : i32
      %dma_wait3A_128 = tpu.memref_slice %arg2[%dma_wait3A_126, %dma_wait3A_127] : memref<20480x64xf32, #tpu.memory_space<hbm>> -> memref<20480x64xf32, #tpu.memory_space<hbm>>
      tpu.wait_indirect_dma semaphore(%arg16 : memref<!tpu.dma_semaphore, #tpu.memory_space<semaphore_mem>>) src(%dma_wait3A_128 : memref<20480x64xf32, #tpu.memory_space<hbm>>) dst(%arg11 : memref<128x64xf32, #tpu.memory_space<vmem>>)
      "tpu.region"() ({
        %run_scoped3A_153 = tpu.sem_alloc : memref<!tpu.dma_semaphore, #tpu.memory_space<semaphore_mem>>
        %dma_start3A_154 = arith.constant 0 : i32
        %dma_start3A_155 = tpu.memref_slice %arg8[%add3A_122, %dma_start3A_154] : memref<160x128xi32, #tpu.memory_space<vmem>> -> memref<1x128xi32, #tpu.memory_space<vmem>>
        %dma_start3A_156 = tpu.memref_squeeze %dma_start3A_155 : memref<1x128xi32, #tpu.memory_space<vmem>> -> memref<128xi32, #tpu.memory_space<vmem>>
        %dma_start3A_157 = arith.constant 0 : i32
        %dma_start3A_158 = arith.constant 0 : i32
        %dma_start3A_159 = tpu.memref_slice %arg13[%dma_start3A_157, %dma_start3A_158] : memref<10112x64xf32, #tpu.memory_space<vmem_shared>> -> memref<10112x64xf32, #tpu.memory_space<vmem_shared>>
        tpu.enqueue_indirect_dma source(%arg11 : memref<128x64xf32, #tpu.memory_space<vmem>>) target(%dma_start3A_159 : memref<10112x64xf32, #tpu.memory_space<vmem_shared>>) offsets(%dma_start3A_156 : memref<128xi32, #tpu.memory_space<vmem>>) semaphore(%run_scoped3A_153 : memref<!tpu.dma_semaphore, #tpu.memory_space<semaphore_mem>>) {add = true}
        %dma_wait3A_160 = arith.constant 0 : i32
        %dma_wait3A_161 = tpu.memref_slice %arg8[%add3A_122, %dma_wait3A_160] : memref<160x128xi32, #tpu.memory_space<vmem>> -> memref<1x128xi32, #tpu.memory_space<vmem>>
        %dma_wait3A_162 = tpu.memref_squeeze %dma_wait3A_161 : memref<1x128xi32, #tpu.memory_space<vmem>> -> memref<128xi32, #tpu.memory_space<vmem>>
        %dma_wait3A_163 = arith.constant 0 : i32
        %dma_wait3A_164 = arith.constant 0 : i32
        %dma_wait3A_165 = tpu.memref_slice %arg13[%dma_wait3A_163, %dma_wait3A_164] : memref<10112x64xf32, #tpu.memory_space<vmem_shared>> -> memref<10112x64xf32, #tpu.memory_space<vmem_shared>>
        tpu.wait_indirect_dma semaphore(%run_scoped3A_153 : memref<!tpu.dma_semaphore, #tpu.memory_space<semaphore_mem>>) src(%arg11 : memref<128x64xf32, #tpu.memory_space<vmem>>) dst(%dma_wait3A_165 : memref<10112x64xf32, #tpu.memory_space<vmem_shared>>)
        tpu.yield
      }) : () -> ()
      %add3A_129 = arith.constant 4 : i32
      %add3A_130 = arith.addi %add3A_122, %add3A_129 : i32
      %dma_start3A_131 = arith.constant 0 : i32
      %dma_start3A_132 = tpu.memref_slice %arg7[%add3A_130, %dma_start3A_131] : memref<160x128xi32, #tpu.memory_space<vmem>> -> memref<1x128xi32, #tpu.memory_space<vmem>>
      %dma_start3A_133 = tpu.memref_squeeze %dma_start3A_132 : memref<1x128xi32, #tpu.memory_space<vmem>> -> memref<128xi32, #tpu.memory_space<vmem>>
      %dma_start3A_134 = arith.constant 0 : i32
      %dma_start3A_135 = arith.constant 0 : i32
      %dma_start3A_136 = tpu.memref_slice %arg2[%dma_start3A_134, %dma_start3A_135] : memref<20480x64xf32, #tpu.memory_space<hbm>> -> memref<20480x64xf32, #tpu.memory_space<hbm>>
      tpu.enqueue_indirect_dma source(%dma_start3A_136 : memref<20480x64xf32, #tpu.memory_space<hbm>>) target(%arg11 : memref<128x64xf32, #tpu.memory_space<vmem>>) offsets(%dma_start3A_133 : memref<128xi32, #tpu.memory_space<vmem>>) semaphore(%arg16 : memref<!tpu.dma_semaphore, #tpu.memory_space<semaphore_mem>>)
      %add3A_137 = arith.constant 3 : i32
      %add3A_138 = arith.addi %mul3A_88, %add3A_137 : i32
      %dma_wait3A_139 = arith.constant 0 : i32
      %dma_wait3A_140 = tpu.memref_slice %arg7[%add3A_138, %dma_wait3A_139] : memref<160x128xi32, #tpu.memory_space<vmem>> -> memref<1x128xi32, #tpu.memory_space<vmem>>
      %dma_wait3A_141 = tpu.memref_squeeze %dma_wait3A_140 : memref<1x128xi32, #tpu.memory_space<vmem>> -> memref<128xi32, #tpu.memory_space<vmem>>
      %dma_wait3A_142 = arith.constant 0 : i32
      %dma_wait3A_143 = arith.constant 0 : i32
      %dma_wait3A_144 = tpu.memref_slice %arg2[%dma_wait3A_142, %dma_wait3A_143] : memref<20480x64xf32, #tpu.memory_space<hbm>> -> memref<20480x64xf32, #tpu.memory_space<hbm>>
      tpu.wait_indirect_dma semaphore(%arg17 : memref<!tpu.dma_semaphore, #tpu.memory_space<semaphore_mem>>) src(%dma_wait3A_144 : memref<20480x64xf32, #tpu.memory_space<hbm>>) dst(%arg12 : memref<128x64xf32, #tpu.memory_space<vmem>>)
      "tpu.region"() ({
        %run_scoped3A_153 = tpu.sem_alloc : memref<!tpu.dma_semaphore, #tpu.memory_space<semaphore_mem>>
        %dma_start3A_154 = arith.constant 0 : i32
        %dma_start3A_155 = tpu.memref_slice %arg8[%add3A_138, %dma_start3A_154] : memref<160x128xi32, #tpu.memory_space<vmem>> -> memref<1x128xi32, #tpu.memory_space<vmem>>
        %dma_start3A_156 = tpu.memref_squeeze %dma_start3A_155 : memref<1x128xi32, #tpu.memory_space<vmem>> -> memref<128xi32, #tpu.memory_space<vmem>>
        %dma_start3A_157 = arith.constant 0 : i32
        %dma_start3A_158 = arith.constant 0 : i32
        %dma_start3A_159 = tpu.memref_slice %arg13[%dma_start3A_157, %dma_start3A_158] : memref<10112x64xf32, #tpu.memory_space<vmem_shared>> -> memref<10112x64xf32, #tpu.memory_space<vmem_shared>>
        tpu.enqueue_indirect_dma source(%arg12 : memref<128x64xf32, #tpu.memory_space<vmem>>) target(%dma_start3A_159 : memref<10112x64xf32, #tpu.memory_space<vmem_shared>>) offsets(%dma_start3A_156 : memref<128xi32, #tpu.memory_space<vmem>>) semaphore(%run_scoped3A_153 : memref<!tpu.dma_semaphore, #tpu.memory_space<semaphore_mem>>) {add = true}
        %dma_wait3A_160 = arith.constant 0 : i32
        %dma_wait3A_161 = tpu.memref_slice %arg8[%add3A_138, %dma_wait3A_160] : memref<160x128xi32, #tpu.memory_space<vmem>> -> memref<1x128xi32, #tpu.memory_space<vmem>>
        %dma_wait3A_162 = tpu.memref_squeeze %dma_wait3A_161 : memref<1x128xi32, #tpu.memory_space<vmem>> -> memref<128xi32, #tpu.memory_space<vmem>>
        %dma_wait3A_163 = arith.constant 0 : i32
        %dma_wait3A_164 = arith.constant 0 : i32
        %dma_wait3A_165 = tpu.memref_slice %arg13[%dma_wait3A_163, %dma_wait3A_164] : memref<10112x64xf32, #tpu.memory_space<vmem_shared>> -> memref<10112x64xf32, #tpu.memory_space<vmem_shared>>
        tpu.wait_indirect_dma semaphore(%run_scoped3A_153 : memref<!tpu.dma_semaphore, #tpu.memory_space<semaphore_mem>>) src(%arg12 : memref<128x64xf32, #tpu.memory_space<vmem>>) dst(%dma_wait3A_165 : memref<10112x64xf32, #tpu.memory_space<vmem_shared>>)
        tpu.yield
      }) : () -> ()
      %add3A_145 = arith.constant 4 : i32
      %add3A_146 = arith.addi %add3A_138, %add3A_145 : i32
      %dma_start3A_147 = arith.constant 0 : i32
      %dma_start3A_148 = tpu.memref_slice %arg7[%add3A_146, %dma_start3A_147] : memref<160x128xi32, #tpu.memory_space<vmem>> -> memref<1x128xi32, #tpu.memory_space<vmem>>
      %dma_start3A_149 = tpu.memref_squeeze %dma_start3A_148 : memref<1x128xi32, #tpu.memory_space<vmem>> -> memref<128xi32, #tpu.memory_space<vmem>>
      %dma_start3A_150 = arith.constant 0 : i32
      %dma_start3A_151 = arith.constant 0 : i32
      %dma_start3A_152 = tpu.memref_slice %arg2[%dma_start3A_150, %dma_start3A_151] : memref<20480x64xf32, #tpu.memory_space<hbm>> -> memref<20480x64xf32, #tpu.memory_space<hbm>>
      tpu.enqueue_indirect_dma source(%dma_start3A_152 : memref<20480x64xf32, #tpu.memory_space<hbm>>) target(%arg12 : memref<128x64xf32, #tpu.memory_space<vmem>>) offsets(%dma_start3A_149 : memref<128xi32, #tpu.memory_space<vmem>>) semaphore(%arg17 : memref<!tpu.dma_semaphore, #tpu.memory_space<semaphore_mem>>)
    }
    %scan3A_34 = arith.constant 39 : i32
    %dma_wait3A = arith.constant 156 : i32
    %dma_wait3A_35 = arith.constant 0 : i32
    %dma_wait3A_36 = tpu.memref_slice %arg7[%dma_wait3A, %dma_wait3A_35] : memref<160x128xi32, #tpu.memory_space<vmem>> -> memref<1x128xi32, #tpu.memory_space<vmem>>
    %dma_wait3A_37 = tpu.memref_squeeze %dma_wait3A_36 : memref<1x128xi32, #tpu.memory_space<vmem>> -> memref<128xi32, #tpu.memory_space<vmem>>
    %dma_wait3A_38 = arith.constant 0 : i32
    %dma_wait3A_39 = arith.constant 0 : i32
    %dma_wait3A_40 = tpu.memref_slice %arg2[%dma_wait3A_38, %dma_wait3A_39] : memref<20480x64xf32, #tpu.memory_space<hbm>> -> memref<20480x64xf32, #tpu.memory_space<hbm>>
    tpu.wait_indirect_dma semaphore(%arg14 : memref<!tpu.dma_semaphore, #tpu.memory_space<semaphore_mem>>) src(%dma_wait3A_40 : memref<20480x64xf32, #tpu.memory_space<hbm>>) dst(%arg9 : memref<128x64xf32, #tpu.memory_space<vmem>>)
    %run_scoped3A = arith.constant 156 : i32
    "tpu.region"() ({
      %run_scoped3A_86 = tpu.sem_alloc : memref<!tpu.dma_semaphore, #tpu.memory_space<semaphore_mem>>
      %dma_start3A_87 = arith.constant 0 : i32
      %dma_start3A_88 = tpu.memref_slice %arg8[%run_scoped3A, %dma_start3A_87] : memref<160x128xi32, #tpu.memory_space<vmem>> -> memref<1x128xi32, #tpu.memory_space<vmem>>
      %dma_start3A_89 = tpu.memref_squeeze %dma_start3A_88 : memref<1x128xi32, #tpu.memory_space<vmem>> -> memref<128xi32, #tpu.memory_space<vmem>>
      %dma_start3A_90 = arith.constant 0 : i32
      %dma_start3A_91 = arith.constant 0 : i32
      %dma_start3A_92 = tpu.memref_slice %arg13[%dma_start3A_90, %dma_start3A_91] : memref<10112x64xf32, #tpu.memory_space<vmem_shared>> -> memref<10112x64xf32, #tpu.memory_space<vmem_shared>>
      tpu.enqueue_indirect_dma source(%arg9 : memref<128x64xf32, #tpu.memory_space<vmem>>) target(%dma_start3A_92 : memref<10112x64xf32, #tpu.memory_space<vmem_shared>>) offsets(%dma_start3A_89 : memref<128xi32, #tpu.memory_space<vmem>>) semaphore(%run_scoped3A_86 : memref<!tpu.dma_semaphore, #tpu.memory_space<semaphore_mem>>) {add = true}
      %dma_wait3A_93 = arith.constant 0 : i32
      %dma_wait3A_94 = tpu.memref_slice %arg8[%run_scoped3A, %dma_wait3A_93] : memref<160x128xi32, #tpu.memory_space<vmem>> -> memref<1x128xi32, #tpu.memory_space<vmem>>
      %dma_wait3A_95 = tpu.memref_squeeze %dma_wait3A_94 : memref<1x128xi32, #tpu.memory_space<vmem>> -> memref<128xi32, #tpu.memory_space<vmem>>
      %dma_wait3A_96 = arith.constant 0 : i32
      %dma_wait3A_97 = arith.constant 0 : i32
      %dma_wait3A_98 = tpu.memref_slice %arg13[%dma_wait3A_96, %dma_wait3A_97] : memref<10112x64xf32, #tpu.memory_space<vmem_shared>> -> memref<10112x64xf32, #tpu.memory_space<vmem_shared>>
      tpu.wait_indirect_dma semaphore(%run_scoped3A_86 : memref<!tpu.dma_semaphore, #tpu.memory_space<semaphore_mem>>) src(%arg9 : memref<128x64xf32, #tpu.memory_space<vmem>>) dst(%dma_wait3A_98 : memref<10112x64xf32, #tpu.memory_space<vmem_shared>>)
      tpu.yield
    }) : () -> ()
    %dma_wait3A_41 = arith.constant 157 : i32
    %dma_wait3A_42 = arith.constant 0 : i32
    %dma_wait3A_43 = tpu.memref_slice %arg7[%dma_wait3A_41, %dma_wait3A_42] : memref<160x128xi32, #tpu.memory_space<vmem>> -> memref<1x128xi32, #tpu.memory_space<vmem>>
    %dma_wait3A_44 = tpu.memref_squeeze %dma_wait3A_43 : memref<1x128xi32, #tpu.memory_space<vmem>> -> memref<128xi32, #tpu.memory_space<vmem>>
    %dma_wait3A_45 = arith.constant 0 : i32
    %dma_wait3A_46 = arith.constant 0 : i32
    %dma_wait3A_47 = tpu.memref_slice %arg2[%dma_wait3A_45, %dma_wait3A_46] : memref<20480x64xf32, #tpu.memory_space<hbm>> -> memref<20480x64xf32, #tpu.memory_space<hbm>>
    tpu.wait_indirect_dma semaphore(%arg15 : memref<!tpu.dma_semaphore, #tpu.memory_space<semaphore_mem>>) src(%dma_wait3A_47 : memref<20480x64xf32, #tpu.memory_space<hbm>>) dst(%arg10 : memref<128x64xf32, #tpu.memory_space<vmem>>)
    %run_scoped3A_48 = arith.constant 157 : i32
    "tpu.region"() ({
      %run_scoped3A_86 = tpu.sem_alloc : memref<!tpu.dma_semaphore, #tpu.memory_space<semaphore_mem>>
      %dma_start3A_87 = arith.constant 0 : i32
      %dma_start3A_88 = tpu.memref_slice %arg8[%run_scoped3A_48, %dma_start3A_87] : memref<160x128xi32, #tpu.memory_space<vmem>> -> memref<1x128xi32, #tpu.memory_space<vmem>>
      %dma_start3A_89 = tpu.memref_squeeze %dma_start3A_88 : memref<1x128xi32, #tpu.memory_space<vmem>> -> memref<128xi32, #tpu.memory_space<vmem>>
      %dma_start3A_90 = arith.constant 0 : i32
      %dma_start3A_91 = arith.constant 0 : i32
      %dma_start3A_92 = tpu.memref_slice %arg13[%dma_start3A_90, %dma_start3A_91] : memref<10112x64xf32, #tpu.memory_space<vmem_shared>> -> memref<10112x64xf32, #tpu.memory_space<vmem_shared>>
      tpu.enqueue_indirect_dma source(%arg10 : memref<128x64xf32, #tpu.memory_space<vmem>>) target(%dma_start3A_92 : memref<10112x64xf32, #tpu.memory_space<vmem_shared>>) offsets(%dma_start3A_89 : memref<128xi32, #tpu.memory_space<vmem>>) semaphore(%run_scoped3A_86 : memref<!tpu.dma_semaphore, #tpu.memory_space<semaphore_mem>>) {add = true}
      %dma_wait3A_93 = arith.constant 0 : i32
      %dma_wait3A_94 = tpu.memref_slice %arg8[%run_scoped3A_48, %dma_wait3A_93] : memref<160x128xi32, #tpu.memory_space<vmem>> -> memref<1x128xi32, #tpu.memory_space<vmem>>
      %dma_wait3A_95 = tpu.memref_squeeze %dma_wait3A_94 : memref<1x128xi32, #tpu.memory_space<vmem>> -> memref<128xi32, #tpu.memory_space<vmem>>
      %dma_wait3A_96 = arith.constant 0 : i32
      %dma_wait3A_97 = arith.constant 0 : i32
      %dma_wait3A_98 = tpu.memref_slice %arg13[%dma_wait3A_96, %dma_wait3A_97] : memref<10112x64xf32, #tpu.memory_space<vmem_shared>> -> memref<10112x64xf32, #tpu.memory_space<vmem_shared>>
      tpu.wait_indirect_dma semaphore(%run_scoped3A_86 : memref<!tpu.dma_semaphore, #tpu.memory_space<semaphore_mem>>) src(%arg10 : memref<128x64xf32, #tpu.memory_space<vmem>>) dst(%dma_wait3A_98 : memref<10112x64xf32, #tpu.memory_space<vmem_shared>>)
      tpu.yield
    }) : () -> ()
    %dma_wait3A_49 = arith.constant 158 : i32
    %dma_wait3A_50 = arith.constant 0 : i32
    %dma_wait3A_51 = tpu.memref_slice %arg7[%dma_wait3A_49, %dma_wait3A_50] : memref<160x128xi32, #tpu.memory_space<vmem>> -> memref<1x128xi32, #tpu.memory_space<vmem>>
    %dma_wait3A_52 = tpu.memref_squeeze %dma_wait3A_51 : memref<1x128xi32, #tpu.memory_space<vmem>> -> memref<128xi32, #tpu.memory_space<vmem>>
    %dma_wait3A_53 = arith.constant 0 : i32
    %dma_wait3A_54 = arith.constant 0 : i32
    %dma_wait3A_55 = tpu.memref_slice %arg2[%dma_wait3A_53, %dma_wait3A_54] : memref<20480x64xf32, #tpu.memory_space<hbm>> -> memref<20480x64xf32, #tpu.memory_space<hbm>>
    tpu.wait_indirect_dma semaphore(%arg16 : memref<!tpu.dma_semaphore, #tpu.memory_space<semaphore_mem>>) src(%dma_wait3A_55 : memref<20480x64xf32, #tpu.memory_space<hbm>>) dst(%arg11 : memref<128x64xf32, #tpu.memory_space<vmem>>)
    %run_scoped3A_56 = arith.constant 158 : i32
    "tpu.region"() ({
      %run_scoped3A_86 = tpu.sem_alloc : memref<!tpu.dma_semaphore, #tpu.memory_space<semaphore_mem>>
      %dma_start3A_87 = arith.constant 0 : i32
      %dma_start3A_88 = tpu.memref_slice %arg8[%run_scoped3A_56, %dma_start3A_87] : memref<160x128xi32, #tpu.memory_space<vmem>> -> memref<1x128xi32, #tpu.memory_space<vmem>>
      %dma_start3A_89 = tpu.memref_squeeze %dma_start3A_88 : memref<1x128xi32, #tpu.memory_space<vmem>> -> memref<128xi32, #tpu.memory_space<vmem>>
      %dma_start3A_90 = arith.constant 0 : i32
      %dma_start3A_91 = arith.constant 0 : i32
      %dma_start3A_92 = tpu.memref_slice %arg13[%dma_start3A_90, %dma_start3A_91] : memref<10112x64xf32, #tpu.memory_space<vmem_shared>> -> memref<10112x64xf32, #tpu.memory_space<vmem_shared>>
      tpu.enqueue_indirect_dma source(%arg11 : memref<128x64xf32, #tpu.memory_space<vmem>>) target(%dma_start3A_92 : memref<10112x64xf32, #tpu.memory_space<vmem_shared>>) offsets(%dma_start3A_89 : memref<128xi32, #tpu.memory_space<vmem>>) semaphore(%run_scoped3A_86 : memref<!tpu.dma_semaphore, #tpu.memory_space<semaphore_mem>>) {add = true}
      %dma_wait3A_93 = arith.constant 0 : i32
      %dma_wait3A_94 = tpu.memref_slice %arg8[%run_scoped3A_56, %dma_wait3A_93] : memref<160x128xi32, #tpu.memory_space<vmem>> -> memref<1x128xi32, #tpu.memory_space<vmem>>
      %dma_wait3A_95 = tpu.memref_squeeze %dma_wait3A_94 : memref<1x128xi32, #tpu.memory_space<vmem>> -> memref<128xi32, #tpu.memory_space<vmem>>
      %dma_wait3A_96 = arith.constant 0 : i32
      %dma_wait3A_97 = arith.constant 0 : i32
      %dma_wait3A_98 = tpu.memref_slice %arg13[%dma_wait3A_96, %dma_wait3A_97] : memref<10112x64xf32, #tpu.memory_space<vmem_shared>> -> memref<10112x64xf32, #tpu.memory_space<vmem_shared>>
      tpu.wait_indirect_dma semaphore(%run_scoped3A_86 : memref<!tpu.dma_semaphore, #tpu.memory_space<semaphore_mem>>) src(%arg11 : memref<128x64xf32, #tpu.memory_space<vmem>>) dst(%dma_wait3A_98 : memref<10112x64xf32, #tpu.memory_space<vmem_shared>>)
      tpu.yield
    }) : () -> ()
    %dma_wait3A_57 = arith.constant 159 : i32
    %dma_wait3A_58 = arith.constant 0 : i32
    %dma_wait3A_59 = tpu.memref_slice %arg7[%dma_wait3A_57, %dma_wait3A_58] : memref<160x128xi32, #tpu.memory_space<vmem>> -> memref<1x128xi32, #tpu.memory_space<vmem>>
    %dma_wait3A_60 = tpu.memref_squeeze %dma_wait3A_59 : memref<1x128xi32, #tpu.memory_space<vmem>> -> memref<128xi32, #tpu.memory_space<vmem>>
    %dma_wait3A_61 = arith.constant 0 : i32
    %dma_wait3A_62 = arith.constant 0 : i32
    %dma_wait3A_63 = tpu.memref_slice %arg2[%dma_wait3A_61, %dma_wait3A_62] : memref<20480x64xf32, #tpu.memory_space<hbm>> -> memref<20480x64xf32, #tpu.memory_space<hbm>>
    tpu.wait_indirect_dma semaphore(%arg17 : memref<!tpu.dma_semaphore, #tpu.memory_space<semaphore_mem>>) src(%dma_wait3A_63 : memref<20480x64xf32, #tpu.memory_space<hbm>>) dst(%arg12 : memref<128x64xf32, #tpu.memory_space<vmem>>)
    %run_scoped3A_64 = arith.constant 159 : i32
    "tpu.region"() ({
      %run_scoped3A_86 = tpu.sem_alloc : memref<!tpu.dma_semaphore, #tpu.memory_space<semaphore_mem>>
      %dma_start3A_87 = arith.constant 0 : i32
      %dma_start3A_88 = tpu.memref_slice %arg8[%run_scoped3A_64, %dma_start3A_87] : memref<160x128xi32, #tpu.memory_space<vmem>> -> memref<1x128xi32, #tpu.memory_space<vmem>>
      %dma_start3A_89 = tpu.memref_squeeze %dma_start3A_88 : memref<1x128xi32, #tpu.memory_space<vmem>> -> memref<128xi32, #tpu.memory_space<vmem>>
      %dma_start3A_90 = arith.constant 0 : i32
      %dma_start3A_91 = arith.constant 0 : i32
      %dma_start3A_92 = tpu.memref_slice %arg13[%dma_start3A_90, %dma_start3A_91] : memref<10112x64xf32, #tpu.memory_space<vmem_shared>> -> memref<10112x64xf32, #tpu.memory_space<vmem_shared>>
      tpu.enqueue_indirect_dma source(%arg12 : memref<128x64xf32, #tpu.memory_space<vmem>>) target(%dma_start3A_92 : memref<10112x64xf32, #tpu.memory_space<vmem_shared>>) offsets(%dma_start3A_89 : memref<128xi32, #tpu.memory_space<vmem>>) semaphore(%run_scoped3A_86 : memref<!tpu.dma_semaphore, #tpu.memory_space<semaphore_mem>>) {add = true}
      %dma_wait3A_93 = arith.constant 0 : i32
      %dma_wait3A_94 = tpu.memref_slice %arg8[%run_scoped3A_64, %dma_wait3A_93] : memref<160x128xi32, #tpu.memory_space<vmem>> -> memref<1x128xi32, #tpu.memory_space<vmem>>
      %dma_wait3A_95 = tpu.memref_squeeze %dma_wait3A_94 : memref<1x128xi32, #tpu.memory_space<vmem>> -> memref<128xi32, #tpu.memory_space<vmem>>
      %dma_wait3A_96 = arith.constant 0 : i32
      %dma_wait3A_97 = arith.constant 0 : i32
      %dma_wait3A_98 = tpu.memref_slice %arg13[%dma_wait3A_96, %dma_wait3A_97] : memref<10112x64xf32, #tpu.memory_space<vmem_shared>> -> memref<10112x64xf32, #tpu.memory_space<vmem_shared>>
      tpu.wait_indirect_dma semaphore(%run_scoped3A_86 : memref<!tpu.dma_semaphore, #tpu.memory_space<semaphore_mem>>) src(%arg12 : memref<128x64xf32, #tpu.memory_space<vmem>>) dst(%dma_wait3A_98 : memref<10112x64xf32, #tpu.memory_space<vmem_shared>>)
      tpu.yield
    }) : () -> ()
    %barrier3A_65 = arith.constant 0 : index
    tpu.barrier barrier_id(%barrier3A_65)
    %mul3A_66 = arith.constant 632 : i32
    %mul3A_67 = arith.muli %arg1, %mul3A_66 : i32
    %add3A_68 = arith.constant 0 : i32
    %add3A_69 = arith.addi %mul3A_67, %add3A_68 : i32
    "tpu.region"() ({
      %run_scoped3A_86 = tpu.sem_alloc : memref<!tpu.dma_semaphore, #tpu.memory_space<semaphore_mem>>
      %dma_start3A_87 = arith.constant 0 : i32
      %dma_start3A_88 = arith.constant 0 : i32
      %dma_start3A_89 = tpu.memref_slice %arg9[%dma_start3A_87, %dma_start3A_88] : memref<128x64xf32, #tpu.memory_space<vmem>> -> memref<128x64xf32, #tpu.memory_space<vmem>>
      %dma_start3A_90 = arith.constant 0 : i32
      %dma_start3A_91 = tpu.memref_slice %arg13[%add3A_69, %dma_start3A_90] : memref<10112x64xf32, #tpu.memory_space<vmem_shared>> -> memref<128x64xf32, #tpu.memory_space<vmem_shared>>
      %dma_start3A_92 = arith.constant 0 : i32
      %dma_start3A_93 = arith.constant 0 : i32
      %dma_start3A_94 = tpu.memref_slice %arg9[%dma_start3A_92, %dma_start3A_93] : memref<128x64xf32, #tpu.memory_space<vmem>> -> memref<128x64xf32, #tpu.memory_space<vmem>>
      %dma_start3A_95 = arith.constant 0 : i32
      %dma_start3A_96 = tpu.memref_slice %arg13[%add3A_69, %dma_start3A_95] : memref<10112x64xf32, #tpu.memory_space<vmem_shared>> -> memref<128x64xf32, #tpu.memory_space<vmem_shared>>
      tpu.enqueue_dma source(%dma_start3A_96 : memref<128x64xf32, #tpu.memory_space<vmem_shared>>) target(%dma_start3A_94 : memref<128x64xf32, #tpu.memory_space<vmem>>) target_semaphore(%run_scoped3A_86 : memref<!tpu.dma_semaphore, #tpu.memory_space<semaphore_mem>>)
      %dma_wait3A_97 = arith.constant 0 : i32
      %dma_wait3A_98 = arith.constant 0 : i32
      %dma_wait3A_99 = tpu.memref_slice %arg9[%dma_wait3A_97, %dma_wait3A_98] : memref<128x64xf32, #tpu.memory_space<vmem>> -> memref<128x64xf32, #tpu.memory_space<vmem>>
      %dma_wait3A_100 = arith.constant 0 : i32
      %dma_wait3A_101 = tpu.memref_slice %arg13[%add3A_69, %dma_wait3A_100] : memref<10112x64xf32, #tpu.memory_space<vmem_shared>> -> memref<128x64xf32, #tpu.memory_space<vmem_shared>>
      %dma_wait3A_102 = arith.constant 0 : i32
      %dma_wait3A_103 = arith.constant 0 : i32
      %dma_wait3A_104 = tpu.memref_slice %arg9[%dma_wait3A_102, %dma_wait3A_103] : memref<128x64xf32, #tpu.memory_space<vmem>> -> memref<128x64xf32, #tpu.memory_space<vmem>>
      %dma_wait3A_105 = arith.constant 0 : i32
      %dma_wait3A_106 = tpu.memref_slice %arg13[%add3A_69, %dma_wait3A_105] : memref<10112x64xf32, #tpu.memory_space<vmem_shared>> -> memref<128x64xf32, #tpu.memory_space<vmem_shared>>
      tpu.wait_dma2 semaphore(%run_scoped3A_86 : memref<!tpu.dma_semaphore, #tpu.memory_space<semaphore_mem>>) src(%dma_wait3A_106 : memref<128x64xf32, #tpu.memory_space<vmem_shared>>) dst(%dma_wait3A_104 : memref<128x64xf32, #tpu.memory_space<vmem>>)
      tpu.yield
    }) : () -> ()
    "tpu.region"() ({
      %run_scoped3A_86 = tpu.sem_alloc : memref<!tpu.dma_semaphore, #tpu.memory_space<semaphore_mem>>
      %dma_start3A_87 = arith.constant 0 : i32
      %dma_start3A_88 = arith.constant 0 : i32
      %dma_start3A_89 = tpu.memref_slice %arg9[%dma_start3A_87, %dma_start3A_88] : memref<128x64xf32, #tpu.memory_space<vmem>> -> memref<128x64xf32, #tpu.memory_space<vmem>>
      %dma_start3A_90 = arith.constant 0 : i32
      %dma_start3A_91 = tpu.memref_slice %arg6[%arg0, %add3A_69, %dma_start3A_90] : memref<2x10112x64xf32, #tpu.memory_space<hbm>> -> memref<1x128x64xf32, #tpu.memory_space<hbm>>
      %dma_start3A_92 = tpu.memref_squeeze %dma_start3A_91 : memref<1x128x64xf32, #tpu.memory_space<hbm>> -> memref<128x64xf32, #tpu.memory_space<hbm>>
      %dma_start3A_93 = arith.constant 0 : i32
      %dma_start3A_94 = tpu.memref_slice %arg6[%arg0, %add3A_69, %dma_start3A_93] : memref<2x10112x64xf32, #tpu.memory_space<hbm>> -> memref<1x128x64xf32, #tpu.memory_space<hbm>>
      %dma_start3A_95 = tpu.memref_squeeze %dma_start3A_94 : memref<1x128x64xf32, #tpu.memory_space<hbm>> -> memref<128x64xf32, #tpu.memory_space<hbm>>
      %dma_start3A_96 = arith.constant 0 : i32
      %dma_start3A_97 = arith.constant 0 : i32
      %dma_start3A_98 = tpu.memref_slice %arg9[%dma_start3A_96, %dma_start3A_97] : memref<128x64xf32, #tpu.memory_space<vmem>> -> memref<128x64xf32, #tpu.memory_space<vmem>>
      tpu.enqueue_dma source(%dma_start3A_98 : memref<128x64xf32, #tpu.memory_space<vmem>>) target(%dma_start3A_95 : memref<128x64xf32, #tpu.memory_space<hbm>>) target_semaphore(%run_scoped3A_86 : memref<!tpu.dma_semaphore, #tpu.memory_space<semaphore_mem>>)
      %dma_wait3A_99 = arith.constant 0 : i32
      %dma_wait3A_100 = arith.constant 0 : i32
      %dma_wait3A_101 = tpu.memref_slice %arg9[%dma_wait3A_99, %dma_wait3A_100] : memref<128x64xf32, #tpu.memory_space<vmem>> -> memref<128x64xf32, #tpu.memory_space<vmem>>
      %dma_wait3A_102 = arith.constant 0 : i32
      %dma_wait3A_103 = tpu.memref_slice %arg6[%arg0, %add3A_69, %dma_wait3A_102] : memref<2x10112x64xf32, #tpu.memory_space<hbm>> -> memref<1x128x64xf32, #tpu.memory_space<hbm>>
      %dma_wait3A_104 = tpu.memref_squeeze %dma_wait3A_103 : memref<1x128x64xf32, #tpu.memory_space<hbm>> -> memref<128x64xf32, #tpu.memory_space<hbm>>
      %dma_wait3A_105 = arith.constant 0 : i32
      %dma_wait3A_106 = tpu.memref_slice %arg6[%arg0, %add3A_69, %dma_wait3A_105] : memref<2x10112x64xf32, #tpu.memory_space<hbm>> -> memref<1x128x64xf32, #tpu.memory_space<hbm>>
      %dma_wait3A_107 = tpu.memref_squeeze %dma_wait3A_106 : memref<1x128x64xf32, #tpu.memory_space<hbm>> -> memref<128x64xf32, #tpu.memory_space<hbm>>
      %dma_wait3A_108 = arith.constant 0 : i32
      %dma_wait3A_109 = arith.constant 0 : i32
      %dma_wait3A_110 = tpu.memref_slice %arg9[%dma_wait3A_108, %dma_wait3A_109] : memref<128x64xf32, #tpu.memory_space<vmem>> -> memref<128x64xf32, #tpu.memory_space<vmem>>
      tpu.wait_dma2 semaphore(%run_scoped3A_86 : memref<!tpu.dma_semaphore, #tpu.memory_space<semaphore_mem>>) src(%dma_wait3A_110 : memref<128x64xf32, #tpu.memory_space<vmem>>) dst(%dma_wait3A_107 : memref<128x64xf32, #tpu.memory_space<hbm>>)
      tpu.yield
    }) : () -> ()
    %mul3A_70 = arith.constant 632 : i32
    %mul3A_71 = arith.muli %arg1, %mul3A_70 : i32
    %add3A_72 = arith.constant 128 : i32
    %add3A_73 = arith.addi %mul3A_71, %add3A_72 : i32
    "tpu.region"() ({
      %run_scoped3A_86 = tpu.sem_alloc : memref<!tpu.dma_semaphore, #tpu.memory_space<semaphore_mem>>
      %dma_start3A_87 = arith.constant 0 : i32
      %dma_start3A_88 = arith.constant 0 : i32
      %dma_start3A_89 = tpu.memref_slice %arg9[%dma_start3A_87, %dma_start3A_88] : memref<128x64xf32, #tpu.memory_space<vmem>> -> memref<128x64xf32, #tpu.memory_space<vmem>>
      %dma_start3A_90 = arith.constant 0 : i32
      %dma_start3A_91 = tpu.memref_slice %arg13[%add3A_73, %dma_start3A_90] : memref<10112x64xf32, #tpu.memory_space<vmem_shared>> -> memref<128x64xf32, #tpu.memory_space<vmem_shared>>
      %dma_start3A_92 = arith.constant 0 : i32
      %dma_start3A_93 = arith.constant 0 : i32
      %dma_start3A_94 = tpu.memref_slice %arg9[%dma_start3A_92, %dma_start3A_93] : memref<128x64xf32, #tpu.memory_space<vmem>> -> memref<128x64xf32, #tpu.memory_space<vmem>>
      %dma_start3A_95 = arith.constant 0 : i32
      %dma_start3A_96 = tpu.memref_slice %arg13[%add3A_73, %dma_start3A_95] : memref<10112x64xf32, #tpu.memory_space<vmem_shared>> -> memref<128x64xf32, #tpu.memory_space<vmem_shared>>
      tpu.enqueue_dma source(%dma_start3A_96 : memref<128x64xf32, #tpu.memory_space<vmem_shared>>) target(%dma_start3A_94 : memref<128x64xf32, #tpu.memory_space<vmem>>) target_semaphore(%run_scoped3A_86 : memref<!tpu.dma_semaphore, #tpu.memory_space<semaphore_mem>>)
      %dma_wait3A_97 = arith.constant 0 : i32
      %dma_wait3A_98 = arith.constant 0 : i32
      %dma_wait3A_99 = tpu.memref_slice %arg9[%dma_wait3A_97, %dma_wait3A_98] : memref<128x64xf32, #tpu.memory_space<vmem>> -> memref<128x64xf32, #tpu.memory_space<vmem>>
      %dma_wait3A_100 = arith.constant 0 : i32
      %dma_wait3A_101 = tpu.memref_slice %arg13[%add3A_73, %dma_wait3A_100] : memref<10112x64xf32, #tpu.memory_space<vmem_shared>> -> memref<128x64xf32, #tpu.memory_space<vmem_shared>>
      %dma_wait3A_102 = arith.constant 0 : i32
      %dma_wait3A_103 = arith.constant 0 : i32
      %dma_wait3A_104 = tpu.memref_slice %arg9[%dma_wait3A_102, %dma_wait3A_103] : memref<128x64xf32, #tpu.memory_space<vmem>> -> memref<128x64xf32, #tpu.memory_space<vmem>>
      %dma_wait3A_105 = arith.constant 0 : i32
      %dma_wait3A_106 = tpu.memref_slice %arg13[%add3A_73, %dma_wait3A_105] : memref<10112x64xf32, #tpu.memory_space<vmem_shared>> -> memref<128x64xf32, #tpu.memory_space<vmem_shared>>
      tpu.wait_dma2 semaphore(%run_scoped3A_86 : memref<!tpu.dma_semaphore, #tpu.memory_space<semaphore_mem>>) src(%dma_wait3A_106 : memref<128x64xf32, #tpu.memory_space<vmem_shared>>) dst(%dma_wait3A_104 : memref<128x64xf32, #tpu.memory_space<vmem>>)
      tpu.yield
    }) : () -> ()
    "tpu.region"() ({
      %run_scoped3A_86 = tpu.sem_alloc : memref<!tpu.dma_semaphore, #tpu.memory_space<semaphore_mem>>
      %dma_start3A_87 = arith.constant 0 : i32
      %dma_start3A_88 = arith.constant 0 : i32
      %dma_start3A_89 = tpu.memref_slice %arg9[%dma_start3A_87, %dma_start3A_88] : memref<128x64xf32, #tpu.memory_space<vmem>> -> memref<128x64xf32, #tpu.memory_space<vmem>>
      %dma_start3A_90 = arith.constant 0 : i32
      %dma_start3A_91 = tpu.memref_slice %arg6[%arg0, %add3A_73, %dma_start3A_90] : memref<2x10112x64xf32, #tpu.memory_space<hbm>> -> memref<1x128x64xf32, #tpu.memory_space<hbm>>
      %dma_start3A_92 = tpu.memref_squeeze %dma_start3A_91 : memref<1x128x64xf32, #tpu.memory_space<hbm>> -> memref<128x64xf32, #tpu.memory_space<hbm>>
      %dma_start3A_93 = arith.constant 0 : i32
      %dma_start3A_94 = tpu.memref_slice %arg6[%arg0, %add3A_73, %dma_start3A_93] : memref<2x10112x64xf32, #tpu.memory_space<hbm>> -> memref<1x128x64xf32, #tpu.memory_space<hbm>>
      %dma_start3A_95 = tpu.memref_squeeze %dma_start3A_94 : memref<1x128x64xf32, #tpu.memory_space<hbm>> -> memref<128x64xf32, #tpu.memory_space<hbm>>
      %dma_start3A_96 = arith.constant 0 : i32
      %dma_start3A_97 = arith.constant 0 : i32
      %dma_start3A_98 = tpu.memref_slice %arg9[%dma_start3A_96, %dma_start3A_97] : memref<128x64xf32, #tpu.memory_space<vmem>> -> memref<128x64xf32, #tpu.memory_space<vmem>>
      tpu.enqueue_dma source(%dma_start3A_98 : memref<128x64xf32, #tpu.memory_space<vmem>>) target(%dma_start3A_95 : memref<128x64xf32, #tpu.memory_space<hbm>>) target_semaphore(%run_scoped3A_86 : memref<!tpu.dma_semaphore, #tpu.memory_space<semaphore_mem>>)
      %dma_wait3A_99 = arith.constant 0 : i32
      %dma_wait3A_100 = arith.constant 0 : i32
      %dma_wait3A_101 = tpu.memref_slice %arg9[%dma_wait3A_99, %dma_wait3A_100] : memref<128x64xf32, #tpu.memory_space<vmem>> -> memref<128x64xf32, #tpu.memory_space<vmem>>
      %dma_wait3A_102 = arith.constant 0 : i32
      %dma_wait3A_103 = tpu.memref_slice %arg6[%arg0, %add3A_73, %dma_wait3A_102] : memref<2x10112x64xf32, #tpu.memory_space<hbm>> -> memref<1x128x64xf32, #tpu.memory_space<hbm>>
      %dma_wait3A_104 = tpu.memref_squeeze %dma_wait3A_103 : memref<1x128x64xf32, #tpu.memory_space<hbm>> -> memref<128x64xf32, #tpu.memory_space<hbm>>
      %dma_wait3A_105 = arith.constant 0 : i32
      %dma_wait3A_106 = tpu.memref_slice %arg6[%arg0, %add3A_73, %dma_wait3A_105] : memref<2x10112x64xf32, #tpu.memory_space<hbm>> -> memref<1x128x64xf32, #tpu.memory_space<hbm>>
      %dma_wait3A_107 = tpu.memref_squeeze %dma_wait3A_106 : memref<1x128x64xf32, #tpu.memory_space<hbm>> -> memref<128x64xf32, #tpu.memory_space<hbm>>
      %dma_wait3A_108 = arith.constant 0 : i32
      %dma_wait3A_109 = arith.constant 0 : i32
      %dma_wait3A_110 = tpu.memref_slice %arg9[%dma_wait3A_108, %dma_wait3A_109] : memref<128x64xf32, #tpu.memory_space<vmem>> -> memref<128x64xf32, #tpu.memory_space<vmem>>
      tpu.wait_dma2 semaphore(%run_scoped3A_86 : memref<!tpu.dma_semaphore, #tpu.memory_space<semaphore_mem>>) src(%dma_wait3A_110 : memref<128x64xf32, #tpu.memory_space<vmem>>) dst(%dma_wait3A_107 : memref<128x64xf32, #tpu.memory_space<hbm>>)
      tpu.yield
    }) : () -> ()
    %mul3A_74 = arith.constant 632 : i32
    %mul3A_75 = arith.muli %arg1, %mul3A_74 : i32
    %add3A_76 = arith.constant 256 : i32
    %add3A_77 = arith.addi %mul3A_75, %add3A_76 : i32
    "tpu.region"() ({
      %run_scoped3A_86 = tpu.sem_alloc : memref<!tpu.dma_semaphore, #tpu.memory_space<semaphore_mem>>
      %dma_start3A_87 = arith.constant 0 : i32
      %dma_start3A_88 = arith.constant 0 : i32
      %dma_start3A_89 = tpu.memref_slice %arg9[%dma_start3A_87, %dma_start3A_88] : memref<128x64xf32, #tpu.memory_space<vmem>> -> memref<128x64xf32, #tpu.memory_space<vmem>>
      %dma_start3A_90 = arith.constant 0 : i32
      %dma_start3A_91 = tpu.memref_slice %arg13[%add3A_77, %dma_start3A_90] : memref<10112x64xf32, #tpu.memory_space<vmem_shared>> -> memref<128x64xf32, #tpu.memory_space<vmem_shared>>
      %dma_start3A_92 = arith.constant 0 : i32
      %dma_start3A_93 = arith.constant 0 : i32
      %dma_start3A_94 = tpu.memref_slice %arg9[%dma_start3A_92, %dma_start3A_93] : memref<128x64xf32, #tpu.memory_space<vmem>> -> memref<128x64xf32, #tpu.memory_space<vmem>>
      %dma_start3A_95 = arith.constant 0 : i32
      %dma_start3A_96 = tpu.memref_slice %arg13[%add3A_77, %dma_start3A_95] : memref<10112x64xf32, #tpu.memory_space<vmem_shared>> -> memref<128x64xf32, #tpu.memory_space<vmem_shared>>
      tpu.enqueue_dma source(%dma_start3A_96 : memref<128x64xf32, #tpu.memory_space<vmem_shared>>) target(%dma_start3A_94 : memref<128x64xf32, #tpu.memory_space<vmem>>) target_semaphore(%run_scoped3A_86 : memref<!tpu.dma_semaphore, #tpu.memory_space<semaphore_mem>>)
      %dma_wait3A_97 = arith.constant 0 : i32
      %dma_wait3A_98 = arith.constant 0 : i32
      %dma_wait3A_99 = tpu.memref_slice %arg9[%dma_wait3A_97, %dma_wait3A_98] : memref<128x64xf32, #tpu.memory_space<vmem>> -> memref<128x64xf32, #tpu.memory_space<vmem>>
      %dma_wait3A_100 = arith.constant 0 : i32
      %dma_wait3A_101 = tpu.memref_slice %arg13[%add3A_77, %dma_wait3A_100] : memref<10112x64xf32, #tpu.memory_space<vmem_shared>> -> memref<128x64xf32, #tpu.memory_space<vmem_shared>>
      %dma_wait3A_102 = arith.constant 0 : i32
      %dma_wait3A_103 = arith.constant 0 : i32
      %dma_wait3A_104 = tpu.memref_slice %arg9[%dma_wait3A_102, %dma_wait3A_103] : memref<128x64xf32, #tpu.memory_space<vmem>> -> memref<128x64xf32, #tpu.memory_space<vmem>>
      %dma_wait3A_105 = arith.constant 0 : i32
      %dma_wait3A_106 = tpu.memref_slice %arg13[%add3A_77, %dma_wait3A_105] : memref<10112x64xf32, #tpu.memory_space<vmem_shared>> -> memref<128x64xf32, #tpu.memory_space<vmem_shared>>
      tpu.wait_dma2 semaphore(%run_scoped3A_86 : memref<!tpu.dma_semaphore, #tpu.memory_space<semaphore_mem>>) src(%dma_wait3A_106 : memref<128x64xf32, #tpu.memory_space<vmem_shared>>) dst(%dma_wait3A_104 : memref<128x64xf32, #tpu.memory_space<vmem>>)
      tpu.yield
    }) : () -> ()
    "tpu.region"() ({
      %run_scoped3A_86 = tpu.sem_alloc : memref<!tpu.dma_semaphore, #tpu.memory_space<semaphore_mem>>
      %dma_start3A_87 = arith.constant 0 : i32
      %dma_start3A_88 = arith.constant 0 : i32
      %dma_start3A_89 = tpu.memref_slice %arg9[%dma_start3A_87, %dma_start3A_88] : memref<128x64xf32, #tpu.memory_space<vmem>> -> memref<128x64xf32, #tpu.memory_space<vmem>>
      %dma_start3A_90 = arith.constant 0 : i32
      %dma_start3A_91 = tpu.memref_slice %arg6[%arg0, %add3A_77, %dma_start3A_90] : memref<2x10112x64xf32, #tpu.memory_space<hbm>> -> memref<1x128x64xf32, #tpu.memory_space<hbm>>
      %dma_start3A_92 = tpu.memref_squeeze %dma_start3A_91 : memref<1x128x64xf32, #tpu.memory_space<hbm>> -> memref<128x64xf32, #tpu.memory_space<hbm>>
      %dma_start3A_93 = arith.constant 0 : i32
      %dma_start3A_94 = tpu.memref_slice %arg6[%arg0, %add3A_77, %dma_start3A_93] : memref<2x10112x64xf32, #tpu.memory_space<hbm>> -> memref<1x128x64xf32, #tpu.memory_space<hbm>>
      %dma_start3A_95 = tpu.memref_squeeze %dma_start3A_94 : memref<1x128x64xf32, #tpu.memory_space<hbm>> -> memref<128x64xf32, #tpu.memory_space<hbm>>
      %dma_start3A_96 = arith.constant 0 : i32
      %dma_start3A_97 = arith.constant 0 : i32
      %dma_start3A_98 = tpu.memref_slice %arg9[%dma_start3A_96, %dma_start3A_97] : memref<128x64xf32, #tpu.memory_space<vmem>> -> memref<128x64xf32, #tpu.memory_space<vmem>>
      tpu.enqueue_dma source(%dma_start3A_98 : memref<128x64xf32, #tpu.memory_space<vmem>>) target(%dma_start3A_95 : memref<128x64xf32, #tpu.memory_space<hbm>>) target_semaphore(%run_scoped3A_86 : memref<!tpu.dma_semaphore, #tpu.memory_space<semaphore_mem>>)
      %dma_wait3A_99 = arith.constant 0 : i32
      %dma_wait3A_100 = arith.constant 0 : i32
      %dma_wait3A_101 = tpu.memref_slice %arg9[%dma_wait3A_99, %dma_wait3A_100] : memref<128x64xf32, #tpu.memory_space<vmem>> -> memref<128x64xf32, #tpu.memory_space<vmem>>
      %dma_wait3A_102 = arith.constant 0 : i32
      %dma_wait3A_103 = tpu.memref_slice %arg6[%arg0, %add3A_77, %dma_wait3A_102] : memref<2x10112x64xf32, #tpu.memory_space<hbm>> -> memref<1x128x64xf32, #tpu.memory_space<hbm>>
      %dma_wait3A_104 = tpu.memref_squeeze %dma_wait3A_103 : memref<1x128x64xf32, #tpu.memory_space<hbm>> -> memref<128x64xf32, #tpu.memory_space<hbm>>
      %dma_wait3A_105 = arith.constant 0 : i32
      %dma_wait3A_106 = tpu.memref_slice %arg6[%arg0, %add3A_77, %dma_wait3A_105] : memref<2x10112x64xf32, #tpu.memory_space<hbm>> -> memref<1x128x64xf32, #tpu.memory_space<hbm>>
      %dma_wait3A_107 = tpu.memref_squeeze %dma_wait3A_106 : memref<1x128x64xf32, #tpu.memory_space<hbm>> -> memref<128x64xf32, #tpu.memory_space<hbm>>
      %dma_wait3A_108 = arith.constant 0 : i32
      %dma_wait3A_109 = arith.constant 0 : i32
      %dma_wait3A_110 = tpu.memref_slice %arg9[%dma_wait3A_108, %dma_wait3A_109] : memref<128x64xf32, #tpu.memory_space<vmem>> -> memref<128x64xf32, #tpu.memory_space<vmem>>
      tpu.wait_dma2 semaphore(%run_scoped3A_86 : memref<!tpu.dma_semaphore, #tpu.memory_space<semaphore_mem>>) src(%dma_wait3A_110 : memref<128x64xf32, #tpu.memory_space<vmem>>) dst(%dma_wait3A_107 : memref<128x64xf32, #tpu.memory_space<hbm>>)
      tpu.yield
    }) : () -> ()
    %mul3A_78 = arith.constant 632 : i32
    %mul3A_79 = arith.muli %arg1, %mul3A_78 : i32
    %add3A_80 = arith.constant 384 : i32
    %add3A_81 = arith.addi %mul3A_79, %add3A_80 : i32
    "tpu.region"() ({
      %run_scoped3A_86 = tpu.sem_alloc : memref<!tpu.dma_semaphore, #tpu.memory_space<semaphore_mem>>
      %dma_start3A_87 = arith.constant 0 : i32
      %dma_start3A_88 = arith.constant 0 : i32
      %dma_start3A_89 = tpu.memref_slice %arg9[%dma_start3A_87, %dma_start3A_88] : memref<128x64xf32, #tpu.memory_space<vmem>> -> memref<128x64xf32, #tpu.memory_space<vmem>>
      %dma_start3A_90 = arith.constant 0 : i32
      %dma_start3A_91 = tpu.memref_slice %arg13[%add3A_81, %dma_start3A_90] : memref<10112x64xf32, #tpu.memory_space<vmem_shared>> -> memref<128x64xf32, #tpu.memory_space<vmem_shared>>
      %dma_start3A_92 = arith.constant 0 : i32
      %dma_start3A_93 = arith.constant 0 : i32
      %dma_start3A_94 = tpu.memref_slice %arg9[%dma_start3A_92, %dma_start3A_93] : memref<128x64xf32, #tpu.memory_space<vmem>> -> memref<128x64xf32, #tpu.memory_space<vmem>>
      %dma_start3A_95 = arith.constant 0 : i32
      %dma_start3A_96 = tpu.memref_slice %arg13[%add3A_81, %dma_start3A_95] : memref<10112x64xf32, #tpu.memory_space<vmem_shared>> -> memref<128x64xf32, #tpu.memory_space<vmem_shared>>
      tpu.enqueue_dma source(%dma_start3A_96 : memref<128x64xf32, #tpu.memory_space<vmem_shared>>) target(%dma_start3A_94 : memref<128x64xf32, #tpu.memory_space<vmem>>) target_semaphore(%run_scoped3A_86 : memref<!tpu.dma_semaphore, #tpu.memory_space<semaphore_mem>>)
      %dma_wait3A_97 = arith.constant 0 : i32
      %dma_wait3A_98 = arith.constant 0 : i32
      %dma_wait3A_99 = tpu.memref_slice %arg9[%dma_wait3A_97, %dma_wait3A_98] : memref<128x64xf32, #tpu.memory_space<vmem>> -> memref<128x64xf32, #tpu.memory_space<vmem>>
      %dma_wait3A_100 = arith.constant 0 : i32
      %dma_wait3A_101 = tpu.memref_slice %arg13[%add3A_81, %dma_wait3A_100] : memref<10112x64xf32, #tpu.memory_space<vmem_shared>> -> memref<128x64xf32, #tpu.memory_space<vmem_shared>>
      %dma_wait3A_102 = arith.constant 0 : i32
      %dma_wait3A_103 = arith.constant 0 : i32
      %dma_wait3A_104 = tpu.memref_slice %arg9[%dma_wait3A_102, %dma_wait3A_103] : memref<128x64xf32, #tpu.memory_space<vmem>> -> memref<128x64xf32, #tpu.memory_space<vmem>>
      %dma_wait3A_105 = arith.constant 0 : i32
      %dma_wait3A_106 = tpu.memref_slice %arg13[%add3A_81, %dma_wait3A_105] : memref<10112x64xf32, #tpu.memory_space<vmem_shared>> -> memref<128x64xf32, #tpu.memory_space<vmem_shared>>
      tpu.wait_dma2 semaphore(%run_scoped3A_86 : memref<!tpu.dma_semaphore, #tpu.memory_space<semaphore_mem>>) src(%dma_wait3A_106 : memref<128x64xf32, #tpu.memory_space<vmem_shared>>) dst(%dma_wait3A_104 : memref<128x64xf32, #tpu.memory_space<vmem>>)
      tpu.yield
    }) : () -> ()
    "tpu.region"() ({
      %run_scoped3A_86 = tpu.sem_alloc : memref<!tpu.dma_semaphore, #tpu.memory_space<semaphore_mem>>
      %dma_start3A_87 = arith.constant 0 : i32
      %dma_start3A_88 = arith.constant 0 : i32
      %dma_start3A_89 = tpu.memref_slice %arg9[%dma_start3A_87, %dma_start3A_88] : memref<128x64xf32, #tpu.memory_space<vmem>> -> memref<128x64xf32, #tpu.memory_space<vmem>>
      %dma_start3A_90 = arith.constant 0 : i32
      %dma_start3A_91 = tpu.memref_slice %arg6[%arg0, %add3A_81, %dma_start3A_90] : memref<2x10112x64xf32, #tpu.memory_space<hbm>> -> memref<1x128x64xf32, #tpu.memory_space<hbm>>
      %dma_start3A_92 = tpu.memref_squeeze %dma_start3A_91 : memref<1x128x64xf32, #tpu.memory_space<hbm>> -> memref<128x64xf32, #tpu.memory_space<hbm>>
      %dma_start3A_93 = arith.constant 0 : i32
      %dma_start3A_94 = tpu.memref_slice %arg6[%arg0, %add3A_81, %dma_start3A_93] : memref<2x10112x64xf32, #tpu.memory_space<hbm>> -> memref<1x128x64xf32, #tpu.memory_space<hbm>>
      %dma_start3A_95 = tpu.memref_squeeze %dma_start3A_94 : memref<1x128x64xf32, #tpu.memory_space<hbm>> -> memref<128x64xf32, #tpu.memory_space<hbm>>
      %dma_start3A_96 = arith.constant 0 : i32
      %dma_start3A_97 = arith.constant 0 : i32
      %dma_start3A_98 = tpu.memref_slice %arg9[%dma_start3A_96, %dma_start3A_97] : memref<128x64xf32, #tpu.memory_space<vmem>> -> memref<128x64xf32, #tpu.memory_space<vmem>>
      tpu.enqueue_dma source(%dma_start3A_98 : memref<128x64xf32, #tpu.memory_space<vmem>>) target(%dma_start3A_95 : memref<128x64xf32, #tpu.memory_space<hbm>>) target_semaphore(%run_scoped3A_86 : memref<!tpu.dma_semaphore, #tpu.memory_space<semaphore_mem>>)
      %dma_wait3A_99 = arith.constant 0 : i32
      %dma_wait3A_100 = arith.constant 0 : i32
      %dma_wait3A_101 = tpu.memref_slice %arg9[%dma_wait3A_99, %dma_wait3A_100] : memref<128x64xf32, #tpu.memory_space<vmem>> -> memref<128x64xf32, #tpu.memory_space<vmem>>
      %dma_wait3A_102 = arith.constant 0 : i32
      %dma_wait3A_103 = tpu.memref_slice %arg6[%arg0, %add3A_81, %dma_wait3A_102] : memref<2x10112x64xf32, #tpu.memory_space<hbm>> -> memref<1x128x64xf32, #tpu.memory_space<hbm>>
      %dma_wait3A_104 = tpu.memref_squeeze %dma_wait3A_103 : memref<1x128x64xf32, #tpu.memory_space<hbm>> -> memref<128x64xf32, #tpu.memory_space<hbm>>
      %dma_wait3A_105 = arith.constant 0 : i32
      %dma_wait3A_106 = tpu.memref_slice %arg6[%arg0, %add3A_81, %dma_wait3A_105] : memref<2x10112x64xf32, #tpu.memory_space<hbm>> -> memref<1x128x64xf32, #tpu.memory_space<hbm>>
      %dma_wait3A_107 = tpu.memref_squeeze %dma_wait3A_106 : memref<1x128x64xf32, #tpu.memory_space<hbm>> -> memref<128x64xf32, #tpu.memory_space<hbm>>
      %dma_wait3A_108 = arith.constant 0 : i32
      %dma_wait3A_109 = arith.constant 0 : i32
      %dma_wait3A_110 = tpu.memref_slice %arg9[%dma_wait3A_108, %dma_wait3A_109] : memref<128x64xf32, #tpu.memory_space<vmem>> -> memref<128x64xf32, #tpu.memory_space<vmem>>
      tpu.wait_dma2 semaphore(%run_scoped3A_86 : memref<!tpu.dma_semaphore, #tpu.memory_space<semaphore_mem>>) src(%dma_wait3A_110 : memref<128x64xf32, #tpu.memory_space<vmem>>) dst(%dma_wait3A_107 : memref<128x64xf32, #tpu.memory_space<hbm>>)
      tpu.yield
    }) : () -> ()
    %mul3A_82 = arith.constant 632 : i32
    %mul3A_83 = arith.muli %arg1, %mul3A_82 : i32
    %add3A_84 = arith.constant 512 : i32
    %add3A_85 = arith.addi %mul3A_83, %add3A_84 : i32
    "tpu.region"() ({
      %run_scoped3A_86 = tpu.sem_alloc : memref<!tpu.dma_semaphore, #tpu.memory_space<semaphore_mem>>
      %dma_start3A_87 = arith.constant 0 : i32
      %dma_start3A_88 = arith.constant 0 : i32
      %dma_start3A_89 = tpu.memref_slice %arg9[%dma_start3A_87, %dma_start3A_88] : memref<128x64xf32, #tpu.memory_space<vmem>> -> memref<120x64xf32, #tpu.memory_space<vmem>>
      %dma_start3A_90 = arith.constant 0 : i32
      %dma_start3A_91 = tpu.memref_slice %arg13[%add3A_85, %dma_start3A_90] : memref<10112x64xf32, #tpu.memory_space<vmem_shared>> -> memref<120x64xf32, #tpu.memory_space<vmem_shared>>
      %dma_start3A_92 = arith.constant 0 : i32
      %dma_start3A_93 = arith.constant 0 : i32
      %dma_start3A_94 = tpu.memref_slice %arg9[%dma_start3A_92, %dma_start3A_93] : memref<128x64xf32, #tpu.memory_space<vmem>> -> memref<120x64xf32, #tpu.memory_space<vmem>>
      %dma_start3A_95 = arith.constant 0 : i32
      %dma_start3A_96 = tpu.memref_slice %arg13[%add3A_85, %dma_start3A_95] : memref<10112x64xf32, #tpu.memory_space<vmem_shared>> -> memref<120x64xf32, #tpu.memory_space<vmem_shared>>
      tpu.enqueue_dma source(%dma_start3A_96 : memref<120x64xf32, #tpu.memory_space<vmem_shared>>) target(%dma_start3A_94 : memref<120x64xf32, #tpu.memory_space<vmem>>) target_semaphore(%run_scoped3A_86 : memref<!tpu.dma_semaphore, #tpu.memory_space<semaphore_mem>>)
      %dma_wait3A_97 = arith.constant 0 : i32
      %dma_wait3A_98 = arith.constant 0 : i32
      %dma_wait3A_99 = tpu.memref_slice %arg9[%dma_wait3A_97, %dma_wait3A_98] : memref<128x64xf32, #tpu.memory_space<vmem>> -> memref<120x64xf32, #tpu.memory_space<vmem>>
      %dma_wait3A_100 = arith.constant 0 : i32
      %dma_wait3A_101 = tpu.memref_slice %arg13[%add3A_85, %dma_wait3A_100] : memref<10112x64xf32, #tpu.memory_space<vmem_shared>> -> memref<120x64xf32, #tpu.memory_space<vmem_shared>>
      %dma_wait3A_102 = arith.constant 0 : i32
      %dma_wait3A_103 = arith.constant 0 : i32
      %dma_wait3A_104 = tpu.memref_slice %arg9[%dma_wait3A_102, %dma_wait3A_103] : memref<128x64xf32, #tpu.memory_space<vmem>> -> memref<120x64xf32, #tpu.memory_space<vmem>>
      %dma_wait3A_105 = arith.constant 0 : i32
      %dma_wait3A_106 = tpu.memref_slice %arg13[%add3A_85, %dma_wait3A_105] : memref<10112x64xf32, #tpu.memory_space<vmem_shared>> -> memref<120x64xf32, #tpu.memory_space<vmem_shared>>
      tpu.wait_dma2 semaphore(%run_scoped3A_86 : memref<!tpu.dma_semaphore, #tpu.memory_space<semaphore_mem>>) src(%dma_wait3A_106 : memref<120x64xf32, #tpu.memory_space<vmem_shared>>) dst(%dma_wait3A_104 : memref<120x64xf32, #tpu.memory_space<vmem>>)
      tpu.yield
    }) : () -> ()
    "tpu.region"() ({
      %run_scoped3A_86 = tpu.sem_alloc : memref<!tpu.dma_semaphore, #tpu.memory_space<semaphore_mem>>
      %dma_start3A_87 = arith.constant 0 : i32
      %dma_start3A_88 = arith.constant 0 : i32
      %dma_start3A_89 = tpu.memref_slice %arg9[%dma_start3A_87, %dma_start3A_88] : memref<128x64xf32, #tpu.memory_space<vmem>> -> memref<120x64xf32, #tpu.memory_space<vmem>>
      %dma_start3A_90 = arith.constant 0 : i32
      %dma_start3A_91 = tpu.memref_slice %arg6[%arg0, %add3A_85, %dma_start3A_90] : memref<2x10112x64xf32, #tpu.memory_space<hbm>> -> memref<1x120x64xf32, #tpu.memory_space<hbm>>
      %dma_start3A_92 = tpu.memref_squeeze %dma_start3A_91 : memref<1x120x64xf32, #tpu.memory_space<hbm>> -> memref<120x64xf32, #tpu.memory_space<hbm>>
      %dma_start3A_93 = arith.constant 0 : i32
      %dma_start3A_94 = tpu.memref_slice %arg6[%arg0, %add3A_85, %dma_start3A_93] : memref<2x10112x64xf32, #tpu.memory_space<hbm>> -> memref<1x120x64xf32, #tpu.memory_space<hbm>>
      %dma_start3A_95 = tpu.memref_squeeze %dma_start3A_94 : memref<1x120x64xf32, #tpu.memory_space<hbm>> -> memref<120x64xf32, #tpu.memory_space<hbm>>
      %dma_start3A_96 = arith.constant 0 : i32
      %dma_start3A_97 = arith.constant 0 : i32
      %dma_start3A_98 = tpu.memref_slice %arg9[%dma_start3A_96, %dma_start3A_97] : memref<128x64xf32, #tpu.memory_space<vmem>> -> memref<120x64xf32, #tpu.memory_space<vmem>>
      tpu.enqueue_dma source(%dma_start3A_98 : memref<120x64xf32, #tpu.memory_space<vmem>>) target(%dma_start3A_95 : memref<120x64xf32, #tpu.memory_space<hbm>>) target_semaphore(%run_scoped3A_86 : memref<!tpu.dma_semaphore, #tpu.memory_space<semaphore_mem>>)
      %dma_wait3A_99 = arith.constant 0 : i32
      %dma_wait3A_100 = arith.constant 0 : i32
      %dma_wait3A_101 = tpu.memref_slice %arg9[%dma_wait3A_99, %dma_wait3A_100] : memref<128x64xf32, #tpu.memory_space<vmem>> -> memref<120x64xf32, #tpu.memory_space<vmem>>
      %dma_wait3A_102 = arith.constant 0 : i32
      %dma_wait3A_103 = tpu.memref_slice %arg6[%arg0, %add3A_85, %dma_wait3A_102] : memref<2x10112x64xf32, #tpu.memory_space<hbm>> -> memref<1x120x64xf32, #tpu.memory_space<hbm>>
      %dma_wait3A_104 = tpu.memref_squeeze %dma_wait3A_103 : memref<1x120x64xf32, #tpu.memory_space<hbm>> -> memref<120x64xf32, #tpu.memory_space<hbm>>
      %dma_wait3A_105 = arith.constant 0 : i32
      %dma_wait3A_106 = tpu.memref_slice %arg6[%arg0, %add3A_85, %dma_wait3A_105] : memref<2x10112x64xf32, #tpu.memory_space<hbm>> -> memref<1x120x64xf32, #tpu.memory_space<hbm>>
      %dma_wait3A_107 = tpu.memref_squeeze %dma_wait3A_106 : memref<1x120x64xf32, #tpu.memory_space<hbm>> -> memref<120x64xf32, #tpu.memory_space<hbm>>
      %dma_wait3A_108 = arith.constant 0 : i32
      %dma_wait3A_109 = arith.constant 0 : i32
      %dma_wait3A_110 = tpu.memref_slice %arg9[%dma_wait3A_108, %dma_wait3A_109] : memref<128x64xf32, #tpu.memory_space<vmem>> -> memref<120x64xf32, #tpu.memory_space<vmem>>
      tpu.wait_dma2 semaphore(%run_scoped3A_86 : memref<!tpu.dma_semaphore, #tpu.memory_space<semaphore_mem>>) src(%dma_wait3A_110 : memref<120x64xf32, #tpu.memory_space<vmem>>) dst(%dma_wait3A_107 : memref<120x64xf32, #tpu.memory_space<hbm>>)
      tpu.yield
    }) : () -> ()
    return
  }
}

module attributes {stable_mosaic.version = 14 : i64} {
  func.func @_p2_body(%arg0: i32, %arg1: i32, %arg2: memref<512x128xf32, #tpu.memory_space<vmem>>, %arg3: memref<1x128x64xf32, #tpu.memory_space<vmem>>, %arg4: memref<512x1xf32, #tpu.memory_space<vmem>>, %arg5: memref<512x1xf32, #tpu.memory_space<vmem>>, %arg6: memref<512x64xf32, #tpu.memory_space<vmem>>, %arg7: memref<512x1xf32, #tpu.memory_space<vmem>>) attributes {dimension_semantics = [#tpu.dimension_semantics<arbitrary>, #tpu.dimension_semantics<arbitrary>], iteration_bounds = array<i64: 2, 20>, scalar_prefetch = 0 : i64, scratch_operands = 0 : i64, tpu.core_type = #tpu.core_type<tc>, window_params = [{transform_indices = @transform_0, window_bounds = array<i64: 512, 128>}, {transform_indices = @transform_1, window_bounds = array<i64: 1, 128, 64>}, {transform_indices = @transform_2, window_bounds = array<i64: 512, 1>}, {transform_indices = @transform_3, window_bounds = array<i64: 512, 1>}, {transform_indices = @transform_4, window_bounds = array<i64: 512, 64>}, {transform_indices = @transform_5, window_bounds = array<i64: 512, 1>}]} {
    %get3A = arith.constant 0 : index
    %get3A_0 = arith.constant 0 : index
    %get3A_1 = vector.load %arg4[%get3A, %get3A_0] : memref<512x1xf32, #tpu.memory_space<vmem>>, vector<512x1xf32>
    %get3A_2 = arith.constant 0 : index
    %get3A_3 = arith.constant 0 : index
    %get3A_4 = vector.load %arg5[%get3A_2, %get3A_3] : memref<512x1xf32, #tpu.memory_space<vmem>>, vector<512x1xf32>
    %add3A = arith.addf %get3A_1, %get3A_4 : vector<512x1xf32>
    %add3A_5 = arith.constant 1.000000e+00 : f32
    %add3A_6 = vector.broadcast %add3A_5 : f32 to vector<512x1xf32>
    %add3A_7 = arith.addf %add3A, %add3A_6 : vector<512x1xf32>
    %rsqrt3A = math.rsqrt %add3A_7 : vector<512x1xf32>
    %get3A_8 = arith.constant 0 : index
    %get3A_9 = arith.constant 0 : index
    %get3A_10 = vector.load %arg2[%get3A_8, %get3A_9] : memref<512x128xf32, #tpu.memory_space<vmem>>, vector<512x128xf32>
    %get3A_11 = arith.constant 0 : index
    %get3A_12 = arith.constant 0 : index
    %get3A_13 = arith.constant 0 : index
    %get3A_14 = vector.load %arg3[%get3A_11, %get3A_12, %get3A_13] : memref<1x128x64xf32, #tpu.memory_space<vmem>>, vector<1x128x64xf32>
    %get3A_15 = vector.shape_cast %get3A_14 : vector<1x128x64xf32> to vector<128x64xf32>
    %dot_general3A = arith.constant dense<0.000000e+00> : vector<512x64xf32>
    %dot_general3A_16 = tpu.matmul %get3A_10, %get3A_15, %dot_general3A {dimension_numbers = #tpu.dot_dimension_numbers<[1], [0], [0], [1], [0, 0, 1, 1], [], []>, transpose_lhs_hint = false} : vector<512x128xf32>, vector<128x64xf32>, vector<512x64xf32> -> vector<512x64xf32>
    %mul3A = vector.broadcast %rsqrt3A : vector<512x1xf32> to vector<512x64xf32>
    %mul3A_17 = arith.mulf %dot_general3A_16, %mul3A : vector<512x64xf32>
    %swap3A = arith.constant 0 : index
    %swap3A_18 = arith.constant 0 : index
    %swap3A_19 = vector.load %arg6[%swap3A, %swap3A_18] : memref<512x64xf32, #tpu.memory_space<vmem>>, vector<512x64xf32>
    tpu.vector_store %arg6[%swap3A, %swap3A_18], %mul3A_17 {strides = array<i32>} : memref<512x64xf32, #tpu.memory_space<vmem>>, vector<512x64xf32>,
    %swap3A_20 = arith.constant 0 : index
    %swap3A_21 = arith.constant 0 : index
    %swap3A_22 = vector.load %arg7[%swap3A_20, %swap3A_21] : memref<512x1xf32, #tpu.memory_space<vmem>>, vector<512x1xf32>
    tpu.vector_store %arg7[%swap3A_20, %swap3A_21], %rsqrt3A {strides = array<i32>} : memref<512x1xf32, #tpu.memory_space<vmem>>, vector<512x1xf32>,
    return
  }
  func.func @transform_0(%arg0: i32, %arg1: i32) -> (i32, i32) {
    %c0_i32 = arith.constant 0 : i32
    %c0_i32_0 = arith.constant 0 : i32
    return %arg1, %c0_i32 : i32, i32
  }
  func.func @transform_1(%arg0: i32, %arg1: i32) -> (i32, i32, i32) {
    %c0_i32 = arith.constant 0 : i32
    %c0_i32_0 = arith.constant 0 : i32
    %c0_i32_1 = arith.constant 0 : i32
    return %arg0, %c0_i32, %c0_i32_0 : i32, i32, i32
  }
  func.func @transform_2(%arg0: i32, %arg1: i32) -> (i32, i32) {
    %c0_i32 = arith.constant 0 : i32
    %c0_i32_0 = arith.constant 0 : i32
    return %arg1, %c0_i32 : i32, i32
  }
  func.func @transform_3(%arg0: i32, %arg1: i32) -> (i32, i32) {
    %c0_i32 = arith.constant 0 : i32
    %c0_i32_0 = arith.constant 0 : i32
    return %arg1, %c0_i32 : i32, i32
  }
  func.func @transform_4(%arg0: i32, %arg1: i32) -> (i32, i32) {
    %mul3A = arith.constant 20 : i32
    %mul3A_0 = arith.muli %arg0, %mul3A : i32
    %add3A = arith.addi %mul3A_0, %arg1 : i32
    %c0_i32 = arith.constant 0 : i32
    %c0_i32_1 = arith.constant 0 : i32
    return %add3A, %c0_i32 : i32, i32
  }
  func.func @transform_5(%arg0: i32, %arg1: i32) -> (i32, i32) {
    %c0_i32 = arith.constant 0 : i32
    %c0_i32_0 = arith.constant 0 : i32
    return %arg1, %c0_i32 : i32, i32
  }
}

module attributes {stable_mosaic.version = 14 : i64} {
  func.func @_p4_body(%arg0: i32, %arg1: memref<2x512x64xf32, #tpu.memory_space<vmem>>, %arg2: memref<512x64xf32, #tpu.memory_space<vmem>>, %arg3: memref<512x64xf32, #tpu.memory_space<vmem>>, %arg4: memref<512x1xf32, #tpu.memory_space<vmem>>, %arg5: memref<1x128xf32, #tpu.memory_space<vmem>>, %arg6: memref<128x16xf32, #tpu.memory_space<vmem>>, %arg7: memref<512x16xf32, #tpu.memory_space<vmem>>) attributes {dimension_semantics = [#tpu.dimension_semantics<arbitrary>], iteration_bounds = array<i64: 20>, scalar_prefetch = 0 : i64, scratch_operands = 0 : i64, tpu.core_type = #tpu.core_type<tc>, window_params = [{transform_indices = @transform_0, window_bounds = array<i64: 2, 512, 64>}, {transform_indices = @transform_1, window_bounds = array<i64: 512, 64>}, {transform_indices = @transform_2, window_bounds = array<i64: 512, 64>}, {transform_indices = @transform_3, window_bounds = array<i64: 512, 1>}, {pipeline_mode = #tpu.pipeline_mode<synchronous>, transform_indices = @transform_4, window_bounds = array<i64: 1, 128>}, {pipeline_mode = #tpu.pipeline_mode<synchronous>, transform_indices = @transform_5, window_bounds = array<i64: 128, 16>}, {transform_indices = @transform_6, window_bounds = array<i64: 512, 16>}]} {
    %get3A = arith.constant 0 : index
    %get3A_0 = arith.constant 0 : index
    %get3A_1 = arith.constant 0 : index
    %get3A_2 = vector.load %arg1[%get3A, %get3A_0, %get3A_1] : memref<2x512x64xf32, #tpu.memory_space<vmem>>, vector<1x512x64xf32>
    %get3A_3 = vector.shape_cast %get3A_2 : vector<1x512x64xf32> to vector<512x64xf32>
    %get3A_4 = arith.constant 0 : index
    %get3A_5 = arith.constant 0 : index
    %get3A_6 = vector.load %arg2[%get3A_4, %get3A_5] : memref<512x64xf32, #tpu.memory_space<vmem>>, vector<512x64xf32>
    %add3A = arith.addf %get3A_3, %get3A_6 : vector<512x64xf32>
    %get3A_7 = arith.constant 1 : index
    %get3A_8 = arith.constant 0 : index
    %get3A_9 = arith.constant 0 : index
    %get3A_10 = vector.load %arg1[%get3A_7, %get3A_8, %get3A_9] : memref<2x512x64xf32, #tpu.memory_space<vmem>>, vector<1x512x64xf32>
    %get3A_11 = vector.shape_cast %get3A_10 : vector<1x512x64xf32> to vector<512x64xf32>
    %get3A_12 = arith.constant 0 : index
    %get3A_13 = arith.constant 0 : index
    %get3A_14 = vector.load %arg3[%get3A_12, %get3A_13] : memref<512x64xf32, #tpu.memory_space<vmem>>, vector<512x64xf32>
    %add3A_15 = arith.addf %get3A_11, %get3A_14 : vector<512x64xf32>
    %concatenate3A = tpu.concatenate %add3A, %add3A_15 in 1 : vector<512x64xf32>, vector<512x64xf32> -> vector<512x128xf32>
    %get3A_16 = arith.constant 0 : index
    %get3A_17 = arith.constant 0 : index
    %get3A_18 = vector.load %arg4[%get3A_16, %get3A_17] : memref<512x1xf32, #tpu.memory_space<vmem>>, vector<512x1xf32>
    %mul3A = vector.broadcast %get3A_18 : vector<512x1xf32> to vector<512x128xf32>
    %mul3A_19 = arith.mulf %concatenate3A, %mul3A : vector<512x128xf32>
    %get3A_20 = arith.constant 0 : index
    %get3A_21 = arith.constant 0 : index
    %get3A_22 = vector.load %arg5[%get3A_20, %get3A_21] : memref<1x128xf32, #tpu.memory_space<vmem>>, vector<1x128xf32>
    %add3A_23 = vector.broadcast %get3A_22 : vector<1x128xf32> to vector<512x128xf32>
    %add3A_24 = arith.addf %mul3A_19, %add3A_23 : vector<512x128xf32>
    %max3A = arith.constant 0.000000e+00 : f32
    %max3A_25 = vector.broadcast %max3A : f32 to vector<512x128xf32>
    %max3A_26 = arith.maximumf %add3A_24, %max3A_25 : vector<512x128xf32>
    %get3A_27 = arith.constant 0 : index
    %get3A_28 = arith.constant 0 : index
    %get3A_29 = vector.load %arg6[%get3A_27, %get3A_28] : memref<128x16xf32, #tpu.memory_space<vmem>>, vector<128x16xf32>
    %dot_general3A = arith.constant dense<0.000000e+00> : vector<512x16xf32>
    %dot_general3A_30 = tpu.matmul %max3A_26, %get3A_29, %dot_general3A {dimension_numbers = #tpu.dot_dimension_numbers<[1], [0], [0], [1], [0, 0, 1, 1], [], []>, transpose_lhs_hint = false} : vector<512x128xf32>, vector<128x16xf32>, vector<512x16xf32> -> vector<512x16xf32>
    %get3A_31 = arith.constant 0 : index
    %get3A_32 = arith.constant 0 : index
    %get3A_33 = vector.load %arg4[%get3A_31, %get3A_32] : memref<512x1xf32, #tpu.memory_space<vmem>>, vector<512x1xf32>
    %mul3A_34 = vector.broadcast %get3A_33 : vector<512x1xf32> to vector<512x16xf32>
    %mul3A_35 = arith.mulf %dot_general3A_30, %mul3A_34 : vector<512x16xf32>
    %swap3A = arith.constant 0 : index
    %swap3A_36 = arith.constant 0 : index
    %swap3A_37 = vector.load %arg7[%swap3A, %swap3A_36] : memref<512x16xf32, #tpu.memory_space<vmem>>, vector<512x16xf32>
    tpu.vector_store %arg7[%swap3A, %swap3A_36], %mul3A_35 {strides = array<i32>} : memref<512x16xf32, #tpu.memory_space<vmem>>, vector<512x16xf32>,
    return
  }
  func.func @transform_0(%arg0: i32) -> (i32, i32, i32) {
    %c0_i32 = arith.constant 0 : i32
    %c0_i32_0 = arith.constant 0 : i32
    %c0_i32_1 = arith.constant 0 : i32
    return %c0_i32, %arg0, %c0_i32_0 : i32, i32, i32
  }
  func.func @transform_1(%arg0: i32) -> (i32, i32) {
    %c0_i32 = arith.constant 0 : i32
    %c0_i32_0 = arith.constant 0 : i32
    return %arg0, %c0_i32 : i32, i32
  }
  func.func @transform_2(%arg0: i32) -> (i32, i32) {
    %add3A = arith.constant 20 : i32
    %add3A_0 = arith.addi %add3A, %arg0 : i32
    %c0_i32 = arith.constant 0 : i32
    %c0_i32_1 = arith.constant 0 : i32
    return %add3A_0, %c0_i32 : i32, i32
  }
  func.func @transform_3(%arg0: i32) -> (i32, i32) {
    %c0_i32 = arith.constant 0 : i32
    %c0_i32_0 = arith.constant 0 : i32
    return %arg0, %c0_i32 : i32, i32
  }
  func.func @transform_4(%arg0: i32) -> (i32, i32) {
    %c0_i32 = arith.constant 0 : i32
    %c0_i32_0 = arith.constant 0 : i32
    %c0_i32_1 = arith.constant 0 : i32
    return %c0_i32, %c0_i32_0 : i32, i32
  }
  func.func @transform_5(%arg0: i32) -> (i32, i32) {
    %c0_i32 = arith.constant 0 : i32
    %c0_i32_0 = arith.constant 0 : i32
    %c0_i32_1 = arith.constant 0 : i32
    return %c0_i32, %c0_i32_0 : i32, i32
  }
  func.func @transform_6(%arg0: i32) -> (i32, i32) {
    %c0_i32 = arith.constant 0 : i32
    %c0_i32_0 = arith.constant 0 : i32
    return %arg0, %c0_i32 : i32, i32
  }
}

module attributes {stable_mosaic.version = 14 : i64} {
  func.func @_p6_body(%arg0: i32, %arg1: memref<2x512x16xf32, #tpu.memory_space<vmem>>, %arg2: memref<512x16xf32, #tpu.memory_space<vmem>>, %arg3: memref<512x1xf32, #tpu.memory_space<vmem>>, %arg4: memref<1x16xf32, #tpu.memory_space<vmem>>, %arg5: memref<512x16xf32, #tpu.memory_space<vmem>>) attributes {dimension_semantics = [#tpu.dimension_semantics<arbitrary>], iteration_bounds = array<i64: 20>, scalar_prefetch = 0 : i64, scratch_operands = 0 : i64, tpu.core_type = #tpu.core_type<tc>, window_params = [{transform_indices = @transform_0, window_bounds = array<i64: 2, 512, 16>}, {transform_indices = @transform_1, window_bounds = array<i64: 512, 16>}, {transform_indices = @transform_2, window_bounds = array<i64: 512, 1>}, {pipeline_mode = #tpu.pipeline_mode<synchronous>, transform_indices = @transform_3, window_bounds = array<i64: 1, 16>}, {transform_indices = @transform_4, window_bounds = array<i64: 512, 16>}]} {
    %get3A = arith.constant 0 : index
    %get3A_0 = arith.constant 0 : index
    %get3A_1 = arith.constant 0 : index
    %get3A_2 = vector.load %arg1[%get3A, %get3A_0, %get3A_1] : memref<2x512x16xf32, #tpu.memory_space<vmem>>, vector<1x512x16xf32>
    %get3A_3 = vector.shape_cast %get3A_2 : vector<1x512x16xf32> to vector<512x16xf32>
    %get3A_4 = arith.constant 1 : index
    %get3A_5 = arith.constant 0 : index
    %get3A_6 = arith.constant 0 : index
    %get3A_7 = vector.load %arg1[%get3A_4, %get3A_5, %get3A_6] : memref<2x512x16xf32, #tpu.memory_space<vmem>>, vector<1x512x16xf32>
    %get3A_8 = vector.shape_cast %get3A_7 : vector<1x512x16xf32> to vector<512x16xf32>
    %add3A = arith.addf %get3A_3, %get3A_8 : vector<512x16xf32>
    %get3A_9 = arith.constant 0 : index
    %get3A_10 = arith.constant 0 : index
    %get3A_11 = vector.load %arg2[%get3A_9, %get3A_10] : memref<512x16xf32, #tpu.memory_space<vmem>>, vector<512x16xf32>
    %add3A_12 = arith.addf %add3A, %get3A_11 : vector<512x16xf32>
    %get3A_13 = arith.constant 0 : index
    %get3A_14 = arith.constant 0 : index
    %get3A_15 = vector.load %arg3[%get3A_13, %get3A_14] : memref<512x1xf32, #tpu.memory_space<vmem>>, vector<512x1xf32>
    %mul3A = vector.broadcast %get3A_15 : vector<512x1xf32> to vector<512x16xf32>
    %mul3A_16 = arith.mulf %add3A_12, %mul3A : vector<512x16xf32>
    %get3A_17 = arith.constant 0 : index
    %get3A_18 = arith.constant 0 : index
    %get3A_19 = vector.load %arg4[%get3A_17, %get3A_18] : memref<1x16xf32, #tpu.memory_space<vmem>>, vector<1x16xf32>
    %add3A_20 = vector.broadcast %get3A_19 : vector<1x16xf32> to vector<512x16xf32>
    %add3A_21 = arith.addf %mul3A_16, %add3A_20 : vector<512x16xf32>
    %swap3A = arith.constant 0 : index
    %swap3A_22 = arith.constant 0 : index
    %swap3A_23 = vector.load %arg5[%swap3A, %swap3A_22] : memref<512x16xf32, #tpu.memory_space<vmem>>, vector<512x16xf32>
    tpu.vector_store %arg5[%swap3A, %swap3A_22], %add3A_21 {strides = array<i32>} : memref<512x16xf32, #tpu.memory_space<vmem>>, vector<512x16xf32>,
    return
  }
  func.func @transform_0(%arg0: i32) -> (i32, i32, i32) {
    %c0_i32 = arith.constant 0 : i32
    %c0_i32_0 = arith.constant 0 : i32
    %c0_i32_1 = arith.constant 0 : i32
    return %c0_i32, %arg0, %c0_i32_0 : i32, i32, i32
  }
  func.func @transform_1(%arg0: i32) -> (i32, i32) {
    %c0_i32 = arith.constant 0 : i32
    %c0_i32_0 = arith.constant 0 : i32
    return %arg0, %c0_i32 : i32, i32
  }
  func.func @transform_2(%arg0: i32) -> (i32, i32) {
    %c0_i32 = arith.constant 0 : i32
    %c0_i32_0 = arith.constant 0 : i32
    return %arg0, %c0_i32 : i32, i32
  }
  func.func @transform_3(%arg0: i32) -> (i32, i32) {
    %c0_i32 = arith.constant 0 : i32
    %c0_i32_0 = arith.constant 0 : i32
    %c0_i32_1 = arith.constant 0 : i32
    return %c0_i32, %c0_i32_0 : i32, i32
  }
  func.func @transform_4(%arg0: i32) -> (i32, i32) {
    %c0_i32 = arith.constant 0 : i32
    %c0_i32_0 = arith.constant 0 : i32
    return %arg0, %c0_i32 : i32, i32
  }
}

</mosaic_0001>

<sc_bundles>
// kernel: kernel.11.cloned.1.call-start
scs
__scs_entry_jumppad:
0x0: {  	(pc) =	sbr.rel $0x88, $3  }
0x1: {  	(tag) =	ssettag $0x0;
	lr =	simm.s32 $0x1  }
0x2: {  	[smem:$0x3F9B] =	sst lr;
	_ =	strace $0xD0000000  }
0x3: {  	_ = 	snop  }
0x4: {  	_ = 	snop  }
0x5: {  	_ = 	snop  }
0x6: {  	_ = 	snop  }
0x7: {  	_ = 	snop  }
__scs_overlays_trampoline_lowered:
0x8: {  	[smem:$0x3FAA] =	sst s0  }
0x9: {  	[smem:$0x3FAB] =	sst s1  }
0xa: {  	[smem:$0x3FAC] =	sst s2  }
0xb: {  	[smem:$0x3FAD] =	sst s3  }
0xc: {  	[smem:$0x3FAE] =	sst s4  }
0xd: {  	[smem:$0x3FAF] =	sst s5  }
0xe: {  	[smem:$0x3FB0] =	sst s6  }
0xf: {  	[smem:$0x3FB1] =	sst s7  }
0x10: {  	[smem:$0x3FB2] =	sst s8  }
0x11: {  	[smem:$0x3FB3] =	sst s9;
	s0 =	simm.s32 @!p0 $0x0  }
0x12: {  	s1 =	sld [smem:$0x3F99];
	s0 =	simm.s32 @p0 $0x1  }
0x13: {  	[smem:$0x3FB4] =	sst s0;
	s0 =	simm.s32 @!p1 $0x0  }
0x14: {  	s2 =	sld [smem:$0x3F98];
	s0 =	simm.s32 @p1 $0x1  }
0x15: {  	[smem:$0x3FB5] =	sst s0;
	s0 =	simm.s32 @!p2 $0x0  }
0x16: {  	s3 =	sld [smem:$0x3FDB];
	s0 =	simm.s32 @p2 $0x1  }
0x17: {  	s4 =	simm.s32 $0x1BF5;
	[smem:$0x3FB7] =	sst s0  }
0x18: {  	s0 =	sld [smem:$0x3F9A];
	_ =	swait.ge [sflag:s4], $0x0  }
0x19: {  	s7 =	sld [smem:$0x3F9B]  }
0x1a: {  	s8 =	sadd.s32 $0xFFFFE003, lr  }
0x1b: {  	s9 =	sadd.s32 $0xFFFFFEF7, lr;
	s5 =	simm.s32 $0xFFFFFFFF;
	p2 =	slt.u32 s8, $0xFFFFF086  }
0x1c: {  	p1 =	slt.u32 s9, $0xF7A;
	s5 =	simm.s32 @!p2 $0x0  }
0x1d: {  	s5 =	simm.s32 @p1 $0x1;
	p0 =	seq.s32 s7, s2  }
0x1e: {  	s7 =	smul.u32 @!p0 $0xF7A, s2;
	p2 =	seq.s32 @!p0 s5, $0x0  }
0x1f: {  	s9 =	smul.u32 $0xF7A, s1;
	s8 =	simm.s32 @!p0 $0x1BF5;
	p2 =	por !p2, p0  }
0x20: {  	[sflag:s8] =	ssyncset.s32 @!p0 $0xFFFFF086;
	s6 =	sadd.s32 @!p0 s3, s7;
	s7 =	simm.s32 @!p0 $0x108  }
0x21: {  	s3 =	sadd.s32 s3, s9;
	s6 =	sadd.s32 @!p0 $0x88, s6;
	s7 =	simm.s32 @p2 $0x1082  }
0x22: {  	[simem:s7], [sflag:s8] =	dma.local @!p0 [hbm:s6], $0xF7A  }
0x23: {  	s9 =	sor.u32 $0xD0000000, s2;
	s6 =	simm.s32 $0x108;
	_ =	swait.ge @!p0 [sflag:s8], $0x0  }
0x24: {  	s3 =	sadd.s32 $0x88, s3;
	s6 =	simm.s32 @!p1 $0x1082;
	[sflag:s4] =	ssyncset.s32 $0xFFFFF086  }
0x25: {  	[simem:s6], [sflag:s4] =	dma.local [hbm:s3], $0xF7A  }
0x26: {  	[smem:$0x3F9B] =	sst s1;
	(tag) =	ssettag s2;
	_ =	strace s9  }
0x27: {  	s1 =	sld [smem:$0x3FAB]  }
0x28: {  	s2 =	sld [smem:$0x3FAC]  }
0x29: {  	s4 =	sld [smem:$0x3FAE]  }
0x2a: {  	p0 =	seq.s32 s5, $0x0;
	s5 =	sld [smem:$0x3FAF]  }
0x2b: {  	s6 =	sld [smem:$0x3FB0]  }
0x2c: {  	s7 =	sld [smem:$0x3FB1]  }
0x2d: {  	s3 =	simm.s32 $0x108;
	s8 =	sld [smem:$0x3FB2]  }
0x2e: {  	s3 =	simm.s32 @!p0 $0x1082;
	s9 =	sld [smem:$0x3FB3]  }
0x2f: {  	lr =	sadd.s32 s0, s3;
	s0 =	sld [smem:$0x3FAA]  }
0x30: {  	s3 =	sld [smem:$0x3FAD]  }
0x31: {  	[smem:$0x3FB6] =	sst s10  }
0x32: {  	s10 =	sld [smem:$0x3FB4];
	_ =	sdelay $0x3  }
0x33: {  	p0 =	seq.s32 s10, $0x1;
	s10 =	sld [smem:$0x3FB6];
	_ =	sdelay $0x3  }
0x34: {  	[smem:$0x3FB6] =	sst s10  }
0x35: {  	s10 =	sld [smem:$0x3FB5];
	_ =	sdelay $0x3  }
0x36: {  	p1 =	seq.s32 s10, $0x1;
	s10 =	sld [smem:$0x3FB6];
	_ =	sdelay $0x3  }
0x37: {  	[smem:$0x3FB6] =	sst s10  }
0x38: {  	s10 =	sld [smem:$0x3FB7]  }
0x39: {  	_ = 	snop;
	(pc) =	sbr.ind lr, $3  }
0x3a: {  	_ = 	snop  }
0x3b: {  	_ = 	snop  }
0x3c: {  	p2 =	seq.s32 s10, $0x1;
	s10 =	sld [smem:$0x3FB6]  }
0x3d: {  	_ =	shalt  }
0x3e: {  	_ =	shalt  }
0x3f: {  	_ =	shalt  }
0x40: {  	_ =	shalt  }
0x41: {  	_ =	shalt  }
0x42: {  	_ =	shalt  }
0x43: {  	_ =	shalt  }
0x44: {  	_ =	shalt  }
0x45: {  	_ =	shalt  }
0x46: {  	_ =	shalt  }
0x47: {  	_ =	shalt  }
0x48: {  	_ =	shalt  }
0x49: {  	_ =	shalt  }
0x4a: {  	_ =	shalt  }
0x4b: {  	_ =	shalt  }
0x4c: {  	_ =	shalt  }
0x4d: {  	_ =	shalt  }
0x4e: {  	_ =	shalt  }
0x4f: {  	_ =	shalt  }
0x50: {  	_ =	shalt  }
0x51: {  	_ =	shalt  }
0x52: {  	_ =	shalt  }
0x53: {  	_ =	shalt  }
0x54: {  	_ =	shalt  }
0x55: {  	_ =	shalt  }
0x56: {  	_ =	shalt  }
0x57: {  	_ =	shalt  }
0x58: {  	_ =	shalt  }
0x59: {  	_ =	shalt  }
0x5a: {  	_ =	shalt  }
0x5b: {  	_ =	shalt  }
0x5c: {  	_ =	shalt  }
0x5d: {  	_ =	shalt  }
0x5e: {  	_ =	shalt  }
0x5f: {  	_ =	shalt  }
0x60: {  	_ =	shalt  }
0x61: {  	_ =	shalt  }
0x62: {  	_ =	shalt  }
0x63: {  	_ =	shalt  }
0x64: {  	_ =	shalt  }
0x65: {  	_ =	shalt  }
0x66: {  	_ =	shalt  }
0x67: {  	_ =	shalt  }
0x68: {  	_ =	shalt  }
0x69: {  	_ =	shalt  }
0x6a: {  	_ =	shalt  }
0x6b: {  	_ =	shalt  }
0x6c: {  	_ =	shalt  }
0x6d: {  	_ =	shalt  }
0x6e: {  	_ =	shalt  }
0x6f: {  	_ =	shalt  }
0x70: {  	_ =	shalt  }
0x71: {  	_ =	shalt  }
0x72: {  	_ =	shalt  }
0x73: {  	_ =	shalt  }
0x74: {  	_ =	shalt  }
0x75: {  	_ =	shalt  }
0x76: {  	_ =	shalt  }
0x77: {  	_ =	shalt  }
0x78: {  	_ =	shalt  }
0x79: {  	_ =	shalt  }
0x7a: {  	_ =	shalt  }
0x7b: {  	_ =	shalt  }
0x7c: {  	_ =	shalt  }
0x7d: {  	_ =	shalt  }
0x7e: {  	_ =	shalt  }
0x7f: {  	_ =	shalt  }
0x80: {  	_ =	shalt  }
0x81: {  	_ =	shalt  }
0x82: {  	_ =	shalt  }
0x83: {  	_ =	shalt  }
0x84: {  	_ =	shalt  }
0x85: {  	_ =	shalt  }
0x86: {  	_ =	shalt  }
0x87: {  	_ =	shalt  }
.Lfunc_end0:
.L_simem_size_0:
called_computation.1_lowered:
.L_overlay_start_0:
0x88: {  	s2 =	sld [smem:$0x3FD9]  }
0x89: {  	s3 =	sld [smem:$0x3FFE];
	_ =	sdelay $0x1  }
0x8a: {  	s1 =	srdreg.scid  }
0x8b: {  	s0 =	sand.u32 $0x1, s1  }
0x8c: {  	s16 =	sshll.u32 s0, $0xA;
	s2 =	sadd.s32 s3, s2  }
0x8d: {  	s2 =	sadd.s32 s2, s16  }
0x8e: {  	[smem:$0x3FC2] =	sst s2  }
0x8f: {  	_ = 	snop  }
0x90: {  	(tm) =	ssettm $0x1  }
0x91: {  	s17 =	sld [smem:$0x3FFB];
	_ =	sdelay $0x3  }
0x92: {  	_ =	strace s17  }
0x93: {  	s2 =	sld [smem:$0x3FFC];
	_ =	sdelay $0x3  }
0x94: {  	_ =	strace s2  }
0x95: {  	s2 =	sld [smem:$0x3FFD];
	_ =	sdelay $0x3  }
0x96: {  	_ =	strace s2  }
0x97: {  	_ =	strace $0x8FFFFFFF  }
0x98: {  	s18 =	sld [smem:$0x3FDB];
	_ =	sdelay $0x1  }
0x99: {  	s19 =	simm.s32 $_scs_section_size  }
0x9a: {  	s4 =	simm.s32 $_size__tile_overlayer_lowered;
	s5 =	simm.s32 $_tile_overlayer_lowered  }
0x9b: {  	s22 =	simm.s32 $0x1BFF;
	s21 =	sshll.u32 s5, $0x1;
	s2 =	sadd.s32 s19, s18  }
0x9c: {  	s6 =	simm.s32 $0x0;
	s20 =	sshll.u32 s4, $0x1;
	s4 =	sadd.s32 s21, s2  }
0x9d: {  	[timem:s6], [sflag:s22] =	dma.local [hbm:s4], s20  }
0x9e: {  	_ =	swait.ge [sflag:s22], s20  }
0x9f: {  	s3 =	ssub.s32 $0x0, s20;
	[sflag:s22] =	ssyncset.done $0x0  }
0xa0: {  	[sflag:s22] =	ssyncadd.s32 s3;
	_ =	sdelay $0x1  }
0xa1: {  	s23 =	simm.s32 $0x1B8B  }
0xa2: {  	_ =	swait.ge [sflag:s23], $0x1  }
0xa3: {  	[sflag:s23] =	ssyncset.done $0x0  }
0xa4: {  	s25 =	simm.s32 $0x1B8E;
	s24 =	sld [smem:$0x3FFE];
	[sflag:s23] =	ssyncadd.s32 $0xFFFFFFFF  }
0xa5: {  	s26 =	simm.s32 $execute0_lowered;
	[smem:$0x3FD2] =	sst s25  }
0xa6: {  	s4 =	sshll.u32 s26, $0x1;
	_ =	strace $0x80000049;
	[dreg:$0x1] =	wrdreg $0xFFFFFFFF  }
0xa7: {  	s28 =	simm.s32 $_size_execute0_lowered;
	s2 =	sadd.s32 s2, s4;
	[dreg:$0x0] =	wrdreg $0x0  }
0xa8: {  	s4 =	sshll.u32 s28, $0x1;
	[dreg:$0x2] =	wrdreg s2  }
0xa9: {  	[dreg:$0x3] =	wrdreg s4  }
0xaa: {  	[dreg:$0x4] =	wrdreg $0xC0  }
0xab: {  	_ =	task [dreg:s6], $0x5FFFF  }
0xac: {  	[dreg:$0x1] =	wrdreg $0xFFFFFFFF  }
0xad: {  	[dreg:$0x0] =	wrdreg $0x60  }
0xae: {  	[dreg:$0x2] =	wrdreg s24  }
0xaf: {  	[dreg:$0x3] =	wrdreg $0x120000  }
0xb0: {  	[dreg:$0x4] =	wrdreg $0x9  }
0xb1: {  	_ =	task.clear_ibuf [dreg:s6], $0x5FFFF;
	_ =	strace $0x90000049  }
0xb2: {  	s29 =	simm.s32 $0x9;
	_ =	strace $0x8000004B  }
0xb3: {  	_ =	swait.ge [sflag:s29], $0x1  }
0xb4: {  	[sflag:s29] =	ssyncadd.s32 $0xFFFFFFFF  }
0xb5: {  	_ =	strace $0x9000004B  }
0xb6: {  	_ =	sfence  }
0xb7: {  	s30 =	sld [smem:$0x0];
	_ =	sdelay $0x2  }
0xb8: {  	s31 =	sshll.u32 s1, $0xD;
	s1 =	sshrl.u32 s1, $0x2  }
0xb9: {  	s3 =	sand.u32 $0x4000, s31;
	s1 =	sadd.s32 s1, s30  }
0xba: {  	s0 =	sor.u32 s3, s0;
	s1 =	sshll.u32 s1, $0x11  }
0xbb: {  	s0 =	sor.u32 s1, s0  }
0xbc: {  	s0 =	sadd.s32 $0x8F2B, s0  }
0xbd: {  	[sflag:s0] =	ssyncadd.remote.s32 $0x1  }
0xbe: {  	_ =	sfence.sel $0xFFFF  }
0xbf: {  	[dreg:$0x0] =	wrdreg $0xFFFFFFFF;
	(pc) =	sbr.abs _section_cstart, $3  }
0xc0: {  	[dreg:$0x1] =	wrdreg $0xFFFFFFFF  }
0xc1: {  	_ =	task.clear_ibuf [dreg:s6], $0x2FFFF;
	_ =	strace $0x9FFFFFFF  }
0xc2: {  	(tm) =	ssettm $0x7FFFFFFF  }
0xc3: {  	_ =	shalt  }
tec
execute0_lowered:
.L_overlay_start_1:
0x0: {  	(tag) =	ssettag $0x1  }
0x1: {  	s5 =	rddreg [dreg:$0x0]  }
0x2: {  	s0 =	srdreg.scid;
	s1 =	rddreg [dreg:$0x1]  }
0x3: {  	s16 =	stileid.u32;
	s2 =	simm.s32 $0x0;
	s21 =	simm.s32 $0x80  }
0x4: {  	s22 =	simm.s32 $0xA000;
	s28 =	simm.s32 $0x10000;
	s29 =	simm.s32 $0x1  }
0x5: {  	s30 =	simm.s32 $0x2;
	s31 =	simm.s32 $0x3;
	s6 =	smul.u32 $0xA00, s16  }
0x6: {  	s0 =	sand.u32 $0x1, s0;
	[smem:$0x7FF] =	sst s2;
	s13 =	smul.u32 $0x9E00, s16  }
0x7: {  	s23 =	sadd.s32 $0x97C00, s5;
	s17 =	sadd.s32 $0xAB800, s5;
	p0 =	sne.s32 s16, $0x0  }
0x8: {  	s3 =	sshll.u32 s0, $0x4;
	_ =	strace $0x8000004A;
	s8 =	ssub.s32 $0x2, s0  }
0x9: {  	s0 =	smul.u32 $0x9E000, s0;
	[dreg:$0x3] =	wrdreg s23;
	s23 =	simm.s32 $0xC000  }
0xa: {  	s3 =	sor.u32 s16, s3;
	s6 =	sadd.s32 s6, s5;
	s24 =	sshrl.u32 s8, $0x1  }
0xb: {  	s9 =	sadd.s32 $0x2000, s13;
	s11 =	sadd.s32 $0x4000, s13;
	s14 =	sadd.s32 $0x6000, s13  }
0xc: {  	s19 =	sadd.s32 $0x8000, s13;
	s4 =	smul.u32 $0xA00, s3;
	s3 =	sadd.s32 $0x6FC00, s5  }
0xd: {  	s18 =	ssub.s32 s8, s24;
	s25 =	sadd.s32 s13, s0;
	s6 =	sadd.s32 $0x1600, s6  }
0xe: {  	s10 =	sadd.s32 s0, s9;
	s9 =	sadd.s32 s9, s1;
	s12 =	sadd.s32 s0, s11  }
0xf: {  	s11 =	sadd.s32 s11, s1;
	s15 =	sadd.s32 s0, s14;
	s0 =	sadd.s32 s0, s19  }
0x10: {  	s24 =	simm.s32 $0x0;
	s26 =	sshrl.u32 s25, $0x3;
	s10 =	sshrl.u32 s10, $0x3  }
0x11: {  	s12 =	sshrl.u32 s12, $0x3;
	s15 =	sshrl.u32 s15, $0x3;
	s0 =	sshrl.u32 s0, $0x3  }
0x12: {  	s25 =	simm.s32 $0xE000;
	s7 =	sadd.s32 s4, s5;
	s8 =	sadd.s32 s17, s26  }
0x13: {  	s10 =	sadd.s32 s17, s10;
	s12 =	sadd.s32 s17, s12;
	s16 =	sadd.s32 s17, s0  }
0x14: {  	s0 =	simm.s32 $0x4;
	s5 =	sadd.s32 $0xBC00, s7;
	s7 =	sadd.s32 s13, s1  }
0x15: {  	s13 =	sadd.s32 s14, s1;
	s14 =	sadd.s32 s17, s15;
	s15 =	sadd.s32 s19, s1  }
0x16: {  	s17 =	smax.u32 s18, $0x1;
	s18 =	sshrl.u32 @!p0 s1, $0x3;
	s19 =	simm.s32 $0x5  }
.LBB2_1:
0x17: {  	s20 =	simm.s32 @!p0 $0x1C05;
	s4 =	rddreg [dreg:$0x3]  }
0x18: {  	[spmem:s18], [sflag:s20] =	dma.local @!p0 [hbm:s4], $0x13C00  }
0x19: {  	s20 =	simm.s32 @!p0 $0x5  }
0x1a: {  	_ =	swait.ge @!p0 [sflag:s20], $0x13C00  }
0x1b: {  	[sflag:s20] =	ssyncset.done @!p0 $0x0  }
0x1c: {  	[sflag:s20] =	ssyncadd.s32 @!p0 $0xFFFEC400  }
0x1d: {  	[tilespmem:s2], [sflag:$0x5] =	stream.linear.gather [hbm4b:s5+s2], $0x5000, $0x38;
	[tilespmem:$0x1BE00] =	vst v63  }
0x1e: {  	_ =	swait.ge [sflag:s19], $0x5000  }
0x1f: {  	[sflag:s19] =	ssyncset.done $0x0  }
0x20: {  	s20 =	simm.s32 $0x5000;
	[sflag:s19] =	ssyncadd.s32 $0xFFFFB000  }
0x21: {  	[tilespmem:s20], [sflag:$0x5] =	stream.linear.gather [hbm4b:s6+s2], $0x5000, $0x38;
	[tilespmem:$0x1BE00] =	vst v63  }
0x22: {  	_ =	swait.ge [sflag:s19], $0x5000  }
0x23: {  	[sflag:s19] =	ssyncset.done $0x0  }
0x24: {  	[sflag:s19] =	ssyncadd.s32 $0xFFFFB000  }
0x25: {  	[bflag:$0x0] =	sbarrier.arrive $0xFFFF  }
0x26: {  	[tilespmem:s22], [sflag:$0x1] =	stream.indirect.gather [hbm4b:s3+s21], $0x40, s2, s21, $0xb8;
	[tilespmem:$0x1BE00] =	vst v63  }
0x27: {  	_ = 	snop  }
0x28: {  	[tilespmem:s23], [sflag:$0x2] =	stream.indirect.gather [hbm4b:s3+s21], $0x40, s21, s21, $0xb8;
	[tilespmem:$0x1BE00] =	vst v63  }
0x29: {  	s26 =	simm.s32 $0x100  }
0x2a: {  	[tilespmem:s25], [sflag:$0x3] =	stream.indirect.gather [hbm4b:s3+s21], $0x40, s26, s21, $0xb8;
	[tilespmem:$0x1BE00] =	vst v63  }
0x2b: {  	s20 =	simm.s32 $0x180  }
0x2c: {  	[tilespmem:s28], [sflag:$0x4] =	stream.indirect.gather [hbm4b:s3+s21], $0x40, s20, s21, $0xb8;
	[tilespmem:$0x1BE00] =	vst v63  }
0x2d: {  	_ =	swait.ge [sflag:s29], $0x2000  }
0x2e: {  	[sflag:s29] =	ssyncset.done $0x0  }
0x2f: {  	s26 =	simm.s32 $0x5000;
	[sflag:s29] =	ssyncadd.s32 $0xFFFFE000  }
0x30: {  	[spmem:s1] =	stream.indirect.scatter.add.f32 [tilespmem:s22], [sflag:$0x5], $0x40, s26, s21, $0xb8;
	[tilespmem:$0x1BE00] =	vst v63  }
0x31: {  	_ =	swait.ge [sflag:s19], $0x2000  }
0x32: {  	[sflag:s19] =	ssyncset.done $0x0  }
0x33: {  	s4 =	simm.s32 $0x200;
	[sflag:s19] =	ssyncadd.s32 $0xFFFFE000  }
0x34: {  	[tilespmem:s22], [sflag:$0x1] =	stream.indirect.gather [hbm4b:s3+s21], $0x40, s4, s21, $0xb8;
	[tilespmem:$0x1BE00] =	vst v63  }
0x35: {  	_ =	swait.ge [sflag:s30], $0x2000  }
0x36: {  	[sflag:s30] =	ssyncset.done $0x0  }
0x37: {  	s26 =	simm.s32 $0x5080;
	[sflag:s30] =	ssyncadd.s32 $0xFFFFE000  }
0x38: {  	[spmem:s1] =	stream.indirect.scatter.add.f32 [tilespmem:s23], [sflag:$0x5], $0x40, s26, s21, $0xb8;
	[tilespmem:$0x1BE00] =	vst v63  }
0x39: {  	_ =	swait.ge [sflag:s19], $0x2000  }
0x3a: {  	[sflag:s19] =	ssyncset.done $0x0  }
0x3b: {  	s4 =	simm.s32 $0x280;
	[sflag:s19] =	ssyncadd.s32 $0xFFFFE000  }
0x3c: {  	[tilespmem:s23], [sflag:$0x2] =	stream.indirect.gather [hbm4b:s3+s21], $0x40, s4, s21, $0xb8;
	[tilespmem:$0x1BE00] =	vst v63  }
0x3d: {  	_ =	swait.ge [sflag:s31], $0x2000  }
0x3e: {  	[sflag:s31] =	ssyncset.done $0x0  }
0x3f: {  	s26 =	simm.s32 $0x5100;
	[sflag:s31] =	ssyncadd.s32 $0xFFFFE000  }
0x40: {  	[spmem:s1] =	stream.indirect.scatter.add.f32 [tilespmem:s25], [sflag:$0x5], $0x40, s26, s21, $0xb8;
	[tilespmem:$0x1BE00] =	vst v63  }
0x41: {  	_ =	swait.ge [sflag:s19], $0x2000  }
0x42: {  	[sflag:s19] =	ssyncset.done $0x0  }
0x43: {  	s4 =	simm.s32 $0x300;
	[sflag:s19] =	ssyncadd.s32 $0xFFFFE000  }
0x44: {  	[tilespmem:s25], [sflag:$0x3] =	stream.indirect.gather [hbm4b:s3+s21], $0x40, s4, s21, $0xb8;
	[tilespmem:$0x1BE00] =	vst v63  }
0x45: {  	_ =	swait.ge [sflag:s0], $0x2000  }
0x46: {  	[sflag:s0] =	ssyncset.done $0x0  }
0x47: {  	s26 =	simm.s32 $0x5180;
	[sflag:s0] =	ssyncadd.s32 $0xFFFFE000  }
0x48: {  	[spmem:s1] =	stream.indirect.scatter.add.f32 [tilespmem:s28], [sflag:$0x5], $0x40, s26, s21, $0xb8;
	[tilespmem:$0x1BE00] =	vst v63  }
0x49: {  	_ =	swait.ge [sflag:s19], $0x2000  }
0x4a: {  	[sflag:s19] =	ssyncset.done $0x0  }
0x4b: {  	s20 =	simm.s32 $0x380;
	s26 =	simm.s32 $0x800;
	[sflag:s19] =	ssyncadd.s32 $0xFFFFE000  }
.LBB2_2:
0x4c: {  	[tilespmem:s28], [sflag:$0x4] =	stream.indirect.gather [hbm4b:s3+s21], $0x40, s20, s21, $0xb8;
	[tilespmem:$0x1BE00] =	vst v63  }
0x4d: {  	s20 =	smov.u32 s26  }
0x4e: {  	p1 =	sne.s32 s26, $0x13000;
	s26 =	sadd.s32 $0x800, s26;
	_ =	swait.ge [sflag:s29], $0x2000  }
0x4f: {  	s20 =	sshra.s32 s20, $0x2;
	[sflag:s29] =	ssyncset.done $0x0  }
0x50: {  	s4 =	sadd.s32 $0x5000, s20;
	[sflag:s29] =	ssyncadd.s32 $0xFFFFE000  }
0x51: {  	[spmem:s1] =	stream.indirect.scatter.add.f32 [tilespmem:s22], [sflag:$0x5], $0x40, s4, s21, $0xb8;
	[tilespmem:$0x1BE00] =	vst v63  }
0x52: {  	_ =	swait.ge [sflag:s19], $0x2000  }
0x53: {  	[sflag:s19] =	ssyncset.done $0x0  }
0x54: {  	s4 =	sadd.s32 $0x200, s20;
	[sflag:s19] =	ssyncadd.s32 $0xFFFFE000  }
0x55: {  	[tilespmem:s22], [sflag:$0x1] =	stream.indirect.gather [hbm4b:s3+s21], $0x40, s4, s21, $0xb8;
	[tilespmem:$0x1BE00] =	vst v63  }
0x56: {  	_ =	swait.ge [sflag:s30], $0x2000  }
0x57: {  	[sflag:s30] =	ssyncset.done $0x0  }
0x58: {  	s4 =	sadd.s32 $0x5080, s20;
	[sflag:s30] =	ssyncadd.s32 $0xFFFFE000  }
0x59: {  	[spmem:s1] =	stream.indirect.scatter.add.f32 [tilespmem:s23], [sflag:$0x5], $0x40, s4, s21, $0xb8;
	[tilespmem:$0x1BE00] =	vst v63  }
0x5a: {  	_ =	swait.ge [sflag:s19], $0x2000  }
0x5b: {  	[sflag:s19] =	ssyncset.done $0x0  }
0x5c: {  	s4 =	sadd.s32 $0x280, s20;
	[sflag:s19] =	ssyncadd.s32 $0xFFFFE000  }
0x5d: {  	[tilespmem:s23], [sflag:$0x2] =	stream.indirect.gather [hbm4b:s3+s21], $0x40, s4, s21, $0xb8;
	[tilespmem:$0x1BE00] =	vst v63  }
0x5e: {  	_ =	swait.ge [sflag:s31], $0x2000  }
0x5f: {  	[sflag:s31] =	ssyncset.done $0x0  }
0x60: {  	s4 =	sadd.s32 $0x5100, s20;
	[sflag:s31] =	ssyncadd.s32 $0xFFFFE000  }
0x61: {  	[spmem:s1] =	stream.indirect.scatter.add.f32 [tilespmem:s25], [sflag:$0x5], $0x40, s4, s21, $0xb8;
	[tilespmem:$0x1BE00] =	vst v63  }
0x62: {  	_ =	swait.ge [sflag:s19], $0x2000  }
0x63: {  	[sflag:s19] =	ssyncset.done $0x0  }
0x64: {  	s4 =	sadd.s32 $0x300, s20;
	[sflag:s19] =	ssyncadd.s32 $0xFFFFE000  }
0x65: {  	[tilespmem:s25], [sflag:$0x3] =	stream.indirect.gather [hbm4b:s3+s21], $0x40, s4, s21, $0xb8;
	[tilespmem:$0x1BE00] =	vst v63  }
0x66: {  	_ =	swait.ge [sflag:s0], $0x2000  }
0x67: {  	[sflag:s0] =	ssyncset.done $0x0  }
.Ltmp0:
0x68: {  	s4 =	sadd.s32 $0x5180, s20;
	[sflag:s0] =	ssyncadd.s32 $0xFFFFE000;
	(pc) =	sbr.rel @p1 .LBB2_2-.Ltmp0, $4  }
0x69: {  	[spmem:s1] =	stream.indirect.scatter.add.f32 [tilespmem:s28], [sflag:$0x5], $0x40, s4, s21, $0xb8;
	[tilespmem:$0x1BE00] =	vst v63  }
0x6a: {  	_ =	swait.ge [sflag:s19], $0x2000  }
0x6b: {  	[sflag:s19] =	ssyncset.done $0x0  }
0x6c: {  	s20 =	sadd.s32 $0x380, s20;
	[sflag:s19] =	ssyncadd.s32 $0xFFFFE000  }
0x6d: {  	[tilespmem:s28], [sflag:$0x4] =	stream.indirect.gather [hbm4b:s3+s21], $0x40, s20, s21, $0xb8;
	[tilespmem:$0x1BE00] =	vst v63  }
0x6e: {  	_ =	swait.ge [sflag:s29], $0x2000  }
0x6f: {  	[sflag:s29] =	ssyncset.done $0x0  }
0x70: {  	s4 =	simm.s32 $0x9E00;
	[sflag:s29] =	ssyncadd.s32 $0xFFFFE000  }
0x71: {  	[spmem:s1] =	stream.indirect.scatter.add.f32 [tilespmem:s22], [sflag:$0x5], $0x40, s4, s21, $0xb8;
	[tilespmem:$0x1BE00] =	vst v63  }
0x72: {  	_ =	swait.ge [sflag:s19], $0x2000  }
0x73: {  	[sflag:s19] =	ssyncset.done $0x0  }
0x74: {  	[sflag:s19] =	ssyncadd.s32 $0xFFFFE000  }
0x75: {  	_ =	swait.ge [sflag:s30], $0x2000  }
0x76: {  	[sflag:s30] =	ssyncset.done $0x0  }
0x77: {  	s26 =	simm.s32 $0x9E80;
	[sflag:s30] =	ssyncadd.s32 $0xFFFFE000  }
0x78: {  	[spmem:s1] =	stream.indirect.scatter.add.f32 [tilespmem:s23], [sflag:$0x5], $0x40, s26, s21, $0xb8;
	[tilespmem:$0x1BE00] =	vst v63  }
0x79: {  	_ =	swait.ge [sflag:s19], $0x2000  }
0x7a: {  	[sflag:s19] =	ssyncset.done $0x0  }
0x7b: {  	[sflag:s19] =	ssyncadd.s32 $0xFFFFE000  }
0x7c: {  	_ =	swait.ge [sflag:s31], $0x2000  }
0x7d: {  	[sflag:s31] =	ssyncset.done $0x0  }
0x7e: {  	s20 =	simm.s32 $0x9F00;
	[sflag:s31] =	ssyncadd.s32 $0xFFFFE000  }
0x7f: {  	[spmem:s1] =	stream.indirect.scatter.add.f32 [tilespmem:s25], [sflag:$0x5], $0x40, s20, s21, $0xb8;
	[tilespmem:$0x1BE00] =	vst v63  }
0x80: {  	_ =	swait.ge [sflag:s19], $0x2000  }
0x81: {  	[sflag:s19] =	ssyncset.done $0x0  }
0x82: {  	[sflag:s19] =	ssyncadd.s32 $0xFFFFE000  }
0x83: {  	_ =	swait.ge [sflag:s0], $0x2000  }
0x84: {  	[sflag:s0] =	ssyncset.done $0x0  }
0x85: {  	s26 =	simm.s32 $0x9F80;
	[sflag:s0] =	ssyncadd.s32 $0xFFFFE000  }
0x86: {  	[spmem:s1] =	stream.indirect.scatter.add.f32 [tilespmem:s28], [sflag:$0x5], $0x40, s26, s21, $0xb8;
	[tilespmem:$0x1BE00] =	vst v63  }
0x87: {  	_ =	swait.ge [sflag:s19], $0x2000  }
0x88: {  	[sflag:s19] =	ssyncset.done $0x0  }
0x89: {  	[sflag:s19] =	ssyncadd.s32 $0xFFFFE000  }
0x8a: {  	[bflag:$0x0] =	sbarrier.arrive $0xFFFF  }
0x8b: {  	[tilespmem:s22], [sflag:$0x5] =	stream.linear.gather [spmem:s7], $0x2000, $0x38;
	[tilespmem:$0x1BE00] =	vst v63  }
0x8c: {  	_ =	swait.ge [sflag:s19], $0x2000  }
0x8d: {  	[sflag:s19] =	ssyncset.done $0x0  }
0x8e: {  	[sflag:s19] =	ssyncadd.s32 $0xFFFFE000  }
0x8f: {  	[hbm4b:s8+s2] =	stream.linear.scatter [tilespmem:s22], [sflag:$0x5], $0x2000, $0x38;
	[tilespmem:$0x1BE00] =	vst v63  }
0x90: {  	_ =	swait.ge [sflag:s19], $0x2000  }
0x91: {  	[sflag:s19] =	ssyncset.done $0x0  }
0x92: {  	[sflag:s19] =	ssyncadd.s32 $0xFFFFE000  }
0x93: {  	[tilespmem:s22], [sflag:$0x5] =	stream.linear.gather [spmem:s9], $0x2000, $0x38;
	[tilespmem:$0x1BE00] =	vst v63  }
0x94: {  	_ =	swait.ge [sflag:s19], $0x2000  }
0x95: {  	[sflag:s19] =	ssyncset.done $0x0  }
0x96: {  	[sflag:s19] =	ssyncadd.s32 $0xFFFFE000  }
0x97: {  	[hbm4b:s10+s2] =	stream.linear.scatter [tilespmem:s22], [sflag:$0x5], $0x2000, $0x38;
	[tilespmem:$0x1BE00] =	vst v63  }
0x98: {  	_ =	swait.ge [sflag:s19], $0x2000  }
0x99: {  	[sflag:s19] =	ssyncset.done $0x0  }
0x9a: {  	[sflag:s19] =	ssyncadd.s32 $0xFFFFE000  }
0x9b: {  	[tilespmem:s22], [sflag:$0x5] =	stream.linear.gather [spmem:s11], $0x2000, $0x38;
	[tilespmem:$0x1BE00] =	vst v63  }
0x9c: {  	_ =	swait.ge [sflag:s19], $0x2000  }
0x9d: {  	[sflag:s19] =	ssyncset.done $0x0  }
0x9e: {  	[sflag:s19] =	ssyncadd.s32 $0xFFFFE000  }
0x9f: {  	[hbm4b:s12+s2] =	stream.linear.scatter [tilespmem:s22], [sflag:$0x5], $0x2000, $0x38;
	[tilespmem:$0x1BE00] =	vst v63  }
0xa0: {  	_ =	swait.ge [sflag:s19], $0x2000  }
0xa1: {  	[sflag:s19] =	ssyncset.done $0x0  }
0xa2: {  	[sflag:s19] =	ssyncadd.s32 $0xFFFFE000  }
0xa3: {  	[tilespmem:s22], [sflag:$0x5] =	stream.linear.gather [spmem:s13], $0x2000, $0x38;
	[tilespmem:$0x1BE00] =	vst v63  }
0xa4: {  	_ =	swait.ge [sflag:s19], $0x2000  }
0xa5: {  	[sflag:s19] =	ssyncset.done $0x0  }
0xa6: {  	[sflag:s19] =	ssyncadd.s32 $0xFFFFE000  }
0xa7: {  	[hbm4b:s14+s2] =	stream.linear.scatter [tilespmem:s22], [sflag:$0x5], $0x2000, $0x38;
	[tilespmem:$0x1BE00] =	vst v63  }
0xa8: {  	_ =	swait.ge [sflag:s19], $0x2000  }
0xa9: {  	[sflag:s19] =	ssyncset.done $0x0  }
0xaa: {  	[sflag:s19] =	ssyncadd.s32 $0xFFFFE000  }
0xab: {  	[tilespmem:s22], [sflag:$0x5] =	stream.linear.gather [spmem:s15], $0x1E00, $0x38;
	[tilespmem:$0x1BE00] =	vst v63  }
0xac: {  	s24 =	sadd.s32 $0x1, s24;
	_ =	swait.ge [sflag:s19], $0x1E00  }
0xad: {  	p1 =	sne.s32 s24, s17;
	[sflag:s19] =	ssyncset.done $0x0  }
.Ltmp1:
0xae: {  	[sflag:s19] =	ssyncadd.s32 $0xFFFFE200;
	(pc) =	sbr.rel @p1 .LBB2_1-.Ltmp1, $4  }
0xaf: {  	[hbm4b:s16+s2] =	stream.linear.scatter [tilespmem:s22], [sflag:$0x5], $0x1E00, $0x38;
	[tilespmem:$0x1BE00] =	vst v63  }
0xb0: {  	_ =	swait.ge [sflag:s19], $0x1E00  }
0xb1: {  	[sflag:s19] =	ssyncset.done $0x0  }
0xb2: {  	[sflag:s19] =	ssyncadd.s32 $0xFFFFE200  }
0xb3: {  	_ =	sfence.sel $0x180000  }
0xb4: {  	[bflag:$0x0] =	sbarrier.arrive $0xFFFF  }
0xb5: {  	_ =	strace $0x9000004A  }
0xb6: {  	[bflag:$0x2] =	sbarrier.arrive $0xFFFF  }
0xb7: {  	s0 =	rddreg [dreg:$0x2]  }
0xb8: {  	s0 =	sadd.s32 @!p0 $0x100000, s0  }
0xb9: {  	[sflag:s0] =	ssyncadd.tile.s32 @!p0 $0x1;
	_ =	shalt  }
.Lfunc_end2:
_tile_overlayer_lowered:
.L_overlay_start_2:
0xba: {  	(tag) =	ssettag $0x2  }
0xbb: {  	s0 =	rddreg [dreg:$0x0];
	s2 =	stileid.u32  }
0xbc: {  	s1 =	rddreg [dreg:$0x1];
	p0 =	sne.s32 s2, $0x0  }
0xbd: {  	s3 =	rddreg [dreg:$0x2];
	[bflag:$0x3] =	sbarrier.arrive $0xFFFF;
	s2 =	simm.s32 @!p0 $0x1C05  }
0xbe: {  	[timem:s3], [sflag:s2] =	dma.local @!p0 [hbm:s0], s1  }
0xbf: {  	s0 =	simm.s32 @!p0 $0x5  }
0xc0: {  	_ =	swait.ge @!p0 [sflag:s0], s1  }
0xc1: {  	s1 =	ssub.s32 @!p0 $0x0, s1;
	[sflag:s0] =	ssyncset.done @!p0 $0x0  }
0xc2: {  	[sflag:s0] =	ssyncadd.s32 @!p0 s1  }
0xc3: {  	[bflag:$0x3] =	sbarrier.arrive $0xFFFF  }
0xc4: {  	_ =	shalt  }

// kernel: kernel.14.cloned.1.call-start
scs
__scs_entry_jumppad:
0x0: {  	(pc) =	sbr.rel $0x88, $3  }
0x1: {  	(tag) =	ssettag $0x0;
	lr =	simm.s32 $0x1  }
0x2: {  	[smem:$0x3F9B] =	sst lr;
	_ =	strace $0xD0000000  }
0x3: {  	_ = 	snop  }
0x4: {  	_ = 	snop  }
0x5: {  	_ = 	snop  }
0x6: {  	_ = 	snop  }
0x7: {  	_ = 	snop  }
__scs_overlays_trampoline_lowered:
0x8: {  	[smem:$0x3FAA] =	sst s0  }
0x9: {  	[smem:$0x3FAB] =	sst s1  }
0xa: {  	[smem:$0x3FAC] =	sst s2  }
0xb: {  	[smem:$0x3FAD] =	sst s3  }
0xc: {  	[smem:$0x3FAE] =	sst s4  }
0xd: {  	[smem:$0x3FAF] =	sst s5  }
0xe: {  	[smem:$0x3FB0] =	sst s6  }
0xf: {  	[smem:$0x3FB1] =	sst s7  }
0x10: {  	[smem:$0x3FB2] =	sst s8  }
0x11: {  	[smem:$0x3FB3] =	sst s9;
	s0 =	simm.s32 @!p0 $0x0  }
0x12: {  	s1 =	sld [smem:$0x3F99];
	s0 =	simm.s32 @p0 $0x1  }
0x13: {  	[smem:$0x3FB4] =	sst s0;
	s0 =	simm.s32 @!p1 $0x0  }
0x14: {  	s2 =	sld [smem:$0x3F98];
	s0 =	simm.s32 @p1 $0x1  }
0x15: {  	[smem:$0x3FB5] =	sst s0;
	s0 =	simm.s32 @!p2 $0x0  }
0x16: {  	s3 =	sld [smem:$0x3FDB];
	s0 =	simm.s32 @p2 $0x1  }
0x17: {  	s4 =	simm.s32 $0x1BF5;
	[smem:$0x3FB7] =	sst s0  }
0x18: {  	s0 =	sld [smem:$0x3F9A];
	_ =	swait.ge [sflag:s4], $0x0  }
0x19: {  	s7 =	sld [smem:$0x3F9B]  }
0x1a: {  	s8 =	sadd.s32 $0xFFFFE003, lr  }
0x1b: {  	s9 =	sadd.s32 $0xFFFFFEF7, lr;
	s5 =	simm.s32 $0xFFFFFFFF;
	p2 =	slt.u32 s8, $0xFFFFF086  }
0x1c: {  	p1 =	slt.u32 s9, $0xF7A;
	s5 =	simm.s32 @!p2 $0x0  }
0x1d: {  	s5 =	simm.s32 @p1 $0x1;
	p0 =	seq.s32 s7, s2  }
0x1e: {  	s7 =	smul.u32 @!p0 $0xF7A, s2;
	p2 =	seq.s32 @!p0 s5, $0x0  }
0x1f: {  	s9 =	smul.u32 $0xF7A, s1;
	s8 =	simm.s32 @!p0 $0x1BF5;
	p2 =	por !p2, p0  }
0x20: {  	[sflag:s8] =	ssyncset.s32 @!p0 $0xFFFFF086;
	s6 =	sadd.s32 @!p0 s3, s7;
	s7 =	simm.s32 @!p0 $0x108  }
0x21: {  	s3 =	sadd.s32 s3, s9;
	s6 =	sadd.s32 @!p0 $0x88, s6;
	s7 =	simm.s32 @p2 $0x1082  }
0x22: {  	[simem:s7], [sflag:s8] =	dma.local @!p0 [hbm:s6], $0xF7A  }
0x23: {  	s9 =	sor.u32 $0xD0000000, s2;
	s6 =	simm.s32 $0x108;
	_ =	swait.ge @!p0 [sflag:s8], $0x0  }
0x24: {  	s3 =	sadd.s32 $0x88, s3;
	s6 =	simm.s32 @!p1 $0x1082;
	[sflag:s4] =	ssyncset.s32 $0xFFFFF086  }
0x25: {  	[simem:s6], [sflag:s4] =	dma.local [hbm:s3], $0xF7A  }
0x26: {  	[smem:$0x3F9B] =	sst s1;
	(tag) =	ssettag s2;
	_ =	strace s9  }
0x27: {  	s1 =	sld [smem:$0x3FAB]  }
0x28: {  	s2 =	sld [smem:$0x3FAC]  }
0x29: {  	s4 =	sld [smem:$0x3FAE]  }
0x2a: {  	p0 =	seq.s32 s5, $0x0;
	s5 =	sld [smem:$0x3FAF]  }
0x2b: {  	s6 =	sld [smem:$0x3FB0]  }
0x2c: {  	s7 =	sld [smem:$0x3FB1]  }
0x2d: {  	s3 =	simm.s32 $0x108;
	s8 =	sld [smem:$0x3FB2]  }
0x2e: {  	s3 =	simm.s32 @!p0 $0x1082;
	s9 =	sld [smem:$0x3FB3]  }
0x2f: {  	lr =	sadd.s32 s0, s3;
	s0 =	sld [smem:$0x3FAA]  }
0x30: {  	s3 =	sld [smem:$0x3FAD]  }
0x31: {  	[smem:$0x3FB6] =	sst s10  }
0x32: {  	s10 =	sld [smem:$0x3FB4];
	_ =	sdelay $0x3  }
0x33: {  	p0 =	seq.s32 s10, $0x1;
	s10 =	sld [smem:$0x3FB6];
	_ =	sdelay $0x3  }
0x34: {  	[smem:$0x3FB6] =	sst s10  }
0x35: {  	s10 =	sld [smem:$0x3FB5];
	_ =	sdelay $0x3  }
0x36: {  	p1 =	seq.s32 s10, $0x1;
	s10 =	sld [smem:$0x3FB6];
	_ =	sdelay $0x3  }
0x37: {  	[smem:$0x3FB6] =	sst s10  }
0x38: {  	s10 =	sld [smem:$0x3FB7]  }
0x39: {  	_ = 	snop;
	(pc) =	sbr.ind lr, $3  }
0x3a: {  	_ = 	snop  }
0x3b: {  	_ = 	snop  }
0x3c: {  	p2 =	seq.s32 s10, $0x1;
	s10 =	sld [smem:$0x3FB6]  }
0x3d: {  	_ =	shalt  }
0x3e: {  	_ =	shalt  }
0x3f: {  	_ =	shalt  }
0x40: {  	_ =	shalt  }
0x41: {  	_ =	shalt  }
0x42: {  	_ =	shalt  }
0x43: {  	_ =	shalt  }
0x44: {  	_ =	shalt  }
0x45: {  	_ =	shalt  }
0x46: {  	_ =	shalt  }
0x47: {  	_ =	shalt  }
0x48: {  	_ =	shalt  }
0x49: {  	_ =	shalt  }
0x4a: {  	_ =	shalt  }
0x4b: {  	_ =	shalt  }
0x4c: {  	_ =	shalt  }
0x4d: {  	_ =	shalt  }
0x4e: {  	_ =	shalt  }
0x4f: {  	_ =	shalt  }
0x50: {  	_ =	shalt  }
0x51: {  	_ =	shalt  }
0x52: {  	_ =	shalt  }
0x53: {  	_ =	shalt  }
0x54: {  	_ =	shalt  }
0x55: {  	_ =	shalt  }
0x56: {  	_ =	shalt  }
0x57: {  	_ =	shalt  }
0x58: {  	_ =	shalt  }
0x59: {  	_ =	shalt  }
0x5a: {  	_ =	shalt  }
0x5b: {  	_ =	shalt  }
0x5c: {  	_ =	shalt  }
0x5d: {  	_ =	shalt  }
0x5e: {  	_ =	shalt  }
0x5f: {  	_ =	shalt  }
0x60: {  	_ =	shalt  }
0x61: {  	_ =	shalt  }
0x62: {  	_ =	shalt  }
0x63: {  	_ =	shalt  }
0x64: {  	_ =	shalt  }
0x65: {  	_ =	shalt  }
0x66: {  	_ =	shalt  }
0x67: {  	_ =	shalt  }
0x68: {  	_ =	shalt  }
0x69: {  	_ =	shalt  }
0x6a: {  	_ =	shalt  }
0x6b: {  	_ =	shalt  }
0x6c: {  	_ =	shalt  }
0x6d: {  	_ =	shalt  }
0x6e: {  	_ =	shalt  }
0x6f: {  	_ =	shalt  }
0x70: {  	_ =	shalt  }
0x71: {  	_ =	shalt  }
0x72: {  	_ =	shalt  }
0x73: {  	_ =	shalt  }
0x74: {  	_ =	shalt  }
0x75: {  	_ =	shalt  }
0x76: {  	_ =	shalt  }
0x77: {  	_ =	shalt  }
0x78: {  	_ =	shalt  }
0x79: {  	_ =	shalt  }
0x7a: {  	_ =	shalt  }
0x7b: {  	_ =	shalt  }
0x7c: {  	_ =	shalt  }
0x7d: {  	_ =	shalt  }
0x7e: {  	_ =	shalt  }
0x7f: {  	_ =	shalt  }
0x80: {  	_ =	shalt  }
0x81: {  	_ =	shalt  }
0x82: {  	_ =	shalt  }
0x83: {  	_ =	shalt  }
0x84: {  	_ =	shalt  }
0x85: {  	_ =	shalt  }
0x86: {  	_ =	shalt  }
0x87: {  	_ =	shalt  }
.Lfunc_end0:
.L_simem_size_0:
called_computation.2_lowered:
.L_overlay_start_0:
0x88: {  	s2 =	sld [smem:$0x3FD9]  }
0x89: {  	s3 =	sld [smem:$0x3FFE];
	_ =	sdelay $0x1  }
0x8a: {  	s1 =	srdreg.scid  }
0x8b: {  	s0 =	sand.u32 $0x1, s1  }
0x8c: {  	s17 =	sshll.u32 s0, $0xA;
	s2 =	sadd.s32 s3, s2  }
0x8d: {  	s2 =	sadd.s32 s2, s17  }
0x8e: {  	[smem:$0x3FC2] =	sst s2  }
0x8f: {  	_ = 	snop  }
0x90: {  	s2 =	sld [smem:$0x3FD0];
	(tm) =	ssettm $0x1  }
0x91: {  	s18 =	sld [smem:$0x3FFB];
	_ =	sdelay $0x3  }
0x92: {  	_ =	strace s18  }
0x93: {  	s3 =	sld [smem:$0x3FFC];
	_ =	sdelay $0x3  }
0x94: {  	_ =	strace s3  }
0x95: {  	s3 =	sld [smem:$0x3FFD];
	_ =	sdelay $0x3  }
0x96: {  	_ =	strace s3  }
0x97: {  	_ =	strace $0x8FFFFFFF  }
0x98: {  	s19 =	sld [smem:$0x3FDB];
	_ =	sdelay $0x1  }
0x99: {  	s4 =	simm.s32 $_scs_section_size  }
0x9a: {  	s5 =	simm.s32 $_size__tile_overlayer_lowered;
	s6 =	simm.s32 $_tile_overlayer_lowered  }
0x9b: {  	s22 =	simm.s32 $0x1BFF;
	s21 =	sshll.u32 s6, $0x1;
	s3 =	sadd.s32 s4, s19  }
0x9c: {  	s7 =	simm.s32 $0x0;
	s20 =	sshll.u32 s5, $0x1;
	s5 =	sadd.s32 s21, s3  }
0x9d: {  	[timem:s7], [sflag:s22] =	dma.local [hbm:s5], s20  }
0x9e: {  	_ =	swait.ge [sflag:s22], s20  }
0x9f: {  	s4 =	ssub.s32 $0x0, s20;
	[sflag:s22] =	ssyncset.done $0x0  }
0xa0: {  	[sflag:s22] =	ssyncadd.s32 s4;
	_ =	sdelay $0x1  }
0xa1: {  	s23 =	simm.s32 $0x1B8B  }
0xa2: {  	_ =	swait.ge [sflag:s23], $0x1  }
0xa3: {  	[sflag:s23] =	ssyncset.done $0x0  }
0xa4: {  	s25 =	simm.s32 $0x1B8E;
	s24 =	sld [smem:$0x3FFE];
	[sflag:s23] =	ssyncadd.s32 $0xFFFFFFFF  }
0xa5: {  	s26 =	simm.s32 $execute0_lowered;
	[smem:$0x3FD2] =	sst s25  }
0xa6: {  	s5 =	sshll.u32 s26, $0x1;
	_ =	strace $0x8000004C;
	[dreg:$0x1] =	wrdreg $0xFFFFFFFF  }
0xa7: {  	s28 =	simm.s32 $_size_execute0_lowered;
	s3 =	sadd.s32 s3, s5;
	[dreg:$0x0] =	wrdreg $0x0  }
0xa8: {  	s5 =	sshll.u32 s28, $0x1;
	[dreg:$0x2] =	wrdreg s3  }
0xa9: {  	[dreg:$0x3] =	wrdreg s5  }
0xaa: {  	[dreg:$0x4] =	wrdreg $0xC0  }
0xab: {  	_ =	task [dreg:s7], $0x5FFFF  }
0xac: {  	[dreg:$0x1] =	wrdreg $0xFFFFFFFF  }
0xad: {  	[dreg:$0x0] =	wrdreg $0x60  }
0xae: {  	[dreg:$0x2] =	wrdreg s24  }
0xaf: {  	[dreg:$0x3] =	wrdreg s2  }
0xb0: {  	[dreg:$0x4] =	wrdreg $0xC0000  }
0xb1: {  	[dreg:$0x5] =	wrdreg $0xE7800  }
0xb2: {  	[dreg:$0x6] =	wrdreg $0x9  }
0xb3: {  	_ =	task.clear_ibuf [dreg:s7], $0x7FFFF;
	_ =	strace $0x9000004C  }
0xb4: {  	s29 =	simm.s32 $0x9;
	_ =	strace $0x8000004E  }
0xb5: {  	_ =	swait.ge [sflag:s29], $0x1  }
0xb6: {  	[sflag:s29] =	ssyncadd.s32 $0xFFFFFFFF  }
0xb7: {  	_ =	strace $0x9000004E  }
0xb8: {  	_ =	sfence  }
0xb9: {  	s30 =	sld [smem:$0x0];
	_ =	sdelay $0x2  }
0xba: {  	s31 =	sshll.u32 s1, $0xD;
	s1 =	sshrl.u32 s1, $0x2  }
0xbb: {  	s3 =	sand.u32 $0x4000, s31;
	s1 =	sadd.s32 s1, s30  }
0xbc: {  	s0 =	sor.u32 s3, s0;
	s1 =	sshll.u32 s1, $0x11  }
0xbd: {  	s0 =	sor.u32 s1, s0  }
0xbe: {  	s0 =	sadd.s32 $0x8F2B, s0  }
0xbf: {  	[sflag:s0] =	ssyncadd.remote.s32 $0x1  }
0xc0: {  	_ =	sfence.sel $0xFFFF  }
0xc1: {  	[dreg:$0x0] =	wrdreg $0xFFFFFFFF;
	(pc) =	sbr.abs _section_cstart, $3  }
0xc2: {  	[dreg:$0x1] =	wrdreg $0xFFFFFFFF  }
0xc3: {  	_ =	task.clear_ibuf [dreg:s7], $0x2FFFF;
	_ =	strace $0x9FFFFFFF  }
0xc4: {  	(tm) =	ssettm $0x7FFFFFFF  }
0xc5: {  	_ =	shalt  }
tec
execute0_lowered:
.L_overlay_start_1:
0x0: {  	(tag) =	ssettag $0x1  }
0x1: {  	s0 =	rddreg [dreg:$0x0];
	s19 =	stileid.u32  }
0x2: {  	s2 =	simm.s32 $0x0;
	s3 =	srdreg.scid;
	s1 =	smul.u32 $0xA00, s19  }
0x3: {  	[smem:$0x7FF] =	sst s2;
	s3 =	sand.u32 $0x1, s3;
	s4 =	sadd.s32 $0xB800, s0  }
0x4: {  	s7 =	sshll.u32 s19, $0xB;
	s9 =	sshll.u32 s19, $0x8;
	p0 =	seq.s32 s19, $0xF  }
0x5: {  	s5 =	ssub.s32 $0x2, s3;
	s20 =	sor.u32 $0x8000, s7;
	s8 =	sor.u32 $0x10000, s7  }
0x6: {  	s9 =	sadd.s32 s4, s9;
	s14 =	smul.u32 $0x27800, s3;
	s1 =	sadd.s32 s1, s0  }
0x7: {  	s0 =	sadd.s32 $0x10800, s0;
	s6 =	sshrl.u32 s5, $0x1;
	s10 =	sshrl.u32 s20, $0x3  }
0x8: {  	s11 =	sshrl.u32 s8, $0x3;
	[dreg:$0x5] =	wrdreg s9;
	s9 =	sor.u32 $0x18000, s7  }
0x9: {  	s21 =	sadd.s32 s4, s10;
	s22 =	sadd.s32 s4, s11;
	s10 =	sor.u32 $0x20000, s7  }
0xa: {  	s11 =	smul.u32 $0x2780, s19;
	s12 =	sshrl.u32 s9, $0x3;
	[dreg:$0x6] =	wrdreg s21  }
0xb: {  	[dreg:$0x7] =	wrdreg s22;
	s13 =	sshrl.u32 s10, $0x3;
	s12 =	sadd.s32 s4, s12  }
0xc: {  	s5 =	ssub.s32 s5, s6;
	[dreg:$0x8] =	wrdreg s12;
	s4 =	sadd.s32 s4, s13  }
0xd: {  	s23 =	sadd.s32 s11, s14;
	s15 =	sadd.s32 $0x1000, s11;
	s17 =	sadd.s32 $0x2000, s11  }
0xe: {  	[dreg:$0x9] =	wrdreg s4;
	s12 =	sshrl.u32 s23, $0x3;
	s16 =	sadd.s32 s14, s15  }
0xf: {  	s4 =	sadd.s32 $0x800, s11;
	s12 =	sadd.s32 s0, s12;
	s26 =	sshrl.u32 s16, $0x3  }
0x10: {  	s24 =	sadd.s32 s14, s4;
	[dreg:$0xa] =	wrdreg s12;
	s12 =	sadd.s32 s0, s26  }
0x11: {  	s16 =	sadd.s32 $0x1800, s11;
	s13 =	sshrl.u32 s24, $0x3;
	[dreg:$0xc] =	wrdreg s12  }
0x12: {  	s28 =	sadd.s32 s14, s16;
	s14 =	sadd.s32 s14, s17;
	s12 =	rddreg [dreg:$0x2]  }
0x13: {  	s25 =	sadd.s32 s0, s13;
	s18 =	sshrl.u32 s28, $0x3;
	s13 =	rddreg [dreg:$0x3]  }
0x14: {  	s14 =	sshrl.u32 s14, $0x3;
	[dreg:$0xb] =	wrdreg s25;
	s18 =	sadd.s32 s0, s18  }
0x15: {  	s30 =	sadd.s32 $0xD3000, s1;
	s0 =	sadd.s32 s0, s14;
	[dreg:$0xd] =	wrdreg s18  }
0x16: {  	s31 =	sadd.s32 $0x1600, s1;
	s19 =	simm.s32 $0xB000;
	[dreg:$0xe] =	wrdreg s0  }
0x17: {  	s21 =	smul.u32 $0xA000, s3;
	_ =	strace $0x8000004D;
	[dreg:$0xf] =	wrdreg s30  }
0x18: {  	s3 =	smax.u32 s5, $0x1;
	s1 =	sadd.s32 s7, s12;
	[dreg:$0x10] =	wrdreg s31  }
0x19: {  	s29 =	sshrl.u32 s21, $0x2;
	s14 =	sadd.s32 s7, s13;
	[dreg:$0x11] =	wrdreg s1  }
0x1a: {  	s21 =	simm.s32 $0x1;
	s18 =	sadd.s32 s20, s12;
	[dreg:$0x12] =	wrdreg s14  }
0x1b: {  	s5 =	sor.u32 $0x100, s29;
	s20 =	sadd.s32 s20, s13;
	[dreg:$0x13] =	wrdreg s18  }
0x1c: {  	s6 =	sor.u32 $0x180, s29;
	s22 =	sadd.s32 s8, s12;
	[dreg:$0x14] =	wrdreg s20  }
0x1d: {  	s23 =	sadd.s32 s8, s13;
	s24 =	sadd.s32 s9, s12;
	[dreg:$0x15] =	wrdreg s22  }
0x1e: {  	s25 =	sadd.s32 s9, s13;
	s26 =	sadd.s32 s10, s12;
	[dreg:$0x16] =	wrdreg s23  }
0x1f: {  	s28 =	sadd.s32 s10, s13;
	s7 =	sadd.s32 $0x5000, s29;
	[dreg:$0x17] =	wrdreg s24  }
0x20: {  	s8 =	sadd.s32 $0x7600, s29;
	s9 =	sadd.s32 $0x7680, s29;
	[dreg:$0x18] =	wrdreg s25  }
0x21: {  	s10 =	sadd.s32 $0x7700, s29;
	s0 =	sadd.s32 s16, s13;
	[dreg:$0x19] =	wrdreg s26  }
0x22: {  	s16 =	simm.s32 $0x5;
	[dreg:$0x1a] =	wrdreg s28;
	s30 =	sadd.s32 s11, s13  }
0x23: {  	s31 =	sadd.s32 s4, s13;
	s11 =	sadd.s32 s15, s13;
	s1 =	sadd.s32 s17, s13  }
0x24: {  	s4 =	sor.u32 $0x80, s29;
	s14 =	sadd.s32 $0x7780, s29;
	s15 =	simm.s32 $0xA800  }
0x25: {  	s17 =	simm.s32 $0xA000;
	s18 =	simm.s32 $0x80;
	s20 =	simm.s32 $0xB800  }
0x26: {  	s22 =	simm.s32 $0x2;
	s23 =	simm.s32 $0x3;
	[dreg:$0x1b] =	wrdreg s30  }
0x27: {  	s24 =	simm.s32 $0x4;
	s25 =	simm.s32 $0x0;
	[dreg:$0x1c] =	wrdreg s31  }
.LBB2_1:
0x28: {  	s26 =	rddreg [dreg:$0x1]  }
0x29: {  	[tilespmem:s15], [sflag:$0x5] =	stream.linear.gather [hbm4b:s26+s2], $0x800, $0x38;
	[tilespmem:$0x10F00] =	vst v63  }
0x2a: {  	_ =	swait.ge [sflag:s16], $0x800  }
0x2b: {  	[sflag:s16] =	ssyncset.done $0x0  }
0x2c: {  	s31 =	rddreg [dreg:$0xf];
	[sflag:s16] =	ssyncadd.s32 $0xFFFFF800  }
0x2d: {  	[tilespmem:s2], [sflag:$0x5] =	stream.linear.gather [hbm4b:s31+s2], $0x5000, $0x38;
	[tilespmem:$0x10F00] =	vst v63  }
0x2e: {  	_ =	swait.ge [sflag:s16], $0x5000  }
0x2f: {  	[sflag:s16] =	ssyncset.done $0x0  }
0x30: {  	s28 =	simm.s32 $0x5000;
	s30 =	rddreg [dreg:$0x10];
	[sflag:s16] =	ssyncadd.s32 $0xFFFFB000  }
0x31: {  	[tilespmem:s28], [sflag:$0x5] =	stream.linear.gather [hbm4b:s30+s2], $0x5000, $0x38;
	[tilespmem:$0x10F00] =	vst v63  }
0x32: {  	_ =	swait.ge [sflag:s16], $0x5000  }
0x33: {  	[sflag:s16] =	ssyncset.done $0x0  }
0x34: {  	s31 =	rddreg [dreg:$0x5];
	[sflag:s16] =	ssyncadd.s32 $0xFFFFB000  }
0x35: {  	[tilespmem:s17], [sflag:$0x5] =	stream.linear.gather [hbm4b:s31+s2], $0x800, $0x38;
	[tilespmem:$0x10F00] =	vst v63  }
0x36: {  	_ =	swait.ge [sflag:s16], $0x800  }
0x37: {  	[sflag:s16] =	ssyncset.done $0x0  }
0x38: {  	s30 =	rddreg [dreg:$0x11];
	[sflag:s16] =	ssyncadd.s32 $0xFFFFF800  }
0x39: {  	[spmem:s30] =	stream.linear.scatter [tilespmem:s17], [sflag:$0x5], $0x800, $0x38;
	[tilespmem:$0x10F00] =	vst v63  }
0x3a: {  	_ =	swait.ge [sflag:s16], $0x800  }
0x3b: {  	[sflag:s16] =	ssyncset.done $0x0  }
0x3c: {  	s31 =	rddreg [dreg:$0x12];
	[sflag:s16] =	ssyncadd.s32 $0xFFFFF800  }
0x3d: {  	[spmem:s31] =	stream.linear.scatter [tilespmem:s15], [sflag:$0x5], $0x800, $0x38;
	[tilespmem:$0x10F00] =	vst v63  }
0x3e: {  	_ =	swait.ge [sflag:s16], $0x800  }
0x3f: {  	[sflag:s16] =	ssyncset.done $0x0  }
0x40: {  	s30 =	rddreg [dreg:$0x6];
	[sflag:s16] =	ssyncadd.s32 $0xFFFFF800  }
0x41: {  	[tilespmem:s17], [sflag:$0x5] =	stream.linear.gather [hbm4b:s30+s2], $0x800, $0x38;
	[tilespmem:$0x10F00] =	vst v63  }
0x42: {  	_ =	swait.ge [sflag:s16], $0x800  }
0x43: {  	[sflag:s16] =	ssyncset.done $0x0  }
0x44: {  	s31 =	rddreg [dreg:$0x13];
	[sflag:s16] =	ssyncadd.s32 $0xFFFFF800  }
0x45: {  	[spmem:s31] =	stream.linear.scatter [tilespmem:s17], [sflag:$0x5], $0x800, $0x38;
	[tilespmem:$0x10F00] =	vst v63  }
0x46: {  	_ =	swait.ge [sflag:s16], $0x800  }
0x47: {  	[sflag:s16] =	ssyncset.done $0x0  }
0x48: {  	s30 =	rddreg [dreg:$0x14];
	[sflag:s16] =	ssyncadd.s32 $0xFFFFF800  }
0x49: {  	[spmem:s30] =	stream.linear.scatter [tilespmem:s15], [sflag:$0x5], $0x800, $0x38;
	[tilespmem:$0x10F00] =	vst v63  }
0x4a: {  	_ =	swait.ge [sflag:s16], $0x800  }
0x4b: {  	[sflag:s16] =	ssyncset.done $0x0  }
0x4c: {  	s31 =	rddreg [dreg:$0x7];
	[sflag:s16] =	ssyncadd.s32 $0xFFFFF800  }
0x4d: {  	[tilespmem:s17], [sflag:$0x5] =	stream.linear.gather [hbm4b:s31+s2], $0x800, $0x38;
	[tilespmem:$0x10F00] =	vst v63  }
0x4e: {  	_ =	swait.ge [sflag:s16], $0x800  }
0x4f: {  	[sflag:s16] =	ssyncset.done $0x0  }
0x50: {  	s30 =	rddreg [dreg:$0x15];
	[sflag:s16] =	ssyncadd.s32 $0xFFFFF800  }
0x51: {  	[spmem:s30] =	stream.linear.scatter [tilespmem:s17], [sflag:$0x5], $0x800, $0x38;
	[tilespmem:$0x10F00] =	vst v63  }
0x52: {  	_ =	swait.ge [sflag:s16], $0x800  }
0x53: {  	[sflag:s16] =	ssyncset.done $0x0  }
0x54: {  	s31 =	rddreg [dreg:$0x16];
	[sflag:s16] =	ssyncadd.s32 $0xFFFFF800  }
0x55: {  	[spmem:s31] =	stream.linear.scatter [tilespmem:s15], [sflag:$0x5], $0x800, $0x38;
	[tilespmem:$0x10F00] =	vst v63  }
0x56: {  	_ =	swait.ge [sflag:s16], $0x800  }
0x57: {  	[sflag:s16] =	ssyncset.done $0x0  }
0x58: {  	s30 =	rddreg [dreg:$0x8];
	[sflag:s16] =	ssyncadd.s32 $0xFFFFF800  }
0x59: {  	[tilespmem:s17], [sflag:$0x5] =	stream.linear.gather [hbm4b:s30+s2], $0x800, $0x38;
	[tilespmem:$0x10F00] =	vst v63  }
0x5a: {  	_ =	swait.ge [sflag:s16], $0x800  }
0x5b: {  	[sflag:s16] =	ssyncset.done $0x0  }
0x5c: {  	s31 =	rddreg [dreg:$0x17];
	[sflag:s16] =	ssyncadd.s32 $0xFFFFF800  }
0x5d: {  	[spmem:s31] =	stream.linear.scatter [tilespmem:s17], [sflag:$0x5], $0x800, $0x38;
	[tilespmem:$0x10F00] =	vst v63  }
0x5e: {  	_ =	swait.ge [sflag:s16], $0x800  }
0x5f: {  	[sflag:s16] =	ssyncset.done $0x0  }
0x60: {  	s30 =	rddreg [dreg:$0x18];
	[sflag:s16] =	ssyncadd.s32 $0xFFFFF800  }
0x61: {  	[spmem:s30] =	stream.linear.scatter [tilespmem:s15], [sflag:$0x5], $0x800, $0x38;
	[tilespmem:$0x10F00] =	vst v63  }
0x62: {  	_ =	swait.ge [sflag:s16], $0x800  }
0x63: {  	s26 =	simm.s32 @!p0 $0x0;
	[sflag:s16] =	ssyncset.done $0x0  }
0x64: {  	s28 =	simm.s32 @!p0 $0xA000;
	s30 =	rddreg [dreg:$0x9];
	[sflag:s16] =	ssyncadd.s32 $0xFFFFF800  }
0x65: {  	[tilespmem:s28], [sflag:$0x5] =	stream.linear.gather @!p0 [hbm4b:s30+s26], $0x800, $0x38;
	[tilespmem:$0x10F00] =	vst v63  }
0x66: {  	s26 =	simm.s32 @!p0 $0x5  }
0x67: {  	_ =	swait.ge @!p0 [sflag:s26], $0x800  }
0x68: {  	[sflag:s26] =	ssyncset.done @!p0 $0x0  }
0x69: {  	s30 =	rddreg [dreg:$0x19];
	[sflag:s26] =	ssyncadd.s32 @!p0 $0xFFFFF800  }
0x6a: {  	[spmem:s30] =	stream.linear.scatter @!p0 [tilespmem:s28], [sflag:$0x5], $0x800, $0x38;
	[tilespmem:$0x10F00] =	vst v63  }
0x6b: {  	_ =	swait.ge @!p0 [sflag:s26], $0x800  }
0x6c: {  	[sflag:s26] =	ssyncset.done @!p0 $0x0  }
0x6d: {  	s28 =	simm.s32 @!p0 $0xA800;
	s30 =	rddreg [dreg:$0x1a];
	[sflag:s26] =	ssyncadd.s32 @!p0 $0xFFFFF800  }
0x6e: {  	[spmem:s30] =	stream.linear.scatter @!p0 [tilespmem:s28], [sflag:$0x5], $0x800, $0x38;
	[tilespmem:$0x10F00] =	vst v63  }
0x6f: {  	_ =	swait.ge @!p0 [sflag:s26], $0x800  }
0x70: {  	[sflag:s26] =	ssyncset.done @!p0 $0x0  }
0x71: {  	[sflag:s26] =	ssyncadd.s32 @!p0 $0xFFFFF800  }
0x72: {  	[bflag:$0x0] =	sbarrier.arrive $0xFFFF  }
0x73: {  	[tilespmem:s17], [sflag:$0x1] =	stream.indirect.gather [spmem:s12], $0x10, s29, s18, $0xb8;
	[tilespmem:$0x10F00] =	vst v63  }
0x74: {  	_ = 	snop  }
0x75: {  	[tilespmem:s15], [sflag:$0x2] =	stream.indirect.gather [spmem:s12], $0x10, s4, s18, $0xb8;
	[tilespmem:$0x10F00] =	vst v63  }
0x76: {  	_ = 	snop  }
0x77: {  	[tilespmem:s19], [sflag:$0x3] =	stream.indirect.gather [spmem:s12], $0x10, s5, s18, $0xb8;
	[tilespmem:$0x10F00] =	vst v63  }
0x78: {  	_ = 	snop  }
0x79: {  	[tilespmem:s20], [sflag:$0x4] =	stream.indirect.gather [spmem:s12], $0x10, s6, s18, $0xb8;
	[tilespmem:$0x10F00] =	vst v63  }
0x7a: {  	_ =	swait.ge [sflag:s21], $0x800  }
0x7b: {  	[sflag:s21] =	ssyncset.done $0x0  }
0x7c: {  	s26 =	sadd.s32 $0x0, s7;
	[sflag:s21] =	ssyncadd.s32 $0xFFFFF800  }
0x7d: {  	[spmem:s13] =	stream.indirect.scatter.add.f32 [tilespmem:s17], [sflag:$0x5], $0x10, s26, s18, $0xb8;
	[tilespmem:$0x10F00] =	vst v63  }
0x7e: {  	_ =	swait.ge [sflag:s16], $0x800  }
0x7f: {  	s28 =	sadd.s32 $0x0, s29;
	[sflag:s16] =	ssyncset.done $0x0  }
0x80: {  	s31 =	sadd.s32 $0x200, s28;
	[sflag:s16] =	ssyncadd.s32 $0xFFFFF800  }
0x81: {  	[tilespmem:s17], [sflag:$0x1] =	stream.indirect.gather [spmem:s12], $0x10, s31, s18, $0xb8;
	[tilespmem:$0x10F00] =	vst v63  }
0x82: {  	_ =	swait.ge [sflag:s22], $0x800  }
0x83: {  	[sflag:s22] =	ssyncset.done $0x0  }
0x84: {  	s31 =	sadd.s32 $0x80, s26;
	[sflag:s22] =	ssyncadd.s32 $0xFFFFF800  }
0x85: {  	[spmem:s13] =	stream.indirect.scatter.add.f32 [tilespmem:s15], [sflag:$0x5], $0x10, s31, s18, $0xb8;
	[tilespmem:$0x10F00] =	vst v63  }
0x86: {  	_ =	swait.ge [sflag:s16], $0x800  }
0x87: {  	[sflag:s16] =	ssyncset.done $0x0  }
0x88: {  	s31 =	sadd.s32 $0x280, s28;
	[sflag:s16] =	ssyncadd.s32 $0xFFFFF800  }
0x89: {  	[tilespmem:s15], [sflag:$0x2] =	stream.indirect.gather [spmem:s12], $0x10, s31, s18, $0xb8;
	[tilespmem:$0x10F00] =	vst v63  }
0x8a: {  	_ =	swait.ge [sflag:s23], $0x800  }
0x8b: {  	[sflag:s23] =	ssyncset.done $0x0  }
0x8c: {  	s31 =	sadd.s32 $0x100, s26;
	[sflag:s23] =	ssyncadd.s32 $0xFFFFF800  }
0x8d: {  	[spmem:s13] =	stream.indirect.scatter.add.f32 [tilespmem:s19], [sflag:$0x5], $0x10, s31, s18, $0xb8;
	[tilespmem:$0x10F00] =	vst v63  }
0x8e: {  	_ =	swait.ge [sflag:s16], $0x800  }
0x8f: {  	[sflag:s16] =	ssyncset.done $0x0  }
0x90: {  	s31 =	sadd.s32 $0x300, s28;
	[sflag:s16] =	ssyncadd.s32 $0xFFFFF800  }
0x91: {  	[tilespmem:s19], [sflag:$0x3] =	stream.indirect.gather [spmem:s12], $0x10, s31, s18, $0xb8;
	[tilespmem:$0x10F00] =	vst v63  }
0x92: {  	_ =	swait.ge [sflag:s24], $0x800  }
0x93: {  	[sflag:s24] =	ssyncset.done $0x0  }
0x94: {  	s26 =	sadd.s32 $0x180, s26;
	[sflag:s24] =	ssyncadd.s32 $0xFFFFF800  }
0x95: {  	[spmem:s13] =	stream.indirect.scatter.add.f32 [tilespmem:s20], [sflag:$0x5], $0x10, s26, s18, $0xb8;
	[tilespmem:$0x10F00] =	vst v63  }
0x96: {  	_ =	swait.ge [sflag:s16], $0x800  }
0x97: {  	[sflag:s16] =	ssyncset.done $0x0  }
0x98: {  	s28 =	sadd.s32 $0x380, s28;
	s26 =	simm.s32 $0x800;
	[sflag:s16] =	ssyncadd.s32 $0xFFFFF800  }
.LBB2_2:
0x99: {  	[tilespmem:s20], [sflag:$0x4] =	stream.indirect.gather [spmem:s12], $0x10, s28, s18, $0xb8;
	[tilespmem:$0x10F00] =	vst v63  }
0x9a: {  	s28 =	smov.u32 s26  }
0x9b: {  	p1 =	sne.s32 s26, $0x9000;
	s26 =	sadd.s32 $0x800, s26;
	_ =	swait.ge [sflag:s21], $0x800  }
0x9c: {  	s28 =	sshra.s32 s28, $0x2;
	[sflag:s21] =	ssyncset.done $0x0  }
0x9d: {  	s30 =	sadd.s32 s28, s7;
	s28 =	sadd.s32 s28, s29;
	[sflag:s21] =	ssyncadd.s32 $0xFFFFF800  }
0x9e: {  	[spmem:s13] =	stream.indirect.scatter.add.f32 [tilespmem:s17], [sflag:$0x5], $0x10, s30, s18, $0xb8;
	[tilespmem:$0x10F00] =	vst v63  }
0x9f: {  	_ =	swait.ge [sflag:s16], $0x800  }
0xa0: {  	[sflag:s16] =	ssyncset.done $0x0  }
0xa1: {  	s31 =	sadd.s32 $0x200, s28;
	[sflag:s16] =	ssyncadd.s32 $0xFFFFF800  }
0xa2: {  	[tilespmem:s17], [sflag:$0x1] =	stream.indirect.gather [spmem:s12], $0x10, s31, s18, $0xb8;
	[tilespmem:$0x10F00] =	vst v63  }
0xa3: {  	_ =	swait.ge [sflag:s22], $0x800  }
0xa4: {  	[sflag:s22] =	ssyncset.done $0x0  }
0xa5: {  	s31 =	sadd.s32 $0x80, s30;
	[sflag:s22] =	ssyncadd.s32 $0xFFFFF800  }
0xa6: {  	[spmem:s13] =	stream.indirect.scatter.add.f32 [tilespmem:s15], [sflag:$0x5], $0x10, s31, s18, $0xb8;
	[tilespmem:$0x10F00] =	vst v63  }
0xa7: {  	_ =	swait.ge [sflag:s16], $0x800  }
0xa8: {  	[sflag:s16] =	ssyncset.done $0x0  }
0xa9: {  	s31 =	sadd.s32 $0x280, s28;
	[sflag:s16] =	ssyncadd.s32 $0xFFFFF800  }
0xaa: {  	[tilespmem:s15], [sflag:$0x2] =	stream.indirect.gather [spmem:s12], $0x10, s31, s18, $0xb8;
	[tilespmem:$0x10F00] =	vst v63  }
0xab: {  	_ =	swait.ge [sflag:s23], $0x800  }
0xac: {  	[sflag:s23] =	ssyncset.done $0x0  }
0xad: {  	s31 =	sadd.s32 $0x100, s30;
	[sflag:s23] =	ssyncadd.s32 $0xFFFFF800  }
0xae: {  	[spmem:s13] =	stream.indirect.scatter.add.f32 [tilespmem:s19], [sflag:$0x5], $0x10, s31, s18, $0xb8;
	[tilespmem:$0x10F00] =	vst v63  }
0xaf: {  	_ =	swait.ge [sflag:s16], $0x800  }
0xb0: {  	[sflag:s16] =	ssyncset.done $0x0  }
0xb1: {  	s31 =	sadd.s32 $0x300, s28;
	[sflag:s16] =	ssyncadd.s32 $0xFFFFF800  }
0xb2: {  	[tilespmem:s19], [sflag:$0x3] =	stream.indirect.gather [spmem:s12], $0x10, s31, s18, $0xb8;
	[tilespmem:$0x10F00] =	vst v63  }
0xb3: {  	_ =	swait.ge [sflag:s24], $0x800  }
0xb4: {  	[sflag:s24] =	ssyncset.done $0x0  }
.Ltmp0:
0xb5: {  	s30 =	sadd.s32 $0x180, s30;
	[sflag:s24] =	ssyncadd.s32 $0xFFFFF800;
	(pc) =	sbr.rel @p1 .LBB2_2-.Ltmp0, $4  }
0xb6: {  	[spmem:s13] =	stream.indirect.scatter.add.f32 [tilespmem:s20], [sflag:$0x5], $0x10, s30, s18, $0xb8;
	[tilespmem:$0x10F00] =	vst v63  }
0xb7: {  	_ =	swait.ge [sflag:s16], $0x800  }
0xb8: {  	[sflag:s16] =	ssyncset.done $0x0  }
0xb9: {  	s28 =	sadd.s32 $0x380, s28;
	[sflag:s16] =	ssyncadd.s32 $0xFFFFF800  }
0xba: {  	[tilespmem:s20], [sflag:$0x4] =	stream.indirect.gather [spmem:s12], $0x10, s28, s18, $0xb8;
	[tilespmem:$0x10F00] =	vst v63  }
0xbb: {  	_ =	swait.ge [sflag:s21], $0x800  }
0xbc: {  	[sflag:s21] =	ssyncset.done $0x0  }
0xbd: {  	[sflag:s21] =	ssyncadd.s32 $0xFFFFF800  }
0xbe: {  	[spmem:s13] =	stream.indirect.scatter.add.f32 [tilespmem:s17], [sflag:$0x5], $0x10, s8, s18, $0xb8;
	[tilespmem:$0x10F00] =	vst v63  }
0xbf: {  	_ =	swait.ge [sflag:s16], $0x800  }
0xc0: {  	[sflag:s16] =	ssyncset.done $0x0  }
0xc1: {  	[sflag:s16] =	ssyncadd.s32 $0xFFFFF800  }
0xc2: {  	_ =	swait.ge [sflag:s22], $0x800  }
0xc3: {  	[sflag:s22] =	ssyncset.done $0x0  }
0xc4: {  	[sflag:s22] =	ssyncadd.s32 $0xFFFFF800  }
0xc5: {  	[spmem:s13] =	stream.indirect.scatter.add.f32 [tilespmem:s15], [sflag:$0x5], $0x10, s9, s18, $0xb8;
	[tilespmem:$0x10F00] =	vst v63  }
0xc6: {  	_ =	swait.ge [sflag:s16], $0x800  }
0xc7: {  	[sflag:s16] =	ssyncset.done $0x0  }
0xc8: {  	[sflag:s16] =	ssyncadd.s32 $0xFFFFF800  }
0xc9: {  	_ =	swait.ge [sflag:s23], $0x800  }
0xca: {  	[sflag:s23] =	ssyncset.done $0x0  }
0xcb: {  	[sflag:s23] =	ssyncadd.s32 $0xFFFFF800  }
0xcc: {  	[spmem:s13] =	stream.indirect.scatter.add.f32 [tilespmem:s19], [sflag:$0x5], $0x10, s10, s18, $0xb8;
	[tilespmem:$0x10F00] =	vst v63  }
0xcd: {  	_ =	swait.ge [sflag:s16], $0x800  }
0xce: {  	[sflag:s16] =	ssyncset.done $0x0  }
0xcf: {  	[sflag:s16] =	ssyncadd.s32 $0xFFFFF800  }
0xd0: {  	_ =	swait.ge [sflag:s24], $0x800  }
0xd1: {  	[sflag:s24] =	ssyncset.done $0x0  }
0xd2: {  	[sflag:s24] =	ssyncadd.s32 $0xFFFFF800  }
0xd3: {  	[spmem:s13] =	stream.indirect.scatter.add.f32 [tilespmem:s20], [sflag:$0x5], $0x10, s14, s18, $0xb8;
	[tilespmem:$0x10F00] =	vst v63  }
0xd4: {  	_ =	swait.ge [sflag:s16], $0x800  }
0xd5: {  	[sflag:s16] =	ssyncset.done $0x0  }
0xd6: {  	[sflag:s16] =	ssyncadd.s32 $0xFFFFF800  }
0xd7: {  	[bflag:$0x0] =	sbarrier.arrive $0xFFFF  }
0xd8: {  	s26 =	rddreg [dreg:$0x1b]  }
0xd9: {  	[tilespmem:s17], [sflag:$0x5] =	stream.linear.gather [spmem:s26], $0x800, $0x38;
	[tilespmem:$0x10F00] =	vst v63  }
0xda: {  	_ =	swait.ge [sflag:s16], $0x800  }
0xdb: {  	[sflag:s16] =	ssyncset.done $0x0  }
0xdc: {  	s28 =	rddreg [dreg:$0xa];
	[sflag:s16] =	ssyncadd.s32 $0xFFFFF800  }
0xdd: {  	[hbm4b:s28+s2] =	stream.linear.scatter [tilespmem:s17], [sflag:$0x5], $0x800, $0x38;
	[tilespmem:$0x10F00] =	vst v63  }
0xde: {  	_ =	swait.ge [sflag:s16], $0x800  }
0xdf: {  	[sflag:s16] =	ssyncset.done $0x0  }
0xe0: {  	s30 =	rddreg [dreg:$0x1c];
	[sflag:s16] =	ssyncadd.s32 $0xFFFFF800  }
0xe1: {  	[tilespmem:s17], [sflag:$0x5] =	stream.linear.gather [spmem:s30], $0x800, $0x38;
	[tilespmem:$0x10F00] =	vst v63  }
0xe2: {  	_ =	swait.ge [sflag:s16], $0x800  }
0xe3: {  	[sflag:s16] =	ssyncset.done $0x0  }
0xe4: {  	s31 =	rddreg [dreg:$0xb];
	[sflag:s16] =	ssyncadd.s32 $0xFFFFF800  }
0xe5: {  	[hbm4b:s31+s2] =	stream.linear.scatter [tilespmem:s17], [sflag:$0x5], $0x800, $0x38;
	[tilespmem:$0x10F00] =	vst v63  }
0xe6: {  	_ =	swait.ge [sflag:s16], $0x800  }
0xe7: {  	[sflag:s16] =	ssyncset.done $0x0  }
0xe8: {  	[sflag:s16] =	ssyncadd.s32 $0xFFFFF800  }
0xe9: {  	[tilespmem:s17], [sflag:$0x5] =	stream.linear.gather [spmem:s11], $0x800, $0x38;
	[tilespmem:$0x10F00] =	vst v63  }
0xea: {  	_ =	swait.ge [sflag:s16], $0x800  }
0xeb: {  	[sflag:s16] =	ssyncset.done $0x0  }
0xec: {  	s28 =	rddreg [dreg:$0xc];
	[sflag:s16] =	ssyncadd.s32 $0xFFFFF800  }
0xed: {  	[hbm4b:s28+s2] =	stream.linear.scatter [tilespmem:s17], [sflag:$0x5], $0x800, $0x38;
	[tilespmem:$0x10F00] =	vst v63  }
0xee: {  	_ =	swait.ge [sflag:s16], $0x800  }
0xef: {  	[sflag:s16] =	ssyncset.done $0x0  }
0xf0: {  	[sflag:s16] =	ssyncadd.s32 $0xFFFFF800  }
0xf1: {  	[tilespmem:s17], [sflag:$0x5] =	stream.linear.gather [spmem:s0], $0x800, $0x38;
	[tilespmem:$0x10F00] =	vst v63  }
0xf2: {  	_ =	swait.ge [sflag:s16], $0x800  }
0xf3: {  	[sflag:s16] =	ssyncset.done $0x0  }
0xf4: {  	s30 =	rddreg [dreg:$0xd];
	[sflag:s16] =	ssyncadd.s32 $0xFFFFF800  }
0xf5: {  	[hbm4b:s30+s2] =	stream.linear.scatter [tilespmem:s17], [sflag:$0x5], $0x800, $0x38;
	[tilespmem:$0x10F00] =	vst v63  }
0xf6: {  	_ =	swait.ge [sflag:s16], $0x800  }
0xf7: {  	[sflag:s16] =	ssyncset.done $0x0  }
0xf8: {  	[sflag:s16] =	ssyncadd.s32 $0xFFFFF800  }
0xf9: {  	[tilespmem:s17], [sflag:$0x5] =	stream.linear.gather [spmem:s1], $0x780, $0x38;
	[tilespmem:$0x10F00] =	vst v63  }
0xfa: {  	s25 =	sadd.s32 $0x1, s25;
	_ =	swait.ge [sflag:s16], $0x780  }
0xfb: {  	p1 =	sne.s32 s25, s3;
	[sflag:s16] =	ssyncset.done $0x0  }
.Ltmp1:
0xfc: {  	s31 =	rddreg [dreg:$0xe];
	[sflag:s16] =	ssyncadd.s32 $0xFFFFF880;
	(pc) =	sbr.rel @p1 .LBB2_1-.Ltmp1, $4  }
0xfd: {  	[hbm4b:s31+s2] =	stream.linear.scatter [tilespmem:s17], [sflag:$0x5], $0x780, $0x38;
	[tilespmem:$0x10F00] =	vst v63  }
0xfe: {  	_ =	swait.ge [sflag:s16], $0x780  }
0xff: {  	[sflag:s16] =	ssyncset.done $0x0  }
0x100: {  	[sflag:s16] =	ssyncadd.s32 $0xFFFFF880  }
0x101: {  	_ =	sfence.sel $0x180000  }
0x102: {  	[bflag:$0x0] =	sbarrier.arrive $0xFFFF  }
0x103: {  	_ =	strace $0x9000004D  }
0x104: {  	s0 =	stileid.u32;
	[bflag:$0x2] =	sbarrier.arrive $0xFFFF  }
0x105: {  	p0 =	sne.s32 s0, $0x0;
	s0 =	rddreg [dreg:$0x4]  }
0x106: {  	s0 =	sadd.s32 @!p0 $0x100000, s0  }
0x107: {  	[sflag:s0] =	ssyncadd.tile.s32 @!p0 $0x1;
	_ =	shalt  }
.Lfunc_end2:
_tile_overlayer_lowered:
.L_overlay_start_2:
0x108: {  	(tag) =	ssettag $0x2  }
0x109: {  	s0 =	rddreg [dreg:$0x0];
	s2 =	stileid.u32  }
0x10a: {  	s1 =	rddreg [dreg:$0x1];
	p0 =	sne.s32 s2, $0x0  }
0x10b: {  	s3 =	rddreg [dreg:$0x2];
	[bflag:$0x3] =	sbarrier.arrive $0xFFFF;
	s2 =	simm.s32 @!p0 $0x1C05  }
0x10c: {  	[timem:s3], [sflag:s2] =	dma.local @!p0 [hbm:s0], s1  }
0x10d: {  	s0 =	simm.s32 @!p0 $0x5  }
0x10e: {  	_ =	swait.ge @!p0 [sflag:s0], s1  }
0x10f: {  	s1 =	ssub.s32 @!p0 $0x0, s1;
	[sflag:s0] =	ssyncset.done @!p0 $0x0  }
0x110: {  	[sflag:s0] =	ssyncadd.s32 @!p0 s1  }
0x111: {  	[bflag:$0x3] =	sbarrier.arrive $0xFFFF  }
0x112: {  	_ =	shalt  }

// kernel: kernel.8.cloned.1.call-start
scs
__scs_entry_jumppad:
0x0: {  	(pc) =	sbr.rel $0x88, $3  }
0x1: {  	(tag) =	ssettag $0x0;
	lr =	simm.s32 $0x1  }
0x2: {  	[smem:$0x3F9B] =	sst lr;
	_ =	strace $0xD0000000  }
0x3: {  	_ = 	snop  }
0x4: {  	_ = 	snop  }
0x5: {  	_ = 	snop  }
0x6: {  	_ = 	snop  }
0x7: {  	_ = 	snop  }
__scs_overlays_trampoline_lowered:
0x8: {  	[smem:$0x3FAA] =	sst s0  }
0x9: {  	[smem:$0x3FAB] =	sst s1  }
0xa: {  	[smem:$0x3FAC] =	sst s2  }
0xb: {  	[smem:$0x3FAD] =	sst s3  }
0xc: {  	[smem:$0x3FAE] =	sst s4  }
0xd: {  	[smem:$0x3FAF] =	sst s5  }
0xe: {  	[smem:$0x3FB0] =	sst s6  }
0xf: {  	[smem:$0x3FB1] =	sst s7  }
0x10: {  	[smem:$0x3FB2] =	sst s8  }
0x11: {  	[smem:$0x3FB3] =	sst s9;
	s0 =	simm.s32 @!p0 $0x0  }
0x12: {  	s1 =	sld [smem:$0x3F99];
	s0 =	simm.s32 @p0 $0x1  }
0x13: {  	[smem:$0x3FB4] =	sst s0;
	s0 =	simm.s32 @!p1 $0x0  }
0x14: {  	s2 =	sld [smem:$0x3F98];
	s0 =	simm.s32 @p1 $0x1  }
0x15: {  	[smem:$0x3FB5] =	sst s0;
	s0 =	simm.s32 @!p2 $0x0  }
0x16: {  	s3 =	sld [smem:$0x3FDB];
	s0 =	simm.s32 @p2 $0x1  }
0x17: {  	s4 =	simm.s32 $0x1BF5;
	[smem:$0x3FB7] =	sst s0  }
0x18: {  	s0 =	sld [smem:$0x3F9A];
	_ =	swait.ge [sflag:s4], $0x0  }
0x19: {  	s7 =	sld [smem:$0x3F9B]  }
0x1a: {  	s8 =	sadd.s32 $0xFFFFE003, lr  }
0x1b: {  	s9 =	sadd.s32 $0xFFFFFEF7, lr;
	s5 =	simm.s32 $0xFFFFFFFF;
	p2 =	slt.u32 s8, $0xFFFFF086  }
0x1c: {  	p1 =	slt.u32 s9, $0xF7A;
	s5 =	simm.s32 @!p2 $0x0  }
0x1d: {  	s5 =	simm.s32 @p1 $0x1;
	p0 =	seq.s32 s7, s2  }
0x1e: {  	s7 =	smul.u32 @!p0 $0xF7A, s2;
	p2 =	seq.s32 @!p0 s5, $0x0  }
0x1f: {  	s9 =	smul.u32 $0xF7A, s1;
	s8 =	simm.s32 @!p0 $0x1BF5;
	p2 =	por !p2, p0  }
0x20: {  	[sflag:s8] =	ssyncset.s32 @!p0 $0xFFFFF086;
	s6 =	sadd.s32 @!p0 s3, s7;
	s7 =	simm.s32 @!p0 $0x108  }
0x21: {  	s3 =	sadd.s32 s3, s9;
	s6 =	sadd.s32 @!p0 $0x88, s6;
	s7 =	simm.s32 @p2 $0x1082  }
0x22: {  	[simem:s7], [sflag:s8] =	dma.local @!p0 [hbm:s6], $0xF7A  }
0x23: {  	s9 =	sor.u32 $0xD0000000, s2;
	s6 =	simm.s32 $0x108;
	_ =	swait.ge @!p0 [sflag:s8], $0x0  }
0x24: {  	s3 =	sadd.s32 $0x88, s3;
	s6 =	simm.s32 @!p1 $0x1082;
	[sflag:s4] =	ssyncset.s32 $0xFFFFF086  }
0x25: {  	[simem:s6], [sflag:s4] =	dma.local [hbm:s3], $0xF7A  }
0x26: {  	[smem:$0x3F9B] =	sst s1;
	(tag) =	ssettag s2;
	_ =	strace s9  }
0x27: {  	s1 =	sld [smem:$0x3FAB]  }
0x28: {  	s2 =	sld [smem:$0x3FAC]  }
0x29: {  	s4 =	sld [smem:$0x3FAE]  }
0x2a: {  	p0 =	seq.s32 s5, $0x0;
	s5 =	sld [smem:$0x3FAF]  }
0x2b: {  	s6 =	sld [smem:$0x3FB0]  }
0x2c: {  	s7 =	sld [smem:$0x3FB1]  }
0x2d: {  	s3 =	simm.s32 $0x108;
	s8 =	sld [smem:$0x3FB2]  }
0x2e: {  	s3 =	simm.s32 @!p0 $0x1082;
	s9 =	sld [smem:$0x3FB3]  }
0x2f: {  	lr =	sadd.s32 s0, s3;
	s0 =	sld [smem:$0x3FAA]  }
0x30: {  	s3 =	sld [smem:$0x3FAD]  }
0x31: {  	[smem:$0x3FB6] =	sst s10  }
0x32: {  	s10 =	sld [smem:$0x3FB4];
	_ =	sdelay $0x3  }
0x33: {  	p0 =	seq.s32 s10, $0x1;
	s10 =	sld [smem:$0x3FB6];
	_ =	sdelay $0x3  }
0x34: {  	[smem:$0x3FB6] =	sst s10  }
0x35: {  	s10 =	sld [smem:$0x3FB5];
	_ =	sdelay $0x3  }
0x36: {  	p1 =	seq.s32 s10, $0x1;
	s10 =	sld [smem:$0x3FB6];
	_ =	sdelay $0x3  }
0x37: {  	[smem:$0x3FB6] =	sst s10  }
0x38: {  	s10 =	sld [smem:$0x3FB7]  }
0x39: {  	_ = 	snop;
	(pc) =	sbr.ind lr, $3  }
0x3a: {  	_ = 	snop  }
0x3b: {  	_ = 	snop  }
0x3c: {  	p2 =	seq.s32 s10, $0x1;
	s10 =	sld [smem:$0x3FB6]  }
0x3d: {  	_ =	shalt  }
0x3e: {  	_ =	shalt  }
0x3f: {  	_ =	shalt  }
0x40: {  	_ =	shalt  }
0x41: {  	_ =	shalt  }
0x42: {  	_ =	shalt  }
0x43: {  	_ =	shalt  }
0x44: {  	_ =	shalt  }
0x45: {  	_ =	shalt  }
0x46: {  	_ =	shalt  }
0x47: {  	_ =	shalt  }
0x48: {  	_ =	shalt  }
0x49: {  	_ =	shalt  }
0x4a: {  	_ =	shalt  }
0x4b: {  	_ =	shalt  }
0x4c: {  	_ =	shalt  }
0x4d: {  	_ =	shalt  }
0x4e: {  	_ =	shalt  }
0x4f: {  	_ =	shalt  }
0x50: {  	_ =	shalt  }
0x51: {  	_ =	shalt  }
0x52: {  	_ =	shalt  }
0x53: {  	_ =	shalt  }
0x54: {  	_ =	shalt  }
0x55: {  	_ =	shalt  }
0x56: {  	_ =	shalt  }
0x57: {  	_ =	shalt  }
0x58: {  	_ =	shalt  }
0x59: {  	_ =	shalt  }
0x5a: {  	_ =	shalt  }
0x5b: {  	_ =	shalt  }
0x5c: {  	_ =	shalt  }
0x5d: {  	_ =	shalt  }
0x5e: {  	_ =	shalt  }
0x5f: {  	_ =	shalt  }
0x60: {  	_ =	shalt  }
0x61: {  	_ =	shalt  }
0x62: {  	_ =	shalt  }
0x63: {  	_ =	shalt  }
0x64: {  	_ =	shalt  }
0x65: {  	_ =	shalt  }
0x66: {  	_ =	shalt  }
0x67: {  	_ =	shalt  }
0x68: {  	_ =	shalt  }
0x69: {  	_ =	shalt  }
0x6a: {  	_ =	shalt  }
0x6b: {  	_ =	shalt  }
0x6c: {  	_ =	shalt  }
0x6d: {  	_ =	shalt  }
0x6e: {  	_ =	shalt  }
0x6f: {  	_ =	shalt  }
0x70: {  	_ =	shalt  }
0x71: {  	_ =	shalt  }
0x72: {  	_ =	shalt  }
0x73: {  	_ =	shalt  }
0x74: {  	_ =	shalt  }
0x75: {  	_ =	shalt  }
0x76: {  	_ =	shalt  }
0x77: {  	_ =	shalt  }
0x78: {  	_ =	shalt  }
0x79: {  	_ =	shalt  }
0x7a: {  	_ =	shalt  }
0x7b: {  	_ =	shalt  }
0x7c: {  	_ =	shalt  }
0x7d: {  	_ =	shalt  }
0x7e: {  	_ =	shalt  }
0x7f: {  	_ =	shalt  }
0x80: {  	_ =	shalt  }
0x81: {  	_ =	shalt  }
0x82: {  	_ =	shalt  }
0x83: {  	_ =	shalt  }
0x84: {  	_ =	shalt  }
0x85: {  	_ =	shalt  }
0x86: {  	_ =	shalt  }
0x87: {  	_ =	shalt  }
.Lfunc_end0:
.L_simem_size_0:
called_computation_lowered:
.L_overlay_start_0:
0x88: {  	s2 =	sld [smem:$0x3FD9]  }
0x89: {  	s3 =	sld [smem:$0x3FFE];
	_ =	sdelay $0x1  }
0x8a: {  	s1 =	srdreg.scid  }
0x8b: {  	s0 =	sand.u32 $0x1, s1  }
0x8c: {  	s17 =	sshll.u32 s0, $0xA;
	s2 =	sadd.s32 s3, s2  }
0x8d: {  	s2 =	sadd.s32 s2, s17  }
0x8e: {  	[smem:$0x3FC2] =	sst s2  }
0x8f: {  	_ = 	snop  }
0x90: {  	s2 =	sld [smem:$0x3FD0];
	(tm) =	ssettm $0x1  }
0x91: {  	s18 =	sld [smem:$0x3FFB];
	_ =	sdelay $0x3  }
0x92: {  	_ =	strace s18  }
0x93: {  	s3 =	sld [smem:$0x3FFC];
	_ =	sdelay $0x3  }
0x94: {  	_ =	strace s3  }
0x95: {  	s3 =	sld [smem:$0x3FFD];
	_ =	sdelay $0x3  }
0x96: {  	_ =	strace s3  }
0x97: {  	_ =	strace $0x8FFFFFFF  }
0x98: {  	s19 =	sld [smem:$0x3FDB];
	_ =	sdelay $0x1  }
0x99: {  	s4 =	simm.s32 $_scs_section_size  }
0x9a: {  	s5 =	simm.s32 $_size__tile_overlayer_lowered;
	s6 =	simm.s32 $_tile_overlayer_lowered  }
0x9b: {  	s22 =	simm.s32 $0x1BFF;
	s21 =	sshll.u32 s6, $0x1;
	s3 =	sadd.s32 s4, s19  }
0x9c: {  	s7 =	simm.s32 $0x0;
	s20 =	sshll.u32 s5, $0x1;
	s5 =	sadd.s32 s21, s3  }
0x9d: {  	[timem:s7], [sflag:s22] =	dma.local [hbm:s5], s20  }
0x9e: {  	_ =	swait.ge [sflag:s22], s20  }
0x9f: {  	s4 =	ssub.s32 $0x0, s20;
	[sflag:s22] =	ssyncset.done $0x0  }
0xa0: {  	[sflag:s22] =	ssyncadd.s32 s4;
	_ =	sdelay $0x1  }
0xa1: {  	s23 =	simm.s32 $0x1B8B  }
0xa2: {  	_ =	swait.ge [sflag:s23], $0x1  }
0xa3: {  	[sflag:s23] =	ssyncset.done $0x0  }
0xa4: {  	s25 =	simm.s32 $0x1B8E;
	s24 =	sld [smem:$0x3FFE];
	[sflag:s23] =	ssyncadd.s32 $0xFFFFFFFF  }
0xa5: {  	s26 =	simm.s32 $execute0_lowered;
	[smem:$0x3FD2] =	sst s25  }
0xa6: {  	s5 =	sshll.u32 s26, $0x1;
	_ =	strace $0x80000046;
	[dreg:$0x1] =	wrdreg $0xFFFFFFFF  }
0xa7: {  	s28 =	simm.s32 $_size_execute0_lowered;
	s3 =	sadd.s32 s3, s5;
	[dreg:$0x0] =	wrdreg $0x0  }
0xa8: {  	s5 =	sshll.u32 s28, $0x1;
	[dreg:$0x2] =	wrdreg s3  }
0xa9: {  	[dreg:$0x3] =	wrdreg s5  }
0xaa: {  	[dreg:$0x4] =	wrdreg $0xC0  }
0xab: {  	_ =	task [dreg:s7], $0x5FFFF  }
0xac: {  	[dreg:$0x1] =	wrdreg $0xFFFFFFFF  }
0xad: {  	[dreg:$0x0] =	wrdreg $0x60  }
0xae: {  	[dreg:$0x2] =	wrdreg s24  }
0xaf: {  	[dreg:$0x3] =	wrdreg s2  }
0xb0: {  	[dreg:$0x4] =	wrdreg $0x52F80  }
0xb1: {  	[dreg:$0x5] =	wrdreg $0x9  }
0xb2: {  	_ =	task.clear_ibuf [dreg:s7], $0x6FFFF;
	_ =	strace $0x90000046  }
0xb3: {  	s29 =	simm.s32 $0x9;
	_ =	strace $0x80000048  }
0xb4: {  	_ =	swait.ge [sflag:s29], $0x1  }
0xb5: {  	[sflag:s29] =	ssyncadd.s32 $0xFFFFFFFF  }
0xb6: {  	_ =	strace $0x90000048  }
0xb7: {  	_ =	sfence  }
0xb8: {  	s30 =	sld [smem:$0x0];
	_ =	sdelay $0x2  }
0xb9: {  	s31 =	sshll.u32 s1, $0xD;
	s1 =	sshrl.u32 s1, $0x2  }
0xba: {  	s3 =	sand.u32 $0x4000, s31;
	s1 =	sadd.s32 s1, s30  }
0xbb: {  	s0 =	sor.u32 s3, s0;
	s1 =	sshll.u32 s1, $0x11  }
0xbc: {  	s0 =	sor.u32 s1, s0  }
0xbd: {  	s0 =	sadd.s32 $0x8F2B, s0  }
0xbe: {  	[sflag:s0] =	ssyncadd.remote.s32 $0x1  }
0xbf: {  	_ =	sfence.sel $0xFFFF  }
0xc0: {  	[dreg:$0x0] =	wrdreg $0xFFFFFFFF;
	(pc) =	sbr.abs _section_cstart, $3  }
0xc1: {  	[dreg:$0x1] =	wrdreg $0xFFFFFFFF  }
0xc2: {  	_ =	task.clear_ibuf [dreg:s7], $0x2FFFF;
	_ =	strace $0x9FFFFFFF  }
0xc3: {  	(tm) =	ssettm $0x7FFFFFFF  }
tec
execute0_lowered:
.L_overlay_start_1:
0x0: {  	(tag) =	ssettag $0x1  }
0x1: {  	s3 =	rddreg [dreg:$0x0]  }
0x2: {  	s6 =	rddreg [dreg:$0x1]  }
0x3: {  	s1 =	rddreg [dreg:$0x2]  }
0x4: {  	s0 =	rddreg [dreg:$0x3]  }
0x5: {  	s9 =	stileid.u32;
	s5 =	srdreg.scid  }
0x6: {  	s2 =	simm.s32 $0x0;
	s12 =	simm.s32 $0x5000;
	s13 =	simm.s32 $0x5080  }
0x7: {  	s14 =	simm.s32 $0x0;
	s4 =	smul.u32 $0xA00, s9;
	s5 =	sand.u32 $0x1, s5  }
0x8: {  	s7 =	smul.u32 $0x278, s9;
	[smem:$0x7FF] =	sst s2;
	p0 =	sne.s32 s9, $0x0  }
0x9: {  	s8 =	smul.u32 $0x2780, s5;
	_ =	strace $0x80000047;
	s10 =	ssub.s32 $0x2, s5  }
0xa: {  	s31 =	smul.u32 $0xA000, s5;
	s9 =	sshrl.u32 @!p0 s1, $0x3;
	s4 =	sadd.s32 s4, s3  }
0xb: {  	s3 =	sadd.s32 $0xB600, s3;
	s11 =	sshrl.u32 s10, $0x1;
	s5 =	sadd.s32 s7, s1  }
0xc: {  	s8 =	sadd.s32 s7, s8;
	s10 =	ssub.s32 s10, s11;
	s4 =	sadd.s32 $0x1600, s4  }
0xd: {  	s11 =	simm.s32 $0x80;
	s8 =	sshrl.u32 s8, $0x3;
	s7 =	smax.u32 s10, $0x1  }
0xe: {  	v0 =	vimm.f32 $1.000000000e+00;
	s10 =	simm.s32 $0x1;
	s6 =	sadd.s32 s6, s8;
	s8 =	sshrl.u32 s31, $0x2  }
.LBB2_1:
0xf: {  	s15 =	simm.s32 @!p0 $0x1C01  }
0x10: {  	[spmem:s9], [sflag:s15] =	dma.local @!p0 [hbm:s3], $0x4F0  }
0x11: {  	s15 =	simm.s32 @!p0 $0x1  }
0x12: {  	_ =	swait.ge @!p0 [sflag:s15], $0x4F0  }
0x13: {  	[sflag:s15] =	ssyncset.done @!p0 $0x0  }
0x14: {  	[sflag:s15] =	ssyncadd.s32 @!p0 $0xFFFFFB10  }
0x15: {  	[tilespmem:s2], [sflag:$0x1] =	stream.linear.gather [hbm4b:s4+s2], $0x5000, $0x38;
	[tilespmem:$0x5570] =	vst v63  }
0x16: {  	_ =	swait.ge [sflag:s10], $0x5000  }
0x17: {  	[sflag:s10] =	ssyncset.done $0x0  }
0x18: {  	[sflag:s10] =	ssyncadd.s32 $0xFFFFB000  }
0x19: {  	[tilespmem:$0x5000] =	vst v0  }
0x1a: {  	[tilespmem:$0x5010] =	vst v0  }
0x1b: {  	[tilespmem:$0x5020] =	vst v0  }
0x1c: {  	[tilespmem:$0x5030] =	vst v0  }
0x1d: {  	[tilespmem:$0x5040] =	vst v0  }
0x1e: {  	[tilespmem:$0x5050] =	vst v0  }
0x1f: {  	[tilespmem:$0x5060] =	vst v0  }
0x20: {  	[tilespmem:$0x5070] =	vst v0  }
0x21: {  	s31 =	sadd.s32 $0x0, s8;
	[bflag:$0x0] =	sbarrier.arrive $0xFFFF  }
0x22: {  	[spmem:s1] =	stream.indirect.scatter.add.f32 [tilespmem:s12], [sflag:$0x1], $0x1, s31, s11, $0xb8;
	[tilespmem:$0x5570] =	vst v63  }
0x23: {  	s15 =	simm.s32 $0x200;
	_ =	swait.ge [sflag:s10], $0x80  }
.LBB2_2:
0x24: {  	s16 =	sshra.s32 s15, $0x2;
	[sflag:s10] =	ssyncset.done $0x0;
	p1 =	sne.s32 s15, $0x9E00  }
.Ltmp0:
0x25: {  	s16 =	sadd.s32 s16, s8;
	[sflag:s10] =	ssyncadd.s32 $0xFFFFFF80;
	(pc) =	sbr.rel @p1 .LBB2_2-.Ltmp0, $3  }
0x26: {  	[spmem:s1] =	stream.indirect.scatter.add.f32 [tilespmem:s12], [sflag:$0x1], $0x1, s16, s11, $0xb8;
	[tilespmem:$0x5570] =	vst v63  }
0x27: {  	s15 =	sadd.s32 $0x200, s15;
	_ =	sdelay $0x1  }
0x28: {  	_ =	swait.ge [sflag:s10], $0x80  }
0x29: {  	[sflag:s10] =	ssyncset.done $0x0  }
0x2a: {  	[sflag:s10] =	ssyncadd.s32 $0xFFFFFF80  }
0x2b: {  	[bflag:$0x0] =	sbarrier.arrive $0xFFFF  }
0x2c: {  	[tilespmem:s13], [sflag:$0x1] =	stream.linear.gather [spmem:s5], $0x278, $0x38;
	[tilespmem:$0x5570] =	vst v63  }
0x2d: {  	s14 =	sadd.s32 $0x1, s14;
	_ =	swait.ge [sflag:s10], $0x278  }
0x2e: {  	p1 =	sne.s32 s14, s7;
	[sflag:s10] =	ssyncset.done $0x0  }
.Ltmp1:
0x2f: {  	[sflag:s10] =	ssyncadd.s32 $0xFFFFFD88;
	(pc) =	sbr.rel @p1 .LBB2_1-.Ltmp1, $4  }
0x30: {  	[hbm4b:s6+s2] =	stream.linear.scatter [tilespmem:s13], [sflag:$0x1], $0x278, $0x38;
	[tilespmem:$0x5570] =	vst v63  }
0x31: {  	_ =	swait.ge [sflag:s10], $0x278  }
0x32: {  	[sflag:s10] =	ssyncset.done $0x0  }
0x33: {  	[sflag:s10] =	ssyncadd.s32 $0xFFFFFD88  }
0x34: {  	_ =	sfence.sel $0x180000  }
0x35: {  	[bflag:$0x0] =	sbarrier.arrive $0xFFFF  }
0x36: {  	_ =	strace $0x90000047  }
0x37: {  	s0 =	sadd.s32 @!p0 $0x100000, s0;
	[bflag:$0x2] =	sbarrier.arrive $0xFFFF  }
0x38: {  	[sflag:s0] =	ssyncadd.tile.s32 @!p0 $0x1;
	_ =	shalt  }
.Lfunc_end2:
_tile_overlayer_lowered:
.L_overlay_start_2:
0x39: {  	(tag) =	ssettag $0x2  }
0x3a: {  	s0 =	rddreg [dreg:$0x0];
	s2 =	stileid.u32  }
0x3b: {  	s1 =	rddreg [dreg:$0x1];
	p0 =	sne.s32 s2, $0x0  }
0x3c: {  	s3 =	rddreg [dreg:$0x2];
	[bflag:$0x3] =	sbarrier.arrive $0xFFFF;
	s2 =	simm.s32 @!p0 $0x1C01  }
0x3d: {  	[timem:s3], [sflag:s2] =	dma.local @!p0 [hbm:s0], s1  }
0x3e: {  	s0 =	simm.s32 @!p0 $0x1  }
0x3f: {  	_ =	swait.ge @!p0 [sflag:s0], s1  }
0x40: {  	s1 =	ssub.s32 @!p0 $0x0, s1;
	[sflag:s0] =	ssyncset.done @!p0 $0x0  }
0x41: {  	[sflag:s0] =	ssyncadd.s32 @!p0 s1  }
0x42: {  	[bflag:$0x3] =	sbarrier.arrive $0xFFFF  }
0x43: {  	_ =	shalt  }

</sc_bundles>
